<compile_context>
chip_gen: v7x
topology: tpu7x:2x2x1
jax: 0.10.2.dev20260603
libtpu: 0.0.44.dev20260713+nightly
codegen_flags: <defaults>
</compile_context>

<pallas_src>
import functools

import jax
import jax.numpy as jnp
from jax import lax
from jax.experimental import pallas as pl
from jax.experimental.pallas import tpu as pltpu
from jax.experimental.pallas import tpu_sc as plsc

H = 2048
W = 2048
BINS = 256
LANES = 16
NC = 2
NS = 16
NW = NC * NS
ROWS_W = H // NW
CROWS = 4
NCHUNK = ROWS_W // CROWS


def _hist_body(img_hbm, out_hbm, buf, hist_ln, sem0, sem1):
    cid = lax.axis_index("c")
    sid = lax.axis_index("s")
    wid = cid * NS + sid
    row0 = wid * ROWS_W

    zeros16 = jnp.zeros((LANES,), jnp.int32)
    ones16 = jnp.ones((LANES,), jnp.int32)
    lane_base = lax.iota(jnp.int32, LANES) * BINS

    @plsc.parallel_loop(0, LANES * BINS, step=LANES, unroll=8)
    def _zero(j):
        hist_ln[pl.ds(j, LANES)] = zeros16

    sems = (sem0, sem1)

    def start(k):
        return pltpu.async_copy(
            img_hbm.at[pl.ds(row0 + k * CROWS, CROWS), :],
            buf.at[k % 2], sems[k % 2])

    cp = start(0)
    for k in range(NCHUNK):
        b = k % 2
        nxt = start(k + 1) if k + 1 < NCHUNK else None
        cp.wait()

        @plsc.parallel_loop(0, CROWS * W, step=LANES, unroll=16)
        def _scat(off):
            v = buf[b, off >> 11, pl.ds(off & (W - 1), LANES)]
            plsc.addupdate_scatter(hist_ln, [lane_base | v], ones16)

        cp = nxt

    pltpu.sync_copy(hist_ln, out_hbm.at[wid])


@functools.cache
def _hist_sc():
    return pl.kernel(
        _hist_body,
        out_type=jax.ShapeDtypeStruct((NW, LANES * BINS), jnp.int32),
        mesh=plsc.VectorSubcoreMesh(core_axis_name="c", subcore_axis_name="s"),
        compiler_params=pltpu.CompilerParams(needs_layout_passes=False),
        scratch_types=[
            pltpu.VMEM((2, CROWS, W), jnp.int32),
            pltpu.VMEM((LANES * BINS,), jnp.int32),
            pltpu.SemaphoreType.DMA,
            pltpu.SemaphoreType.DMA,
        ],
    )


TILE = 1024


def _finish_body(part_ref, img_ref, thresh_ref, out_ref):
    step = pl.program_id(0)

    @pl.when(step == 0)
    def _():
        acc = part_ref[:, :BINS]
        for l in range(1, LANES):
            acc = acc + part_ref[:, l * BINS:(l + 1) * BINS]
        hist = jnp.sum(acc, axis=0, keepdims=True)
        vals = lax.broadcasted_iota(jnp.int32, (1, BINS), 1)
        fc = hist * vals
        rows = lax.broadcasted_iota(jnp.int32, (BINS, BINS), 0)
        cols = lax.broadcasted_iota(jnp.int32, (BINS, BINS), 1)
        mask = cols <= rows
        zero = jnp.zeros((BINS, BINS), jnp.int32)
        num_bk = jnp.sum(jnp.where(mask, hist, zero), axis=1,
                         keepdims=True)
        fc_bk = jnp.sum(jnp.where(mask, fc, zero), axis=1, keepdims=True)
        num_wh = jnp.sum(hist) - num_bk
        fc_wh = jnp.sum(fc) - fc_bk
        mean_bk = fc_bk / num_bk
        mean_wh = fc_wh / num_wh
        var = (num_bk.astype(jnp.float32) * num_wh.astype(jnp.float32)
               * (mean_bk - mean_wh) ** 2)
        var = jnp.where(jnp.isnan(var), jnp.float32(0), var)
        vmax = jnp.max(var)
        tidx = lax.broadcasted_iota(jnp.int32, (BINS, 1), 0)
        thresh_ref[0, 0] = jnp.min(
            jnp.where(var == vmax, tidx, jnp.int32(BINS)))

    t = thresh_ref[0, 0]
    out_ref[...] = jnp.where(img_ref[...] <= t, jnp.int32(0), jnp.int32(255))


_finish = pl.pallas_call(
    _finish_body,
    grid=(H // TILE,),
    in_specs=[
        pl.BlockSpec((NW, LANES * BINS), lambda i: (0, 0)),
        pl.BlockSpec((TILE, W), lambda i: (i, 0)),
    ],
    out_specs=[
        pl.BlockSpec(memory_space=pltpu.SMEM),
        pl.BlockSpec((TILE, W), lambda i: (i, 0)),
    ],
    out_shape=[
        jax.ShapeDtypeStruct((1, 1), jnp.int32),
        jax.ShapeDtypeStruct((H, W), jnp.int32),
    ],
    compiler_params=pltpu.CompilerParams(
        dimension_semantics=("arbitrary",)),
)


def kernel(img_HxW):
    partials = _hist_sc()(img_HxW)
    thresh2d, bin_img = _finish(partials, img_HxW)
    return thresh2d[0, 0], bin_img

# --- scband reference (transcript-rebuilt; emitter-appended) ---
"""Pipeline reference for scband-otsu-threshold-63127429317117 (READ-ONLY COPY).

The authoritative reference and input builder live on the scoring server;
editing this copy changes nothing except your own understanding.
"""

import jax, jax.numpy as jnp
import numpy as np

MIN_VAL = 0
MAX_VAL = 255
BINS = MAX_VAL - MIN_VAL + 1


def setup_inputs(seed: int = 0) -> dict:
    key = jax.random.key(seed)
    img_HxW = jax.random.randint(key, (2048, 2048), 0, 256, dtype=jnp.int32)
    return {"img_HxW": img_HxW}


def reference(img_HxW):
    # Histogram via scatter-add (memory-bound gather/scatter core)
    indices = img_HxW.reshape(-1).astype(jnp.int32)
    hist = jnp.zeros(BINS, dtype=jnp.int32).at[indices].add(jnp.ones_like(indices))
    vals = jnp.arange(MIN_VAL, MAX_VAL + 1, dtype=jnp.int32)
    hist_class = hist * vals
    mask_bk = jnp.tril(jnp.ones((BINS, BINS), dtype=jnp.int32))
    mask_wh = jnp.ones_like(mask_bk) - mask_bk
    fc_bk = hist_class * mask_bk
    hist_bk = hist * mask_bk
    fc_bk_sum = jnp.sum(fc_bk, axis=1)
    num_bk = jnp.sum(hist_bk, axis=1)
    mean_bk = fc_bk_sum / num_bk  # int/int -> float32, matches torch true-division
    fc_wh = hist_class * mask_wh
    hist_wh = hist * mask_wh
    fc_wh_sum = jnp.sum(fc_wh, axis=1)
    num_wh = jnp.sum(hist_wh, axis=1)
    mean_wh = fc_wh_sum / num_wh
    # promote counts to float before product (torch uses int64; jax default lacks x64)
    var_hist = num_bk.astype(jnp.float32) * num_wh.astype(jnp.float32) * (mean_bk - mean_wh) ** 2
    var_hist = jnp.where(jnp.isnan(var_hist), jnp.float32(0), var_hist)
    thresh = jnp.argmax(var_hist)
    bin_img = jnp.where(img_HxW <= thresh.astype(img_HxW.dtype),
                        jnp.int32(MIN_VAL), jnp.int32(MAX_VAL))
    return (thresh, bin_img)

if __name__ == "__main__":
    import jax
    _d = setup_inputs()
    print(jax.jit(kernel)(*tuple(_d.values())))

</pallas_src>

<mosaic_0001>
#map = affine_map<(d0, d1) -> (0, 0)>
module attributes {stable_mosaic.version = 14 : i64} {
  func.func @_hist_body(%arg0: i32, %arg1: i32, %arg2: memref<2048x2048xi32, #tpu.memory_space<hbm>>, %arg3: memref<32x4096xi32, #tpu.memory_space<hbm>>, %arg4: memref<2x4x2048xi32, #tpu.memory_space<vmem>>, %arg5: memref<4096xi32, #tpu.memory_space<vmem>>, %arg6: memref<!tpu.dma_semaphore, #tpu.memory_space<semaphore_mem>>, %arg7: memref<!tpu.dma_semaphore, #tpu.memory_space<semaphore_mem>>) attributes {dimension_semantics = [#tpu.dimension_semantics<core_parallel>, #tpu.dimension_semantics<subcore_parallel>], iteration_bounds = array<i64: 2, 16>, scalar_prefetch = 0 : i64, scratch_operands = 4 : i64, tpu.core_type = #tpu.core_type<sc_vector_subcore>, window_params = [{transform_indices = #map}, {transform_indices = #map}]} {
    %mul3A = arith.constant 16 : i32
    %mul3A_0 = arith.muli %arg0, %mul3A : i32
    %add3A = arith.addi %mul3A_0, %arg1 : i32
    %mul3A_1 = arith.constant 64 : i32
    %mul3A_2 = arith.muli %add3A, %mul3A_1 : i32
    %broadcast_in_dim3A = arith.constant 0 : i32
    %broadcast_in_dim3A_3 = vector.broadcast %broadcast_in_dim3A : i32 to vector<16xi32>
    %broadcast_in_dim3A_4 = arith.constant 1 : i32
    %broadcast_in_dim3A_5 = vector.broadcast %broadcast_in_dim3A_4 : i32 to vector<16xi32>
    %iota3A = tpu.iota {dimensions = array<i32: 0>} : vector<16xi32>
    %mul3A_6 = arith.constant 256 : i32
    %mul3A_7 = vector.broadcast %mul3A_6 : i32 to vector<16xi32>
    %mul3A_8 = arith.muli %iota3A, %mul3A_7 : vector<16xi32>
    %parallel_loop3A = arith.constant 0 : i32
    %parallel_loop3A_9 = arith.constant 4096 : i32
    %parallel_loop3A_10 = arith.constant 16 : i32
    scf.for %parallel_loop3A_505 = %parallel_loop3A to %parallel_loop3A_9 step %parallel_loop3A_10  : i32 {
      %parallel_loop3A_506 = arith.index_cast %parallel_loop3A_505 : i32 to index
      %parallel_loop3A_507 = tpu.vector_load %arg5[%parallel_loop3A_506] {strides = array<i32>} : memref<4096xi32, #tpu.memory_space<vmem>>, vector<16xi32>,
      tpu.vector_store %arg5[%parallel_loop3A_506], %broadcast_in_dim3A_3 {strides = array<i32>} : memref<4096xi32, #tpu.memory_space<vmem>>, vector<16xi32>,
    } {sc.loop_unroll_factor = 8 : i64, sc.parallel_access}
    %add3A_11 = arith.constant 0 : i32
    %add3A_12 = arith.addi %mul3A_2, %add3A_11 : i32
    %dma_start3A = arith.constant 0 : i32
    %dma_start3A_13 = arith.constant 0 : i32
    %dma_start3A_14 = arith.constant 0 : i32
    %dma_start3A_15 = tpu.memref_slice %arg4[%dma_start3A, %dma_start3A_13, %dma_start3A_14] : memref<2x4x2048xi32, #tpu.memory_space<vmem>> -> memref<1x4x2048xi32, #tpu.memory_space<vmem>>
    %dma_start3A_16 = tpu.memref_squeeze %dma_start3A_15 : memref<1x4x2048xi32, #tpu.memory_space<vmem>> -> memref<4x2048xi32, #tpu.memory_space<vmem>>
    %dma_start3A_17 = arith.constant 0 : i32
    %dma_start3A_18 = tpu.memref_slice %arg2[%add3A_12, %dma_start3A_17] : memref<2048x2048xi32, #tpu.memory_space<hbm>> -> memref<4x2048xi32, #tpu.memory_space<hbm>>
    %dma_start3A_19 = arith.constant 0 : i32
    %dma_start3A_20 = arith.constant 0 : i32
    %dma_start3A_21 = tpu.memref_slice %arg4[%dma_start3A, %dma_start3A_19, %dma_start3A_20] : memref<2x4x2048xi32, #tpu.memory_space<vmem>> -> memref<1x4x2048xi32, #tpu.memory_space<vmem>>
    %dma_start3A_22 = tpu.memref_squeeze %dma_start3A_21 : memref<1x4x2048xi32, #tpu.memory_space<vmem>> -> memref<4x2048xi32, #tpu.memory_space<vmem>>
    %dma_start3A_23 = arith.constant 0 : i32
    %dma_start3A_24 = tpu.memref_slice %arg2[%add3A_12, %dma_start3A_23] : memref<2048x2048xi32, #tpu.memory_space<hbm>> -> memref<4x2048xi32, #tpu.memory_space<hbm>>
    tpu.enqueue_dma source(%dma_start3A_24 : memref<4x2048xi32, #tpu.memory_space<hbm>>) target(%dma_start3A_22 : memref<4x2048xi32, #tpu.memory_space<vmem>>) target_semaphore(%arg6 : memref<!tpu.dma_semaphore, #tpu.memory_space<semaphore_mem>>)
    %add3A_25 = arith.constant 4 : i32
    %add3A_26 = arith.addi %mul3A_2, %add3A_25 : i32
    %dma_start3A_27 = arith.constant 1 : i32
    %dma_start3A_28 = arith.constant 0 : i32
    %dma_start3A_29 = arith.constant 0 : i32
    %dma_start3A_30 = tpu.memref_slice %arg4[%dma_start3A_27, %dma_start3A_28, %dma_start3A_29] : memref<2x4x2048xi32, #tpu.memory_space<vmem>> -> memref<1x4x2048xi32, #tpu.memory_space<vmem>>
    %dma_start3A_31 = tpu.memref_squeeze %dma_start3A_30 : memref<1x4x2048xi32, #tpu.memory_space<vmem>> -> memref<4x2048xi32, #tpu.memory_space<vmem>>
    %dma_start3A_32 = arith.constant 0 : i32
    %dma_start3A_33 = tpu.memref_slice %arg2[%add3A_26, %dma_start3A_32] : memref<2048x2048xi32, #tpu.memory_space<hbm>> -> memref<4x2048xi32, #tpu.memory_space<hbm>>
    %dma_start3A_34 = arith.constant 0 : i32
    %dma_start3A_35 = arith.constant 0 : i32
    %dma_start3A_36 = tpu.memref_slice %arg4[%dma_start3A_27, %dma_start3A_34, %dma_start3A_35] : memref<2x4x2048xi32, #tpu.memory_space<vmem>> -> memref<1x4x2048xi32, #tpu.memory_space<vmem>>
    %dma_start3A_37 = tpu.memref_squeeze %dma_start3A_36 : memref<1x4x2048xi32, #tpu.memory_space<vmem>> -> memref<4x2048xi32, #tpu.memory_space<vmem>>
    %dma_start3A_38 = arith.constant 0 : i32
    %dma_start3A_39 = tpu.memref_slice %arg2[%add3A_26, %dma_start3A_38] : memref<2048x2048xi32, #tpu.memory_space<hbm>> -> memref<4x2048xi32, #tpu.memory_space<hbm>>
    tpu.enqueue_dma source(%dma_start3A_39 : memref<4x2048xi32, #tpu.memory_space<hbm>>) target(%dma_start3A_37 : memref<4x2048xi32, #tpu.memory_space<vmem>>) target_semaphore(%arg7 : memref<!tpu.dma_semaphore, #tpu.memory_space<semaphore_mem>>)
    %dma_wait3A = arith.constant 0 : i32
    %dma_wait3A_40 = arith.constant 0 : i32
    %dma_wait3A_41 = arith.constant 0 : i32
    %dma_wait3A_42 = tpu.memref_slice %arg4[%dma_wait3A, %dma_wait3A_40, %dma_wait3A_41] : memref<2x4x2048xi32, #tpu.memory_space<vmem>> -> memref<1x4x2048xi32, #tpu.memory_space<vmem>>
    %dma_wait3A_43 = tpu.memref_squeeze %dma_wait3A_42 : memref<1x4x2048xi32, #tpu.memory_space<vmem>> -> memref<4x2048xi32, #tpu.memory_space<vmem>>
    %dma_wait3A_44 = arith.constant 0 : i32
    %dma_wait3A_45 = tpu.memref_slice %arg2[%add3A_12, %dma_wait3A_44] : memref<2048x2048xi32, #tpu.memory_space<hbm>> -> memref<4x2048xi32, #tpu.memory_space<hbm>>
    %dma_wait3A_46 = arith.constant 0 : i32
    %dma_wait3A_47 = arith.constant 0 : i32
    %dma_wait3A_48 = tpu.memref_slice %arg4[%dma_wait3A, %dma_wait3A_46, %dma_wait3A_47] : memref<2x4x2048xi32, #tpu.memory_space<vmem>> -> memref<1x4x2048xi32, #tpu.memory_space<vmem>>
    %dma_wait3A_49 = tpu.memref_squeeze %dma_wait3A_48 : memref<1x4x2048xi32, #tpu.memory_space<vmem>> -> memref<4x2048xi32, #tpu.memory_space<vmem>>
    %dma_wait3A_50 = arith.constant 0 : i32
    %dma_wait3A_51 = tpu.memref_slice %arg2[%add3A_12, %dma_wait3A_50] : memref<2048x2048xi32, #tpu.memory_space<hbm>> -> memref<4x2048xi32, #tpu.memory_space<hbm>>
    tpu.wait_dma2 semaphore(%arg6 : memref<!tpu.dma_semaphore, #tpu.memory_space<semaphore_mem>>) src(%dma_wait3A_51 : memref<4x2048xi32, #tpu.memory_space<hbm>>) dst(%dma_wait3A_49 : memref<4x2048xi32, #tpu.memory_space<vmem>>)
    %parallel_loop3A_52 = arith.constant 0 : i32
    %parallel_loop3A_53 = arith.constant 8192 : i32
    %parallel_loop3A_54 = arith.constant 16 : i32
    scf.for %parallel_loop3A_505 = %parallel_loop3A_52 to %parallel_loop3A_53 step %parallel_loop3A_54  : i32 {
      %parallel_loop3A_506 = arith.constant 11 : i32
      %parallel_loop3A_507 = arith.shrsi %parallel_loop3A_505, %parallel_loop3A_506 : i32
      %parallel_loop3A_508 = arith.constant 2047 : i32
      %parallel_loop3A_509 = arith.andi %parallel_loop3A_505, %parallel_loop3A_508 : i32
      %parallel_loop3A_510 = arith.constant 0 : i32
      %parallel_loop3A_511 = arith.index_cast %parallel_loop3A_510 : i32 to index
      %parallel_loop3A_512 = arith.index_cast %parallel_loop3A_507 : i32 to index
      %parallel_loop3A_513 = arith.index_cast %parallel_loop3A_509 : i32 to index
      %parallel_loop3A_514 = tpu.vector_load %arg4[%parallel_loop3A_511, %parallel_loop3A_512, %parallel_loop3A_513] {strides = array<i32>} : memref<2x4x2048xi32, #tpu.memory_space<vmem>>, vector<16xi32>,
      %parallel_loop3A_515 = arith.ori %mul3A_8, %parallel_loop3A_514 : vector<16xi32>
      tpu.vector_store_idx %arg5[%parallel_loop3A_515], %broadcast_in_dim3A_5 {add = true} : memref<4096xi32, #tpu.memory_space<vmem>>[vector<16xi32>], vector<16xi32>,
    } {sc.loop_unroll_factor = 16 : i64, sc.parallel_access}
    %add3A_55 = arith.constant 8 : i32
    %add3A_56 = arith.addi %mul3A_2, %add3A_55 : i32
    %dma_start3A_57 = arith.constant 0 : i32
    %dma_start3A_58 = arith.constant 0 : i32
    %dma_start3A_59 = arith.constant 0 : i32
    %dma_start3A_60 = tpu.memref_slice %arg4[%dma_start3A_57, %dma_start3A_58, %dma_start3A_59] : memref<2x4x2048xi32, #tpu.memory_space<vmem>> -> memref<1x4x2048xi32, #tpu.memory_space<vmem>>
    %dma_start3A_61 = tpu.memref_squeeze %dma_start3A_60 : memref<1x4x2048xi32, #tpu.memory_space<vmem>> -> memref<4x2048xi32, #tpu.memory_space<vmem>>
    %dma_start3A_62 = arith.constant 0 : i32
    %dma_start3A_63 = tpu.memref_slice %arg2[%add3A_56, %dma_start3A_62] : memref<2048x2048xi32, #tpu.memory_space<hbm>> -> memref<4x2048xi32, #tpu.memory_space<hbm>>
    %dma_start3A_64 = arith.constant 0 : i32
    %dma_start3A_65 = arith.constant 0 : i32
    %dma_start3A_66 = tpu.memref_slice %arg4[%dma_start3A_57, %dma_start3A_64, %dma_start3A_65] : memref<2x4x2048xi32, #tpu.memory_space<vmem>> -> memref<1x4x2048xi32, #tpu.memory_space<vmem>>
    %dma_start3A_67 = tpu.memref_squeeze %dma_start3A_66 : memref<1x4x2048xi32, #tpu.memory_space<vmem>> -> memref<4x2048xi32, #tpu.memory_space<vmem>>
    %dma_start3A_68 = arith.constant 0 : i32
    %dma_start3A_69 = tpu.memref_slice %arg2[%add3A_56, %dma_start3A_68] : memref<2048x2048xi32, #tpu.memory_space<hbm>> -> memref<4x2048xi32, #tpu.memory_space<hbm>>
    tpu.enqueue_dma source(%dma_start3A_69 : memref<4x2048xi32, #tpu.memory_space<hbm>>) target(%dma_start3A_67 : memref<4x2048xi32, #tpu.memory_space<vmem>>) target_semaphore(%arg6 : memref<!tpu.dma_semaphore, #tpu.memory_space<semaphore_mem>>)
    %dma_wait3A_70 = arith.constant 1 : i32
    %dma_wait3A_71 = arith.constant 0 : i32
    %dma_wait3A_72 = arith.constant 0 : i32
    %dma_wait3A_73 = tpu.memref_slice %arg4[%dma_wait3A_70, %dma_wait3A_71, %dma_wait3A_72] : memref<2x4x2048xi32, #tpu.memory_space<vmem>> -> memref<1x4x2048xi32, #tpu.memory_space<vmem>>
    %dma_wait3A_74 = tpu.memref_squeeze %dma_wait3A_73 : memref<1x4x2048xi32, #tpu.memory_space<vmem>> -> memref<4x2048xi32, #tpu.memory_space<vmem>>
    %dma_wait3A_75 = arith.constant 0 : i32
    %dma_wait3A_76 = tpu.memref_slice %arg2[%add3A_26, %dma_wait3A_75] : memref<2048x2048xi32, #tpu.memory_space<hbm>> -> memref<4x2048xi32, #tpu.memory_space<hbm>>
    %dma_wait3A_77 = arith.constant 0 : i32
    %dma_wait3A_78 = arith.constant 0 : i32
    %dma_wait3A_79 = tpu.memref_slice %arg4[%dma_wait3A_70, %dma_wait3A_77, %dma_wait3A_78] : memref<2x4x2048xi32, #tpu.memory_space<vmem>> -> memref<1x4x2048xi32, #tpu.memory_space<vmem>>
    %dma_wait3A_80 = tpu.memref_squeeze %dma_wait3A_79 : memref<1x4x2048xi32, #tpu.memory_space<vmem>> -> memref<4x2048xi32, #tpu.memory_space<vmem>>
    %dma_wait3A_81 = arith.constant 0 : i32
    %dma_wait3A_82 = tpu.memref_slice %arg2[%add3A_26, %dma_wait3A_81] : memref<2048x2048xi32, #tpu.memory_space<hbm>> -> memref<4x2048xi32, #tpu.memory_space<hbm>>
    tpu.wait_dma2 semaphore(%arg7 : memref<!tpu.dma_semaphore, #tpu.memory_space<semaphore_mem>>) src(%dma_wait3A_82 : memref<4x2048xi32, #tpu.memory_space<hbm>>) dst(%dma_wait3A_80 : memref<4x2048xi32, #tpu.memory_space<vmem>>)
    %parallel_loop3A_83 = arith.constant 0 : i32
    %parallel_loop3A_84 = arith.constant 8192 : i32
    %parallel_loop3A_85 = arith.constant 16 : i32
    scf.for %parallel_loop3A_505 = %parallel_loop3A_83 to %parallel_loop3A_84 step %parallel_loop3A_85  : i32 {
      %parallel_loop3A_506 = arith.constant 11 : i32
      %parallel_loop3A_507 = arith.shrsi %parallel_loop3A_505, %parallel_loop3A_506 : i32
      %parallel_loop3A_508 = arith.constant 2047 : i32
      %parallel_loop3A_509 = arith.andi %parallel_loop3A_505, %parallel_loop3A_508 : i32
      %parallel_loop3A_510 = arith.constant 1 : i32
      %parallel_loop3A_511 = arith.index_cast %parallel_loop3A_510 : i32 to index
      %parallel_loop3A_512 = arith.index_cast %parallel_loop3A_507 : i32 to index
      %parallel_loop3A_513 = arith.index_cast %parallel_loop3A_509 : i32 to index
      %parallel_loop3A_514 = tpu.vector_load %arg4[%parallel_loop3A_511, %parallel_loop3A_512, %parallel_loop3A_513] {strides = array<i32>} : memref<2x4x2048xi32, #tpu.memory_space<vmem>>, vector<16xi32>,
      %parallel_loop3A_515 = arith.ori %mul3A_8, %parallel_loop3A_514 : vector<16xi32>
      tpu.vector_store_idx %arg5[%parallel_loop3A_515], %broadcast_in_dim3A_5 {add = true} : memref<4096xi32, #tpu.memory_space<vmem>>[vector<16xi32>], vector<16xi32>,
    } {sc.loop_unroll_factor = 16 : i64, sc.parallel_access}
    %add3A_86 = arith.constant 12 : i32
    %add3A_87 = arith.addi %mul3A_2, %add3A_86 : i32
    %dma_start3A_88 = arith.constant 1 : i32
    %dma_start3A_89 = arith.constant 0 : i32
    %dma_start3A_90 = arith.constant 0 : i32
    %dma_start3A_91 = tpu.memref_slice %arg4[%dma_start3A_88, %dma_start3A_89, %dma_start3A_90] : memref<2x4x2048xi32, #tpu.memory_space<vmem>> -> memref<1x4x2048xi32, #tpu.memory_space<vmem>>
    %dma_start3A_92 = tpu.memref_squeeze %dma_start3A_91 : memref<1x4x2048xi32, #tpu.memory_space<vmem>> -> memref<4x2048xi32, #tpu.memory_space<vmem>>
    %dma_start3A_93 = arith.constant 0 : i32
    %dma_start3A_94 = tpu.memref_slice %arg2[%add3A_87, %dma_start3A_93] : memref<2048x2048xi32, #tpu.memory_space<hbm>> -> memref<4x2048xi32, #tpu.memory_space<hbm>>
    %dma_start3A_95 = arith.constant 0 : i32
    %dma_start3A_96 = arith.constant 0 : i32
    %dma_start3A_97 = tpu.memref_slice %arg4[%dma_start3A_88, %dma_start3A_95, %dma_start3A_96] : memref<2x4x2048xi32, #tpu.memory_space<vmem>> -> memref<1x4x2048xi32, #tpu.memory_space<vmem>>
    %dma_start3A_98 = tpu.memref_squeeze %dma_start3A_97 : memref<1x4x2048xi32, #tpu.memory_space<vmem>> -> memref<4x2048xi32, #tpu.memory_space<vmem>>
    %dma_start3A_99 = arith.constant 0 : i32
    %dma_start3A_100 = tpu.memref_slice %arg2[%add3A_87, %dma_start3A_99] : memref<2048x2048xi32, #tpu.memory_space<hbm>> -> memref<4x2048xi32, #tpu.memory_space<hbm>>
    tpu.enqueue_dma source(%dma_start3A_100 : memref<4x2048xi32, #tpu.memory_space<hbm>>) target(%dma_start3A_98 : memref<4x2048xi32, #tpu.memory_space<vmem>>) target_semaphore(%arg7 : memref<!tpu.dma_semaphore, #tpu.memory_space<semaphore_mem>>)
    %dma_wait3A_101 = arith.constant 0 : i32
    %dma_wait3A_102 = arith.constant 0 : i32
    %dma_wait3A_103 = arith.constant 0 : i32
    %dma_wait3A_104 = tpu.memref_slice %arg4[%dma_wait3A_101, %dma_wait3A_102, %dma_wait3A_103] : memref<2x4x2048xi32, #tpu.memory_space<vmem>> -> memref<1x4x2048xi32, #tpu.memory_space<vmem>>
    %dma_wait3A_105 = tpu.memref_squeeze %dma_wait3A_104 : memref<1x4x2048xi32, #tpu.memory_space<vmem>> -> memref<4x2048xi32, #tpu.memory_space<vmem>>
    %dma_wait3A_106 = arith.constant 0 : i32
    %dma_wait3A_107 = tpu.memref_slice %arg2[%add3A_56, %dma_wait3A_106] : memref<2048x2048xi32, #tpu.memory_space<hbm>> -> memref<4x2048xi32, #tpu.memory_space<hbm>>
    %dma_wait3A_108 = arith.constant 0 : i32
    %dma_wait3A_109 = arith.constant 0 : i32
    %dma_wait3A_110 = tpu.memref_slice %arg4[%dma_wait3A_101, %dma_wait3A_108, %dma_wait3A_109] : memref<2x4x2048xi32, #tpu.memory_space<vmem>> -> memref<1x4x2048xi32, #tpu.memory_space<vmem>>
    %dma_wait3A_111 = tpu.memref_squeeze %dma_wait3A_110 : memref<1x4x2048xi32, #tpu.memory_space<vmem>> -> memref<4x2048xi32, #tpu.memory_space<vmem>>
    %dma_wait3A_112 = arith.constant 0 : i32
    %dma_wait3A_113 = tpu.memref_slice %arg2[%add3A_56, %dma_wait3A_112] : memref<2048x2048xi32, #tpu.memory_space<hbm>> -> memref<4x2048xi32, #tpu.memory_space<hbm>>
    tpu.wait_dma2 semaphore(%arg6 : memref<!tpu.dma_semaphore, #tpu.memory_space<semaphore_mem>>) src(%dma_wait3A_113 : memref<4x2048xi32, #tpu.memory_space<hbm>>) dst(%dma_wait3A_111 : memref<4x2048xi32, #tpu.memory_space<vmem>>)
    %parallel_loop3A_114 = arith.constant 0 : i32
    %parallel_loop3A_115 = arith.constant 8192 : i32
    %parallel_loop3A_116 = arith.constant 16 : i32
    scf.for %parallel_loop3A_505 = %parallel_loop3A_114 to %parallel_loop3A_115 step %parallel_loop3A_116  : i32 {
      %parallel_loop3A_506 = arith.constant 11 : i32
      %parallel_loop3A_507 = arith.shrsi %parallel_loop3A_505, %parallel_loop3A_506 : i32
      %parallel_loop3A_508 = arith.constant 2047 : i32
      %parallel_loop3A_509 = arith.andi %parallel_loop3A_505, %parallel_loop3A_508 : i32
      %parallel_loop3A_510 = arith.constant 0 : i32
      %parallel_loop3A_511 = arith.index_cast %parallel_loop3A_510 : i32 to index
      %parallel_loop3A_512 = arith.index_cast %parallel_loop3A_507 : i32 to index
      %parallel_loop3A_513 = arith.index_cast %parallel_loop3A_509 : i32 to index
      %parallel_loop3A_514 = tpu.vector_load %arg4[%parallel_loop3A_511, %parallel_loop3A_512, %parallel_loop3A_513] {strides = array<i32>} : memref<2x4x2048xi32, #tpu.memory_space<vmem>>, vector<16xi32>,
      %parallel_loop3A_515 = arith.ori %mul3A_8, %parallel_loop3A_514 : vector<16xi32>
      tpu.vector_store_idx %arg5[%parallel_loop3A_515], %broadcast_in_dim3A_5 {add = true} : memref<4096xi32, #tpu.memory_space<vmem>>[vector<16xi32>], vector<16xi32>,
    } {sc.loop_unroll_factor = 16 : i64, sc.parallel_access}
    %add3A_117 = arith.constant 16 : i32
    %add3A_118 = arith.addi %mul3A_2, %add3A_117 : i32
    %dma_start3A_119 = arith.constant 0 : i32
    %dma_start3A_120 = arith.constant 0 : i32
    %dma_start3A_121 = arith.constant 0 : i32
    %dma_start3A_122 = tpu.memref_slice %arg4[%dma_start3A_119, %dma_start3A_120, %dma_start3A_121] : memref<2x4x2048xi32, #tpu.memory_space<vmem>> -> memref<1x4x2048xi32, #tpu.memory_space<vmem>>
    %dma_start3A_123 = tpu.memref_squeeze %dma_start3A_122 : memref<1x4x2048xi32, #tpu.memory_space<vmem>> -> memref<4x2048xi32, #tpu.memory_space<vmem>>
    %dma_start3A_124 = arith.constant 0 : i32
    %dma_start3A_125 = tpu.memref_slice %arg2[%add3A_118, %dma_start3A_124] : memref<2048x2048xi32, #tpu.memory_space<hbm>> -> memref<4x2048xi32, #tpu.memory_space<hbm>>
    %dma_start3A_126 = arith.constant 0 : i32
    %dma_start3A_127 = arith.constant 0 : i32
    %dma_start3A_128 = tpu.memref_slice %arg4[%dma_start3A_119, %dma_start3A_126, %dma_start3A_127] : memref<2x4x2048xi32, #tpu.memory_space<vmem>> -> memref<1x4x2048xi32, #tpu.memory_space<vmem>>
    %dma_start3A_129 = tpu.memref_squeeze %dma_start3A_128 : memref<1x4x2048xi32, #tpu.memory_space<vmem>> -> memref<4x2048xi32, #tpu.memory_space<vmem>>
    %dma_start3A_130 = arith.constant 0 : i32
    %dma_start3A_131 = tpu.memref_slice %arg2[%add3A_118, %dma_start3A_130] : memref<2048x2048xi32, #tpu.memory_space<hbm>> -> memref<4x2048xi32, #tpu.memory_space<hbm>>
    tpu.enqueue_dma source(%dma_start3A_131 : memref<4x2048xi32, #tpu.memory_space<hbm>>) target(%dma_start3A_129 : memref<4x2048xi32, #tpu.memory_space<vmem>>) target_semaphore(%arg6 : memref<!tpu.dma_semaphore, #tpu.memory_space<semaphore_mem>>)
    %dma_wait3A_132 = arith.constant 1 : i32
    %dma_wait3A_133 = arith.constant 0 : i32
    %dma_wait3A_134 = arith.constant 0 : i32
    %dma_wait3A_135 = tpu.memref_slice %arg4[%dma_wait3A_132, %dma_wait3A_133, %dma_wait3A_134] : memref<2x4x2048xi32, #tpu.memory_space<vmem>> -> memref<1x4x2048xi32, #tpu.memory_space<vmem>>
    %dma_wait3A_136 = tpu.memref_squeeze %dma_wait3A_135 : memref<1x4x2048xi32, #tpu.memory_space<vmem>> -> memref<4x2048xi32, #tpu.memory_space<vmem>>
    %dma_wait3A_137 = arith.constant 0 : i32
    %dma_wait3A_138 = tpu.memref_slice %arg2[%add3A_87, %dma_wait3A_137] : memref<2048x2048xi32, #tpu.memory_space<hbm>> -> memref<4x2048xi32, #tpu.memory_space<hbm>>
    %dma_wait3A_139 = arith.constant 0 : i32
    %dma_wait3A_140 = arith.constant 0 : i32
    %dma_wait3A_141 = tpu.memref_slice %arg4[%dma_wait3A_132, %dma_wait3A_139, %dma_wait3A_140] : memref<2x4x2048xi32, #tpu.memory_space<vmem>> -> memref<1x4x2048xi32, #tpu.memory_space<vmem>>
    %dma_wait3A_142 = tpu.memref_squeeze %dma_wait3A_141 : memref<1x4x2048xi32, #tpu.memory_space<vmem>> -> memref<4x2048xi32, #tpu.memory_space<vmem>>
    %dma_wait3A_143 = arith.constant 0 : i32
    %dma_wait3A_144 = tpu.memref_slice %arg2[%add3A_87, %dma_wait3A_143] : memref<2048x2048xi32, #tpu.memory_space<hbm>> -> memref<4x2048xi32, #tpu.memory_space<hbm>>
    tpu.wait_dma2 semaphore(%arg7 : memref<!tpu.dma_semaphore, #tpu.memory_space<semaphore_mem>>) src(%dma_wait3A_144 : memref<4x2048xi32, #tpu.memory_space<hbm>>) dst(%dma_wait3A_142 : memref<4x2048xi32, #tpu.memory_space<vmem>>)
    %parallel_loop3A_145 = arith.constant 0 : i32
    %parallel_loop3A_146 = arith.constant 8192 : i32
    %parallel_loop3A_147 = arith.constant 16 : i32
    scf.for %parallel_loop3A_505 = %parallel_loop3A_145 to %parallel_loop3A_146 step %parallel_loop3A_147  : i32 {
      %parallel_loop3A_506 = arith.constant 11 : i32
      %parallel_loop3A_507 = arith.shrsi %parallel_loop3A_505, %parallel_loop3A_506 : i32
      %parallel_loop3A_508 = arith.constant 2047 : i32
      %parallel_loop3A_509 = arith.andi %parallel_loop3A_505, %parallel_loop3A_508 : i32
      %parallel_loop3A_510 = arith.constant 1 : i32
      %parallel_loop3A_511 = arith.index_cast %parallel_loop3A_510 : i32 to index
      %parallel_loop3A_512 = arith.index_cast %parallel_loop3A_507 : i32 to index
      %parallel_loop3A_513 = arith.index_cast %parallel_loop3A_509 : i32 to index
      %parallel_loop3A_514 = tpu.vector_load %arg4[%parallel_loop3A_511, %parallel_loop3A_512, %parallel_loop3A_513] {strides = array<i32>} : memref<2x4x2048xi32, #tpu.memory_space<vmem>>, vector<16xi32>,
      %parallel_loop3A_515 = arith.ori %mul3A_8, %parallel_loop3A_514 : vector<16xi32>
      tpu.vector_store_idx %arg5[%parallel_loop3A_515], %broadcast_in_dim3A_5 {add = true} : memref<4096xi32, #tpu.memory_space<vmem>>[vector<16xi32>], vector<16xi32>,
    } {sc.loop_unroll_factor = 16 : i64, sc.parallel_access}
    %add3A_148 = arith.constant 20 : i32
    %add3A_149 = arith.addi %mul3A_2, %add3A_148 : i32
    %dma_start3A_150 = arith.constant 1 : i32
    %dma_start3A_151 = arith.constant 0 : i32
    %dma_start3A_152 = arith.constant 0 : i32
    %dma_start3A_153 = tpu.memref_slice %arg4[%dma_start3A_150, %dma_start3A_151, %dma_start3A_152] : memref<2x4x2048xi32, #tpu.memory_space<vmem>> -> memref<1x4x2048xi32, #tpu.memory_space<vmem>>
    %dma_start3A_154 = tpu.memref_squeeze %dma_start3A_153 : memref<1x4x2048xi32, #tpu.memory_space<vmem>> -> memref<4x2048xi32, #tpu.memory_space<vmem>>
    %dma_start3A_155 = arith.constant 0 : i32
    %dma_start3A_156 = tpu.memref_slice %arg2[%add3A_149, %dma_start3A_155] : memref<2048x2048xi32, #tpu.memory_space<hbm>> -> memref<4x2048xi32, #tpu.memory_space<hbm>>
    %dma_start3A_157 = arith.constant 0 : i32
    %dma_start3A_158 = arith.constant 0 : i32
    %dma_start3A_159 = tpu.memref_slice %arg4[%dma_start3A_150, %dma_start3A_157, %dma_start3A_158] : memref<2x4x2048xi32, #tpu.memory_space<vmem>> -> memref<1x4x2048xi32, #tpu.memory_space<vmem>>
    %dma_start3A_160 = tpu.memref_squeeze %dma_start3A_159 : memref<1x4x2048xi32, #tpu.memory_space<vmem>> -> memref<4x2048xi32, #tpu.memory_space<vmem>>
    %dma_start3A_161 = arith.constant 0 : i32
    %dma_start3A_162 = tpu.memref_slice %arg2[%add3A_149, %dma_start3A_161] : memref<2048x2048xi32, #tpu.memory_space<hbm>> -> memref<4x2048xi32, #tpu.memory_space<hbm>>
    tpu.enqueue_dma source(%dma_start3A_162 : memref<4x2048xi32, #tpu.memory_space<hbm>>) target(%dma_start3A_160 : memref<4x2048xi32, #tpu.memory_space<vmem>>) target_semaphore(%arg7 : memref<!tpu.dma_semaphore, #tpu.memory_space<semaphore_mem>>)
    %dma_wait3A_163 = arith.constant 0 : i32
    %dma_wait3A_164 = arith.constant 0 : i32
    %dma_wait3A_165 = arith.constant 0 : i32
    %dma_wait3A_166 = tpu.memref_slice %arg4[%dma_wait3A_163, %dma_wait3A_164, %dma_wait3A_165] : memref<2x4x2048xi32, #tpu.memory_space<vmem>> -> memref<1x4x2048xi32, #tpu.memory_space<vmem>>
    %dma_wait3A_167 = tpu.memref_squeeze %dma_wait3A_166 : memref<1x4x2048xi32, #tpu.memory_space<vmem>> -> memref<4x2048xi32, #tpu.memory_space<vmem>>
    %dma_wait3A_168 = arith.constant 0 : i32
    %dma_wait3A_169 = tpu.memref_slice %arg2[%add3A_118, %dma_wait3A_168] : memref<2048x2048xi32, #tpu.memory_space<hbm>> -> memref<4x2048xi32, #tpu.memory_space<hbm>>
    %dma_wait3A_170 = arith.constant 0 : i32
    %dma_wait3A_171 = arith.constant 0 : i32
    %dma_wait3A_172 = tpu.memref_slice %arg4[%dma_wait3A_163, %dma_wait3A_170, %dma_wait3A_171] : memref<2x4x2048xi32, #tpu.memory_space<vmem>> -> memref<1x4x2048xi32, #tpu.memory_space<vmem>>
    %dma_wait3A_173 = tpu.memref_squeeze %dma_wait3A_172 : memref<1x4x2048xi32, #tpu.memory_space<vmem>> -> memref<4x2048xi32, #tpu.memory_space<vmem>>
    %dma_wait3A_174 = arith.constant 0 : i32
    %dma_wait3A_175 = tpu.memref_slice %arg2[%add3A_118, %dma_wait3A_174] : memref<2048x2048xi32, #tpu.memory_space<hbm>> -> memref<4x2048xi32, #tpu.memory_space<hbm>>
    tpu.wait_dma2 semaphore(%arg6 : memref<!tpu.dma_semaphore, #tpu.memory_space<semaphore_mem>>) src(%dma_wait3A_175 : memref<4x2048xi32, #tpu.memory_space<hbm>>) dst(%dma_wait3A_173 : memref<4x2048xi32, #tpu.memory_space<vmem>>)
    %parallel_loop3A_176 = arith.constant 0 : i32
    %parallel_loop3A_177 = arith.constant 8192 : i32
    %parallel_loop3A_178 = arith.constant 16 : i32
    scf.for %parallel_loop3A_505 = %parallel_loop3A_176 to %parallel_loop3A_177 step %parallel_loop3A_178  : i32 {
      %parallel_loop3A_506 = arith.constant 11 : i32
      %parallel_loop3A_507 = arith.shrsi %parallel_loop3A_505, %parallel_loop3A_506 : i32
      %parallel_loop3A_508 = arith.constant 2047 : i32
      %parallel_loop3A_509 = arith.andi %parallel_loop3A_505, %parallel_loop3A_508 : i32
      %parallel_loop3A_510 = arith.constant 0 : i32
      %parallel_loop3A_511 = arith.index_cast %parallel_loop3A_510 : i32 to index
      %parallel_loop3A_512 = arith.index_cast %parallel_loop3A_507 : i32 to index
      %parallel_loop3A_513 = arith.index_cast %parallel_loop3A_509 : i32 to index
      %parallel_loop3A_514 = tpu.vector_load %arg4[%parallel_loop3A_511, %parallel_loop3A_512, %parallel_loop3A_513] {strides = array<i32>} : memref<2x4x2048xi32, #tpu.memory_space<vmem>>, vector<16xi32>,
      %parallel_loop3A_515 = arith.ori %mul3A_8, %parallel_loop3A_514 : vector<16xi32>
      tpu.vector_store_idx %arg5[%parallel_loop3A_515], %broadcast_in_dim3A_5 {add = true} : memref<4096xi32, #tpu.memory_space<vmem>>[vector<16xi32>], vector<16xi32>,
    } {sc.loop_unroll_factor = 16 : i64, sc.parallel_access}
    %add3A_179 = arith.constant 24 : i32
    %add3A_180 = arith.addi %mul3A_2, %add3A_179 : i32
    %dma_start3A_181 = arith.constant 0 : i32
    %dma_start3A_182 = arith.constant 0 : i32
    %dma_start3A_183 = arith.constant 0 : i32
    %dma_start3A_184 = tpu.memref_slice %arg4[%dma_start3A_181, %dma_start3A_182, %dma_start3A_183] : memref<2x4x2048xi32, #tpu.memory_space<vmem>> -> memref<1x4x2048xi32, #tpu.memory_space<vmem>>
    %dma_start3A_185 = tpu.memref_squeeze %dma_start3A_184 : memref<1x4x2048xi32, #tpu.memory_space<vmem>> -> memref<4x2048xi32, #tpu.memory_space<vmem>>
    %dma_start3A_186 = arith.constant 0 : i32
    %dma_start3A_187 = tpu.memref_slice %arg2[%add3A_180, %dma_start3A_186] : memref<2048x2048xi32, #tpu.memory_space<hbm>> -> memref<4x2048xi32, #tpu.memory_space<hbm>>
    %dma_start3A_188 = arith.constant 0 : i32
    %dma_start3A_189 = arith.constant 0 : i32
    %dma_start3A_190 = tpu.memref_slice %arg4[%dma_start3A_181, %dma_start3A_188, %dma_start3A_189] : memref<2x4x2048xi32, #tpu.memory_space<vmem>> -> memref<1x4x2048xi32, #tpu.memory_space<vmem>>
    %dma_start3A_191 = tpu.memref_squeeze %dma_start3A_190 : memref<1x4x2048xi32, #tpu.memory_space<vmem>> -> memref<4x2048xi32, #tpu.memory_space<vmem>>
    %dma_start3A_192 = arith.constant 0 : i32
    %dma_start3A_193 = tpu.memref_slice %arg2[%add3A_180, %dma_start3A_192] : memref<2048x2048xi32, #tpu.memory_space<hbm>> -> memref<4x2048xi32, #tpu.memory_space<hbm>>
    tpu.enqueue_dma source(%dma_start3A_193 : memref<4x2048xi32, #tpu.memory_space<hbm>>) target(%dma_start3A_191 : memref<4x2048xi32, #tpu.memory_space<vmem>>) target_semaphore(%arg6 : memref<!tpu.dma_semaphore, #tpu.memory_space<semaphore_mem>>)
    %dma_wait3A_194 = arith.constant 1 : i32
    %dma_wait3A_195 = arith.constant 0 : i32
    %dma_wait3A_196 = arith.constant 0 : i32
    %dma_wait3A_197 = tpu.memref_slice %arg4[%dma_wait3A_194, %dma_wait3A_195, %dma_wait3A_196] : memref<2x4x2048xi32, #tpu.memory_space<vmem>> -> memref<1x4x2048xi32, #tpu.memory_space<vmem>>
    %dma_wait3A_198 = tpu.memref_squeeze %dma_wait3A_197 : memref<1x4x2048xi32, #tpu.memory_space<vmem>> -> memref<4x2048xi32, #tpu.memory_space<vmem>>
    %dma_wait3A_199 = arith.constant 0 : i32
    %dma_wait3A_200 = tpu.memref_slice %arg2[%add3A_149, %dma_wait3A_199] : memref<2048x2048xi32, #tpu.memory_space<hbm>> -> memref<4x2048xi32, #tpu.memory_space<hbm>>
    %dma_wait3A_201 = arith.constant 0 : i32
    %dma_wait3A_202 = arith.constant 0 : i32
    %dma_wait3A_203 = tpu.memref_slice %arg4[%dma_wait3A_194, %dma_wait3A_201, %dma_wait3A_202] : memref<2x4x2048xi32, #tpu.memory_space<vmem>> -> memref<1x4x2048xi32, #tpu.memory_space<vmem>>
    %dma_wait3A_204 = tpu.memref_squeeze %dma_wait3A_203 : memref<1x4x2048xi32, #tpu.memory_space<vmem>> -> memref<4x2048xi32, #tpu.memory_space<vmem>>
    %dma_wait3A_205 = arith.constant 0 : i32
    %dma_wait3A_206 = tpu.memref_slice %arg2[%add3A_149, %dma_wait3A_205] : memref<2048x2048xi32, #tpu.memory_space<hbm>> -> memref<4x2048xi32, #tpu.memory_space<hbm>>
    tpu.wait_dma2 semaphore(%arg7 : memref<!tpu.dma_semaphore, #tpu.memory_space<semaphore_mem>>) src(%dma_wait3A_206 : memref<4x2048xi32, #tpu.memory_space<hbm>>) dst(%dma_wait3A_204 : memref<4x2048xi32, #tpu.memory_space<vmem>>)
    %parallel_loop3A_207 = arith.constant 0 : i32
    %parallel_loop3A_208 = arith.constant 8192 : i32
    %parallel_loop3A_209 = arith.constant 16 : i32
    scf.for %parallel_loop3A_505 = %parallel_loop3A_207 to %parallel_loop3A_208 step %parallel_loop3A_209  : i32 {
      %parallel_loop3A_506 = arith.constant 11 : i32
      %parallel_loop3A_507 = arith.shrsi %parallel_loop3A_505, %parallel_loop3A_506 : i32
      %parallel_loop3A_508 = arith.constant 2047 : i32
      %parallel_loop3A_509 = arith.andi %parallel_loop3A_505, %parallel_loop3A_508 : i32
      %parallel_loop3A_510 = arith.constant 1 : i32
      %parallel_loop3A_511 = arith.index_cast %parallel_loop3A_510 : i32 to index
      %parallel_loop3A_512 = arith.index_cast %parallel_loop3A_507 : i32 to index
      %parallel_loop3A_513 = arith.index_cast %parallel_loop3A_509 : i32 to index
      %parallel_loop3A_514 = tpu.vector_load %arg4[%parallel_loop3A_511, %parallel_loop3A_512, %parallel_loop3A_513] {strides = array<i32>} : memref<2x4x2048xi32, #tpu.memory_space<vmem>>, vector<16xi32>,
      %parallel_loop3A_515 = arith.ori %mul3A_8, %parallel_loop3A_514 : vector<16xi32>
      tpu.vector_store_idx %arg5[%parallel_loop3A_515], %broadcast_in_dim3A_5 {add = true} : memref<4096xi32, #tpu.memory_space<vmem>>[vector<16xi32>], vector<16xi32>,
    } {sc.loop_unroll_factor = 16 : i64, sc.parallel_access}
    %add3A_210 = arith.constant 28 : i32
    %add3A_211 = arith.addi %mul3A_2, %add3A_210 : i32
    %dma_start3A_212 = arith.constant 1 : i32
    %dma_start3A_213 = arith.constant 0 : i32
    %dma_start3A_214 = arith.constant 0 : i32
    %dma_start3A_215 = tpu.memref_slice %arg4[%dma_start3A_212, %dma_start3A_213, %dma_start3A_214] : memref<2x4x2048xi32, #tpu.memory_space<vmem>> -> memref<1x4x2048xi32, #tpu.memory_space<vmem>>
    %dma_start3A_216 = tpu.memref_squeeze %dma_start3A_215 : memref<1x4x2048xi32, #tpu.memory_space<vmem>> -> memref<4x2048xi32, #tpu.memory_space<vmem>>
    %dma_start3A_217 = arith.constant 0 : i32
    %dma_start3A_218 = tpu.memref_slice %arg2[%add3A_211, %dma_start3A_217] : memref<2048x2048xi32, #tpu.memory_space<hbm>> -> memref<4x2048xi32, #tpu.memory_space<hbm>>
    %dma_start3A_219 = arith.constant 0 : i32
    %dma_start3A_220 = arith.constant 0 : i32
    %dma_start3A_221 = tpu.memref_slice %arg4[%dma_start3A_212, %dma_start3A_219, %dma_start3A_220] : memref<2x4x2048xi32, #tpu.memory_space<vmem>> -> memref<1x4x2048xi32, #tpu.memory_space<vmem>>
    %dma_start3A_222 = tpu.memref_squeeze %dma_start3A_221 : memref<1x4x2048xi32, #tpu.memory_space<vmem>> -> memref<4x2048xi32, #tpu.memory_space<vmem>>
    %dma_start3A_223 = arith.constant 0 : i32
    %dma_start3A_224 = tpu.memref_slice %arg2[%add3A_211, %dma_start3A_223] : memref<2048x2048xi32, #tpu.memory_space<hbm>> -> memref<4x2048xi32, #tpu.memory_space<hbm>>
    tpu.enqueue_dma source(%dma_start3A_224 : memref<4x2048xi32, #tpu.memory_space<hbm>>) target(%dma_start3A_222 : memref<4x2048xi32, #tpu.memory_space<vmem>>) target_semaphore(%arg7 : memref<!tpu.dma_semaphore, #tpu.memory_space<semaphore_mem>>)
    %dma_wait3A_225 = arith.constant 0 : i32
    %dma_wait3A_226 = arith.constant 0 : i32
    %dma_wait3A_227 = arith.constant 0 : i32
    %dma_wait3A_228 = tpu.memref_slice %arg4[%dma_wait3A_225, %dma_wait3A_226, %dma_wait3A_227] : memref<2x4x2048xi32, #tpu.memory_space<vmem>> -> memref<1x4x2048xi32, #tpu.memory_space<vmem>>
    %dma_wait3A_229 = tpu.memref_squeeze %dma_wait3A_228 : memref<1x4x2048xi32, #tpu.memory_space<vmem>> -> memref<4x2048xi32, #tpu.memory_space<vmem>>
    %dma_wait3A_230 = arith.constant 0 : i32
    %dma_wait3A_231 = tpu.memref_slice %arg2[%add3A_180, %dma_wait3A_230] : memref<2048x2048xi32, #tpu.memory_space<hbm>> -> memref<4x2048xi32, #tpu.memory_space<hbm>>
    %dma_wait3A_232 = arith.constant 0 : i32
    %dma_wait3A_233 = arith.constant 0 : i32
    %dma_wait3A_234 = tpu.memref_slice %arg4[%dma_wait3A_225, %dma_wait3A_232, %dma_wait3A_233] : memref<2x4x2048xi32, #tpu.memory_space<vmem>> -> memref<1x4x2048xi32, #tpu.memory_space<vmem>>
    %dma_wait3A_235 = tpu.memref_squeeze %dma_wait3A_234 : memref<1x4x2048xi32, #tpu.memory_space<vmem>> -> memref<4x2048xi32, #tpu.memory_space<vmem>>
    %dma_wait3A_236 = arith.constant 0 : i32
    %dma_wait3A_237 = tpu.memref_slice %arg2[%add3A_180, %dma_wait3A_236] : memref<2048x2048xi32, #tpu.memory_space<hbm>> -> memref<4x2048xi32, #tpu.memory_space<hbm>>
    tpu.wait_dma2 semaphore(%arg6 : memref<!tpu.dma_semaphore, #tpu.memory_space<semaphore_mem>>) src(%dma_wait3A_237 : memref<4x2048xi32, #tpu.memory_space<hbm>>) dst(%dma_wait3A_235 : memref<4x2048xi32, #tpu.memory_space<vmem>>)
    %parallel_loop3A_238 = arith.constant 0 : i32
    %parallel_loop3A_239 = arith.constant 8192 : i32
    %parallel_loop3A_240 = arith.constant 16 : i32
    scf.for %parallel_loop3A_505 = %parallel_loop3A_238 to %parallel_loop3A_239 step %parallel_loop3A_240  : i32 {
      %parallel_loop3A_506 = arith.constant 11 : i32
      %parallel_loop3A_507 = arith.shrsi %parallel_loop3A_505, %parallel_loop3A_506 : i32
      %parallel_loop3A_508 = arith.constant 2047 : i32
      %parallel_loop3A_509 = arith.andi %parallel_loop3A_505, %parallel_loop3A_508 : i32
      %parallel_loop3A_510 = arith.constant 0 : i32
      %parallel_loop3A_511 = arith.index_cast %parallel_loop3A_510 : i32 to index
      %parallel_loop3A_512 = arith.index_cast %parallel_loop3A_507 : i32 to index
      %parallel_loop3A_513 = arith.index_cast %parallel_loop3A_509 : i32 to index
      %parallel_loop3A_514 = tpu.vector_load %arg4[%parallel_loop3A_511, %parallel_loop3A_512, %parallel_loop3A_513] {strides = array<i32>} : memref<2x4x2048xi32, #tpu.memory_space<vmem>>, vector<16xi32>,
      %parallel_loop3A_515 = arith.ori %mul3A_8, %parallel_loop3A_514 : vector<16xi32>
      tpu.vector_store_idx %arg5[%parallel_loop3A_515], %broadcast_in_dim3A_5 {add = true} : memref<4096xi32, #tpu.memory_space<vmem>>[vector<16xi32>], vector<16xi32>,
    } {sc.loop_unroll_factor = 16 : i64, sc.parallel_access}
    %add3A_241 = arith.constant 32 : i32
    %add3A_242 = arith.addi %mul3A_2, %add3A_241 : i32
    %dma_start3A_243 = arith.constant 0 : i32
    %dma_start3A_244 = arith.constant 0 : i32
    %dma_start3A_245 = arith.constant 0 : i32
    %dma_start3A_246 = tpu.memref_slice %arg4[%dma_start3A_243, %dma_start3A_244, %dma_start3A_245] : memref<2x4x2048xi32, #tpu.memory_space<vmem>> -> memref<1x4x2048xi32, #tpu.memory_space<vmem>>
    %dma_start3A_247 = tpu.memref_squeeze %dma_start3A_246 : memref<1x4x2048xi32, #tpu.memory_space<vmem>> -> memref<4x2048xi32, #tpu.memory_space<vmem>>
    %dma_start3A_248 = arith.constant 0 : i32
    %dma_start3A_249 = tpu.memref_slice %arg2[%add3A_242, %dma_start3A_248] : memref<2048x2048xi32, #tpu.memory_space<hbm>> -> memref<4x2048xi32, #tpu.memory_space<hbm>>
    %dma_start3A_250 = arith.constant 0 : i32
    %dma_start3A_251 = arith.constant 0 : i32
    %dma_start3A_252 = tpu.memref_slice %arg4[%dma_start3A_243, %dma_start3A_250, %dma_start3A_251] : memref<2x4x2048xi32, #tpu.memory_space<vmem>> -> memref<1x4x2048xi32, #tpu.memory_space<vmem>>
    %dma_start3A_253 = tpu.memref_squeeze %dma_start3A_252 : memref<1x4x2048xi32, #tpu.memory_space<vmem>> -> memref<4x2048xi32, #tpu.memory_space<vmem>>
    %dma_start3A_254 = arith.constant 0 : i32
    %dma_start3A_255 = tpu.memref_slice %arg2[%add3A_242, %dma_start3A_254] : memref<2048x2048xi32, #tpu.memory_space<hbm>> -> memref<4x2048xi32, #tpu.memory_space<hbm>>
    tpu.enqueue_dma source(%dma_start3A_255 : memref<4x2048xi32, #tpu.memory_space<hbm>>) target(%dma_start3A_253 : memref<4x2048xi32, #tpu.memory_space<vmem>>) target_semaphore(%arg6 : memref<!tpu.dma_semaphore, #tpu.memory_space<semaphore_mem>>)
    %dma_wait3A_256 = arith.constant 1 : i32
    %dma_wait3A_257 = arith.constant 0 : i32
    %dma_wait3A_258 = arith.constant 0 : i32
    %dma_wait3A_259 = tpu.memref_slice %arg4[%dma_wait3A_256, %dma_wait3A_257, %dma_wait3A_258] : memref<2x4x2048xi32, #tpu.memory_space<vmem>> -> memref<1x4x2048xi32, #tpu.memory_space<vmem>>
    %dma_wait3A_260 = tpu.memref_squeeze %dma_wait3A_259 : memref<1x4x2048xi32, #tpu.memory_space<vmem>> -> memref<4x2048xi32, #tpu.memory_space<vmem>>
    %dma_wait3A_261 = arith.constant 0 : i32
    %dma_wait3A_262 = tpu.memref_slice %arg2[%add3A_211, %dma_wait3A_261] : memref<2048x2048xi32, #tpu.memory_space<hbm>> -> memref<4x2048xi32, #tpu.memory_space<hbm>>
    %dma_wait3A_263 = arith.constant 0 : i32
    %dma_wait3A_264 = arith.constant 0 : i32
    %dma_wait3A_265 = tpu.memref_slice %arg4[%dma_wait3A_256, %dma_wait3A_263, %dma_wait3A_264] : memref<2x4x2048xi32, #tpu.memory_space<vmem>> -> memref<1x4x2048xi32, #tpu.memory_space<vmem>>
    %dma_wait3A_266 = tpu.memref_squeeze %dma_wait3A_265 : memref<1x4x2048xi32, #tpu.memory_space<vmem>> -> memref<4x2048xi32, #tpu.memory_space<vmem>>
    %dma_wait3A_267 = arith.constant 0 : i32
    %dma_wait3A_268 = tpu.memref_slice %arg2[%add3A_211, %dma_wait3A_267] : memref<2048x2048xi32, #tpu.memory_space<hbm>> -> memref<4x2048xi32, #tpu.memory_space<hbm>>
    tpu.wait_dma2 semaphore(%arg7 : memref<!tpu.dma_semaphore, #tpu.memory_space<semaphore_mem>>) src(%dma_wait3A_268 : memref<4x2048xi32, #tpu.memory_space<hbm>>) dst(%dma_wait3A_266 : memref<4x2048xi32, #tpu.memory_space<vmem>>)
    %parallel_loop3A_269 = arith.constant 0 : i32
    %parallel_loop3A_270 = arith.constant 8192 : i32
    %parallel_loop3A_271 = arith.constant 16 : i32
    scf.for %parallel_loop3A_505 = %parallel_loop3A_269 to %parallel_loop3A_270 step %parallel_loop3A_271  : i32 {
      %parallel_loop3A_506 = arith.constant 11 : i32
      %parallel_loop3A_507 = arith.shrsi %parallel_loop3A_505, %parallel_loop3A_506 : i32
      %parallel_loop3A_508 = arith.constant 2047 : i32
      %parallel_loop3A_509 = arith.andi %parallel_loop3A_505, %parallel_loop3A_508 : i32
      %parallel_loop3A_510 = arith.constant 1 : i32
      %parallel_loop3A_511 = arith.index_cast %parallel_loop3A_510 : i32 to index
      %parallel_loop3A_512 = arith.index_cast %parallel_loop3A_507 : i32 to index
      %parallel_loop3A_513 = arith.index_cast %parallel_loop3A_509 : i32 to index
      %parallel_loop3A_514 = tpu.vector_load %arg4[%parallel_loop3A_511, %parallel_loop3A_512, %parallel_loop3A_513] {strides = array<i32>} : memref<2x4x2048xi32, #tpu.memory_space<vmem>>, vector<16xi32>,
      %parallel_loop3A_515 = arith.ori %mul3A_8, %parallel_loop3A_514 : vector<16xi32>
      tpu.vector_store_idx %arg5[%parallel_loop3A_515], %broadcast_in_dim3A_5 {add = true} : memref<4096xi32, #tpu.memory_space<vmem>>[vector<16xi32>], vector<16xi32>,
    } {sc.loop_unroll_factor = 16 : i64, sc.parallel_access}
    %add3A_272 = arith.constant 36 : i32
    %add3A_273 = arith.addi %mul3A_2, %add3A_272 : i32
    %dma_start3A_274 = arith.constant 1 : i32
    %dma_start3A_275 = arith.constant 0 : i32
    %dma_start3A_276 = arith.constant 0 : i32
    %dma_start3A_277 = tpu.memref_slice %arg4[%dma_start3A_274, %dma_start3A_275, %dma_start3A_276] : memref<2x4x2048xi32, #tpu.memory_space<vmem>> -> memref<1x4x2048xi32, #tpu.memory_space<vmem>>
    %dma_start3A_278 = tpu.memref_squeeze %dma_start3A_277 : memref<1x4x2048xi32, #tpu.memory_space<vmem>> -> memref<4x2048xi32, #tpu.memory_space<vmem>>
    %dma_start3A_279 = arith.constant 0 : i32
    %dma_start3A_280 = tpu.memref_slice %arg2[%add3A_273, %dma_start3A_279] : memref<2048x2048xi32, #tpu.memory_space<hbm>> -> memref<4x2048xi32, #tpu.memory_space<hbm>>
    %dma_start3A_281 = arith.constant 0 : i32
    %dma_start3A_282 = arith.constant 0 : i32
    %dma_start3A_283 = tpu.memref_slice %arg4[%dma_start3A_274, %dma_start3A_281, %dma_start3A_282] : memref<2x4x2048xi32, #tpu.memory_space<vmem>> -> memref<1x4x2048xi32, #tpu.memory_space<vmem>>
    %dma_start3A_284 = tpu.memref_squeeze %dma_start3A_283 : memref<1x4x2048xi32, #tpu.memory_space<vmem>> -> memref<4x2048xi32, #tpu.memory_space<vmem>>
    %dma_start3A_285 = arith.constant 0 : i32
    %dma_start3A_286 = tpu.memref_slice %arg2[%add3A_273, %dma_start3A_285] : memref<2048x2048xi32, #tpu.memory_space<hbm>> -> memref<4x2048xi32, #tpu.memory_space<hbm>>
    tpu.enqueue_dma source(%dma_start3A_286 : memref<4x2048xi32, #tpu.memory_space<hbm>>) target(%dma_start3A_284 : memref<4x2048xi32, #tpu.memory_space<vmem>>) target_semaphore(%arg7 : memref<!tpu.dma_semaphore, #tpu.memory_space<semaphore_mem>>)
    %dma_wait3A_287 = arith.constant 0 : i32
    %dma_wait3A_288 = arith.constant 0 : i32
    %dma_wait3A_289 = arith.constant 0 : i32
    %dma_wait3A_290 = tpu.memref_slice %arg4[%dma_wait3A_287, %dma_wait3A_288, %dma_wait3A_289] : memref<2x4x2048xi32, #tpu.memory_space<vmem>> -> memref<1x4x2048xi32, #tpu.memory_space<vmem>>
    %dma_wait3A_291 = tpu.memref_squeeze %dma_wait3A_290 : memref<1x4x2048xi32, #tpu.memory_space<vmem>> -> memref<4x2048xi32, #tpu.memory_space<vmem>>
    %dma_wait3A_292 = arith.constant 0 : i32
    %dma_wait3A_293 = tpu.memref_slice %arg2[%add3A_242, %dma_wait3A_292] : memref<2048x2048xi32, #tpu.memory_space<hbm>> -> memref<4x2048xi32, #tpu.memory_space<hbm>>
    %dma_wait3A_294 = arith.constant 0 : i32
    %dma_wait3A_295 = arith.constant 0 : i32
    %dma_wait3A_296 = tpu.memref_slice %arg4[%dma_wait3A_287, %dma_wait3A_294, %dma_wait3A_295] : memref<2x4x2048xi32, #tpu.memory_space<vmem>> -> memref<1x4x2048xi32, #tpu.memory_space<vmem>>
    %dma_wait3A_297 = tpu.memref_squeeze %dma_wait3A_296 : memref<1x4x2048xi32, #tpu.memory_space<vmem>> -> memref<4x2048xi32, #tpu.memory_space<vmem>>
    %dma_wait3A_298 = arith.constant 0 : i32
    %dma_wait3A_299 = tpu.memref_slice %arg2[%add3A_242, %dma_wait3A_298] : memref<2048x2048xi32, #tpu.memory_space<hbm>> -> memref<4x2048xi32, #tpu.memory_space<hbm>>
    tpu.wait_dma2 semaphore(%arg6 : memref<!tpu.dma_semaphore, #tpu.memory_space<semaphore_mem>>) src(%dma_wait3A_299 : memref<4x2048xi32, #tpu.memory_space<hbm>>) dst(%dma_wait3A_297 : memref<4x2048xi32, #tpu.memory_space<vmem>>)
    %parallel_loop3A_300 = arith.constant 0 : i32
    %parallel_loop3A_301 = arith.constant 8192 : i32
    %parallel_loop3A_302 = arith.constant 16 : i32
    scf.for %parallel_loop3A_505 = %parallel_loop3A_300 to %parallel_loop3A_301 step %parallel_loop3A_302  : i32 {
      %parallel_loop3A_506 = arith.constant 11 : i32
      %parallel_loop3A_507 = arith.shrsi %parallel_loop3A_505, %parallel_loop3A_506 : i32
      %parallel_loop3A_508 = arith.constant 2047 : i32
      %parallel_loop3A_509 = arith.andi %parallel_loop3A_505, %parallel_loop3A_508 : i32
      %parallel_loop3A_510 = arith.constant 0 : i32
      %parallel_loop3A_511 = arith.index_cast %parallel_loop3A_510 : i32 to index
      %parallel_loop3A_512 = arith.index_cast %parallel_loop3A_507 : i32 to index
      %parallel_loop3A_513 = arith.index_cast %parallel_loop3A_509 : i32 to index
      %parallel_loop3A_514 = tpu.vector_load %arg4[%parallel_loop3A_511, %parallel_loop3A_512, %parallel_loop3A_513] {strides = array<i32>} : memref<2x4x2048xi32, #tpu.memory_space<vmem>>, vector<16xi32>,
      %parallel_loop3A_515 = arith.ori %mul3A_8, %parallel_loop3A_514 : vector<16xi32>
      tpu.vector_store_idx %arg5[%parallel_loop3A_515], %broadcast_in_dim3A_5 {add = true} : memref<4096xi32, #tpu.memory_space<vmem>>[vector<16xi32>], vector<16xi32>,
    } {sc.loop_unroll_factor = 16 : i64, sc.parallel_access}
    %add3A_303 = arith.constant 40 : i32
    %add3A_304 = arith.addi %mul3A_2, %add3A_303 : i32
    %dma_start3A_305 = arith.constant 0 : i32
    %dma_start3A_306 = arith.constant 0 : i32
    %dma_start3A_307 = arith.constant 0 : i32
    %dma_start3A_308 = tpu.memref_slice %arg4[%dma_start3A_305, %dma_start3A_306, %dma_start3A_307] : memref<2x4x2048xi32, #tpu.memory_space<vmem>> -> memref<1x4x2048xi32, #tpu.memory_space<vmem>>
    %dma_start3A_309 = tpu.memref_squeeze %dma_start3A_308 : memref<1x4x2048xi32, #tpu.memory_space<vmem>> -> memref<4x2048xi32, #tpu.memory_space<vmem>>
    %dma_start3A_310 = arith.constant 0 : i32
    %dma_start3A_311 = tpu.memref_slice %arg2[%add3A_304, %dma_start3A_310] : memref<2048x2048xi32, #tpu.memory_space<hbm>> -> memref<4x2048xi32, #tpu.memory_space<hbm>>
    %dma_start3A_312 = arith.constant 0 : i32
    %dma_start3A_313 = arith.constant 0 : i32
    %dma_start3A_314 = tpu.memref_slice %arg4[%dma_start3A_305, %dma_start3A_312, %dma_start3A_313] : memref<2x4x2048xi32, #tpu.memory_space<vmem>> -> memref<1x4x2048xi32, #tpu.memory_space<vmem>>
    %dma_start3A_315 = tpu.memref_squeeze %dma_start3A_314 : memref<1x4x2048xi32, #tpu.memory_space<vmem>> -> memref<4x2048xi32, #tpu.memory_space<vmem>>
    %dma_start3A_316 = arith.constant 0 : i32
    %dma_start3A_317 = tpu.memref_slice %arg2[%add3A_304, %dma_start3A_316] : memref<2048x2048xi32, #tpu.memory_space<hbm>> -> memref<4x2048xi32, #tpu.memory_space<hbm>>
    tpu.enqueue_dma source(%dma_start3A_317 : memref<4x2048xi32, #tpu.memory_space<hbm>>) target(%dma_start3A_315 : memref<4x2048xi32, #tpu.memory_space<vmem>>) target_semaphore(%arg6 : memref<!tpu.dma_semaphore, #tpu.memory_space<semaphore_mem>>)
    %dma_wait3A_318 = arith.constant 1 : i32
    %dma_wait3A_319 = arith.constant 0 : i32
    %dma_wait3A_320 = arith.constant 0 : i32
    %dma_wait3A_321 = tpu.memref_slice %arg4[%dma_wait3A_318, %dma_wait3A_319, %dma_wait3A_320] : memref<2x4x2048xi32, #tpu.memory_space<vmem>> -> memref<1x4x2048xi32, #tpu.memory_space<vmem>>
    %dma_wait3A_322 = tpu.memref_squeeze %dma_wait3A_321 : memref<1x4x2048xi32, #tpu.memory_space<vmem>> -> memref<4x2048xi32, #tpu.memory_space<vmem>>
    %dma_wait3A_323 = arith.constant 0 : i32
    %dma_wait3A_324 = tpu.memref_slice %arg2[%add3A_273, %dma_wait3A_323] : memref<2048x2048xi32, #tpu.memory_space<hbm>> -> memref<4x2048xi32, #tpu.memory_space<hbm>>
    %dma_wait3A_325 = arith.constant 0 : i32
    %dma_wait3A_326 = arith.constant 0 : i32
    %dma_wait3A_327 = tpu.memref_slice %arg4[%dma_wait3A_318, %dma_wait3A_325, %dma_wait3A_326] : memref<2x4x2048xi32, #tpu.memory_space<vmem>> -> memref<1x4x2048xi32, #tpu.memory_space<vmem>>
    %dma_wait3A_328 = tpu.memref_squeeze %dma_wait3A_327 : memref<1x4x2048xi32, #tpu.memory_space<vmem>> -> memref<4x2048xi32, #tpu.memory_space<vmem>>
    %dma_wait3A_329 = arith.constant 0 : i32
    %dma_wait3A_330 = tpu.memref_slice %arg2[%add3A_273, %dma_wait3A_329] : memref<2048x2048xi32, #tpu.memory_space<hbm>> -> memref<4x2048xi32, #tpu.memory_space<hbm>>
    tpu.wait_dma2 semaphore(%arg7 : memref<!tpu.dma_semaphore, #tpu.memory_space<semaphore_mem>>) src(%dma_wait3A_330 : memref<4x2048xi32, #tpu.memory_space<hbm>>) dst(%dma_wait3A_328 : memref<4x2048xi32, #tpu.memory_space<vmem>>)
    %parallel_loop3A_331 = arith.constant 0 : i32
    %parallel_loop3A_332 = arith.constant 8192 : i32
    %parallel_loop3A_333 = arith.constant 16 : i32
    scf.for %parallel_loop3A_505 = %parallel_loop3A_331 to %parallel_loop3A_332 step %parallel_loop3A_333  : i32 {
      %parallel_loop3A_506 = arith.constant 11 : i32
      %parallel_loop3A_507 = arith.shrsi %parallel_loop3A_505, %parallel_loop3A_506 : i32
      %parallel_loop3A_508 = arith.constant 2047 : i32
      %parallel_loop3A_509 = arith.andi %parallel_loop3A_505, %parallel_loop3A_508 : i32
      %parallel_loop3A_510 = arith.constant 1 : i32
      %parallel_loop3A_511 = arith.index_cast %parallel_loop3A_510 : i32 to index
      %parallel_loop3A_512 = arith.index_cast %parallel_loop3A_507 : i32 to index
      %parallel_loop3A_513 = arith.index_cast %parallel_loop3A_509 : i32 to index
      %parallel_loop3A_514 = tpu.vector_load %arg4[%parallel_loop3A_511, %parallel_loop3A_512, %parallel_loop3A_513] {strides = array<i32>} : memref<2x4x2048xi32, #tpu.memory_space<vmem>>, vector<16xi32>,
      %parallel_loop3A_515 = arith.ori %mul3A_8, %parallel_loop3A_514 : vector<16xi32>
      tpu.vector_store_idx %arg5[%parallel_loop3A_515], %broadcast_in_dim3A_5 {add = true} : memref<4096xi32, #tpu.memory_space<vmem>>[vector<16xi32>], vector<16xi32>,
    } {sc.loop_unroll_factor = 16 : i64, sc.parallel_access}
    %add3A_334 = arith.constant 44 : i32
    %add3A_335 = arith.addi %mul3A_2, %add3A_334 : i32
    %dma_start3A_336 = arith.constant 1 : i32
    %dma_start3A_337 = arith.constant 0 : i32
    %dma_start3A_338 = arith.constant 0 : i32
    %dma_start3A_339 = tpu.memref_slice %arg4[%dma_start3A_336, %dma_start3A_337, %dma_start3A_338] : memref<2x4x2048xi32, #tpu.memory_space<vmem>> -> memref<1x4x2048xi32, #tpu.memory_space<vmem>>
    %dma_start3A_340 = tpu.memref_squeeze %dma_start3A_339 : memref<1x4x2048xi32, #tpu.memory_space<vmem>> -> memref<4x2048xi32, #tpu.memory_space<vmem>>
    %dma_start3A_341 = arith.constant 0 : i32
    %dma_start3A_342 = tpu.memref_slice %arg2[%add3A_335, %dma_start3A_341] : memref<2048x2048xi32, #tpu.memory_space<hbm>> -> memref<4x2048xi32, #tpu.memory_space<hbm>>
    %dma_start3A_343 = arith.constant 0 : i32
    %dma_start3A_344 = arith.constant 0 : i32
    %dma_start3A_345 = tpu.memref_slice %arg4[%dma_start3A_336, %dma_start3A_343, %dma_start3A_344] : memref<2x4x2048xi32, #tpu.memory_space<vmem>> -> memref<1x4x2048xi32, #tpu.memory_space<vmem>>
    %dma_start3A_346 = tpu.memref_squeeze %dma_start3A_345 : memref<1x4x2048xi32, #tpu.memory_space<vmem>> -> memref<4x2048xi32, #tpu.memory_space<vmem>>
    %dma_start3A_347 = arith.constant 0 : i32
    %dma_start3A_348 = tpu.memref_slice %arg2[%add3A_335, %dma_start3A_347] : memref<2048x2048xi32, #tpu.memory_space<hbm>> -> memref<4x2048xi32, #tpu.memory_space<hbm>>
    tpu.enqueue_dma source(%dma_start3A_348 : memref<4x2048xi32, #tpu.memory_space<hbm>>) target(%dma_start3A_346 : memref<4x2048xi32, #tpu.memory_space<vmem>>) target_semaphore(%arg7 : memref<!tpu.dma_semaphore, #tpu.memory_space<semaphore_mem>>)
    %dma_wait3A_349 = arith.constant 0 : i32
    %dma_wait3A_350 = arith.constant 0 : i32
    %dma_wait3A_351 = arith.constant 0 : i32
    %dma_wait3A_352 = tpu.memref_slice %arg4[%dma_wait3A_349, %dma_wait3A_350, %dma_wait3A_351] : memref<2x4x2048xi32, #tpu.memory_space<vmem>> -> memref<1x4x2048xi32, #tpu.memory_space<vmem>>
    %dma_wait3A_353 = tpu.memref_squeeze %dma_wait3A_352 : memref<1x4x2048xi32, #tpu.memory_space<vmem>> -> memref<4x2048xi32, #tpu.memory_space<vmem>>
    %dma_wait3A_354 = arith.constant 0 : i32
    %dma_wait3A_355 = tpu.memref_slice %arg2[%add3A_304, %dma_wait3A_354] : memref<2048x2048xi32, #tpu.memory_space<hbm>> -> memref<4x2048xi32, #tpu.memory_space<hbm>>
    %dma_wait3A_356 = arith.constant 0 : i32
    %dma_wait3A_357 = arith.constant 0 : i32
    %dma_wait3A_358 = tpu.memref_slice %arg4[%dma_wait3A_349, %dma_wait3A_356, %dma_wait3A_357] : memref<2x4x2048xi32, #tpu.memory_space<vmem>> -> memref<1x4x2048xi32, #tpu.memory_space<vmem>>
    %dma_wait3A_359 = tpu.memref_squeeze %dma_wait3A_358 : memref<1x4x2048xi32, #tpu.memory_space<vmem>> -> memref<4x2048xi32, #tpu.memory_space<vmem>>
    %dma_wait3A_360 = arith.constant 0 : i32
    %dma_wait3A_361 = tpu.memref_slice %arg2[%add3A_304, %dma_wait3A_360] : memref<2048x2048xi32, #tpu.memory_space<hbm>> -> memref<4x2048xi32, #tpu.memory_space<hbm>>
    tpu.wait_dma2 semaphore(%arg6 : memref<!tpu.dma_semaphore, #tpu.memory_space<semaphore_mem>>) src(%dma_wait3A_361 : memref<4x2048xi32, #tpu.memory_space<hbm>>) dst(%dma_wait3A_359 : memref<4x2048xi32, #tpu.memory_space<vmem>>)
    %parallel_loop3A_362 = arith.constant 0 : i32
    %parallel_loop3A_363 = arith.constant 8192 : i32
    %parallel_loop3A_364 = arith.constant 16 : i32
    scf.for %parallel_loop3A_505 = %parallel_loop3A_362 to %parallel_loop3A_363 step %parallel_loop3A_364  : i32 {
      %parallel_loop3A_506 = arith.constant 11 : i32
      %parallel_loop3A_507 = arith.shrsi %parallel_loop3A_505, %parallel_loop3A_506 : i32
      %parallel_loop3A_508 = arith.constant 2047 : i32
      %parallel_loop3A_509 = arith.andi %parallel_loop3A_505, %parallel_loop3A_508 : i32
      %parallel_loop3A_510 = arith.constant 0 : i32
      %parallel_loop3A_511 = arith.index_cast %parallel_loop3A_510 : i32 to index
      %parallel_loop3A_512 = arith.index_cast %parallel_loop3A_507 : i32 to index
      %parallel_loop3A_513 = arith.index_cast %parallel_loop3A_509 : i32 to index
      %parallel_loop3A_514 = tpu.vector_load %arg4[%parallel_loop3A_511, %parallel_loop3A_512, %parallel_loop3A_513] {strides = array<i32>} : memref<2x4x2048xi32, #tpu.memory_space<vmem>>, vector<16xi32>,
      %parallel_loop3A_515 = arith.ori %mul3A_8, %parallel_loop3A_514 : vector<16xi32>
      tpu.vector_store_idx %arg5[%parallel_loop3A_515], %broadcast_in_dim3A_5 {add = true} : memref<4096xi32, #tpu.memory_space<vmem>>[vector<16xi32>], vector<16xi32>,
    } {sc.loop_unroll_factor = 16 : i64, sc.parallel_access}
    %add3A_365 = arith.constant 48 : i32
    %add3A_366 = arith.addi %mul3A_2, %add3A_365 : i32
    %dma_start3A_367 = arith.constant 0 : i32
    %dma_start3A_368 = arith.constant 0 : i32
    %dma_start3A_369 = arith.constant 0 : i32
    %dma_start3A_370 = tpu.memref_slice %arg4[%dma_start3A_367, %dma_start3A_368, %dma_start3A_369] : memref<2x4x2048xi32, #tpu.memory_space<vmem>> -> memref<1x4x2048xi32, #tpu.memory_space<vmem>>
    %dma_start3A_371 = tpu.memref_squeeze %dma_start3A_370 : memref<1x4x2048xi32, #tpu.memory_space<vmem>> -> memref<4x2048xi32, #tpu.memory_space<vmem>>
    %dma_start3A_372 = arith.constant 0 : i32
    %dma_start3A_373 = tpu.memref_slice %arg2[%add3A_366, %dma_start3A_372] : memref<2048x2048xi32, #tpu.memory_space<hbm>> -> memref<4x2048xi32, #tpu.memory_space<hbm>>
    %dma_start3A_374 = arith.constant 0 : i32
    %dma_start3A_375 = arith.constant 0 : i32
    %dma_start3A_376 = tpu.memref_slice %arg4[%dma_start3A_367, %dma_start3A_374, %dma_start3A_375] : memref<2x4x2048xi32, #tpu.memory_space<vmem>> -> memref<1x4x2048xi32, #tpu.memory_space<vmem>>
    %dma_start3A_377 = tpu.memref_squeeze %dma_start3A_376 : memref<1x4x2048xi32, #tpu.memory_space<vmem>> -> memref<4x2048xi32, #tpu.memory_space<vmem>>
    %dma_start3A_378 = arith.constant 0 : i32
    %dma_start3A_379 = tpu.memref_slice %arg2[%add3A_366, %dma_start3A_378] : memref<2048x2048xi32, #tpu.memory_space<hbm>> -> memref<4x2048xi32, #tpu.memory_space<hbm>>
    tpu.enqueue_dma source(%dma_start3A_379 : memref<4x2048xi32, #tpu.memory_space<hbm>>) target(%dma_start3A_377 : memref<4x2048xi32, #tpu.memory_space<vmem>>) target_semaphore(%arg6 : memref<!tpu.dma_semaphore, #tpu.memory_space<semaphore_mem>>)
    %dma_wait3A_380 = arith.constant 1 : i32
    %dma_wait3A_381 = arith.constant 0 : i32
    %dma_wait3A_382 = arith.constant 0 : i32
    %dma_wait3A_383 = tpu.memref_slice %arg4[%dma_wait3A_380, %dma_wait3A_381, %dma_wait3A_382] : memref<2x4x2048xi32, #tpu.memory_space<vmem>> -> memref<1x4x2048xi32, #tpu.memory_space<vmem>>
    %dma_wait3A_384 = tpu.memref_squeeze %dma_wait3A_383 : memref<1x4x2048xi32, #tpu.memory_space<vmem>> -> memref<4x2048xi32, #tpu.memory_space<vmem>>
    %dma_wait3A_385 = arith.constant 0 : i32
    %dma_wait3A_386 = tpu.memref_slice %arg2[%add3A_335, %dma_wait3A_385] : memref<2048x2048xi32, #tpu.memory_space<hbm>> -> memref<4x2048xi32, #tpu.memory_space<hbm>>
    %dma_wait3A_387 = arith.constant 0 : i32
    %dma_wait3A_388 = arith.constant 0 : i32
    %dma_wait3A_389 = tpu.memref_slice %arg4[%dma_wait3A_380, %dma_wait3A_387, %dma_wait3A_388] : memref<2x4x2048xi32, #tpu.memory_space<vmem>> -> memref<1x4x2048xi32, #tpu.memory_space<vmem>>
    %dma_wait3A_390 = tpu.memref_squeeze %dma_wait3A_389 : memref<1x4x2048xi32, #tpu.memory_space<vmem>> -> memref<4x2048xi32, #tpu.memory_space<vmem>>
    %dma_wait3A_391 = arith.constant 0 : i32
    %dma_wait3A_392 = tpu.memref_slice %arg2[%add3A_335, %dma_wait3A_391] : memref<2048x2048xi32, #tpu.memory_space<hbm>> -> memref<4x2048xi32, #tpu.memory_space<hbm>>
    tpu.wait_dma2 semaphore(%arg7 : memref<!tpu.dma_semaphore, #tpu.memory_space<semaphore_mem>>) src(%dma_wait3A_392 : memref<4x2048xi32, #tpu.memory_space<hbm>>) dst(%dma_wait3A_390 : memref<4x2048xi32, #tpu.memory_space<vmem>>)
    %parallel_loop3A_393 = arith.constant 0 : i32
    %parallel_loop3A_394 = arith.constant 8192 : i32
    %parallel_loop3A_395 = arith.constant 16 : i32
    scf.for %parallel_loop3A_505 = %parallel_loop3A_393 to %parallel_loop3A_394 step %parallel_loop3A_395  : i32 {
      %parallel_loop3A_506 = arith.constant 11 : i32
      %parallel_loop3A_507 = arith.shrsi %parallel_loop3A_505, %parallel_loop3A_506 : i32
      %parallel_loop3A_508 = arith.constant 2047 : i32
      %parallel_loop3A_509 = arith.andi %parallel_loop3A_505, %parallel_loop3A_508 : i32
      %parallel_loop3A_510 = arith.constant 1 : i32
      %parallel_loop3A_511 = arith.index_cast %parallel_loop3A_510 : i32 to index
      %parallel_loop3A_512 = arith.index_cast %parallel_loop3A_507 : i32 to index
      %parallel_loop3A_513 = arith.index_cast %parallel_loop3A_509 : i32 to index
      %parallel_loop3A_514 = tpu.vector_load %arg4[%parallel_loop3A_511, %parallel_loop3A_512, %parallel_loop3A_513] {strides = array<i32>} : memref<2x4x2048xi32, #tpu.memory_space<vmem>>, vector<16xi32>,
      %parallel_loop3A_515 = arith.ori %mul3A_8, %parallel_loop3A_514 : vector<16xi32>
      tpu.vector_store_idx %arg5[%parallel_loop3A_515], %broadcast_in_dim3A_5 {add = true} : memref<4096xi32, #tpu.memory_space<vmem>>[vector<16xi32>], vector<16xi32>,
    } {sc.loop_unroll_factor = 16 : i64, sc.parallel_access}
    %add3A_396 = arith.constant 52 : i32
    %add3A_397 = arith.addi %mul3A_2, %add3A_396 : i32
    %dma_start3A_398 = arith.constant 1 : i32
    %dma_start3A_399 = arith.constant 0 : i32
    %dma_start3A_400 = arith.constant 0 : i32
    %dma_start3A_401 = tpu.memref_slice %arg4[%dma_start3A_398, %dma_start3A_399, %dma_start3A_400] : memref<2x4x2048xi32, #tpu.memory_space<vmem>> -> memref<1x4x2048xi32, #tpu.memory_space<vmem>>
    %dma_start3A_402 = tpu.memref_squeeze %dma_start3A_401 : memref<1x4x2048xi32, #tpu.memory_space<vmem>> -> memref<4x2048xi32, #tpu.memory_space<vmem>>
    %dma_start3A_403 = arith.constant 0 : i32
    %dma_start3A_404 = tpu.memref_slice %arg2[%add3A_397, %dma_start3A_403] : memref<2048x2048xi32, #tpu.memory_space<hbm>> -> memref<4x2048xi32, #tpu.memory_space<hbm>>
    %dma_start3A_405 = arith.constant 0 : i32
    %dma_start3A_406 = arith.constant 0 : i32
    %dma_start3A_407 = tpu.memref_slice %arg4[%dma_start3A_398, %dma_start3A_405, %dma_start3A_406] : memref<2x4x2048xi32, #tpu.memory_space<vmem>> -> memref<1x4x2048xi32, #tpu.memory_space<vmem>>
    %dma_start3A_408 = tpu.memref_squeeze %dma_start3A_407 : memref<1x4x2048xi32, #tpu.memory_space<vmem>> -> memref<4x2048xi32, #tpu.memory_space<vmem>>
    %dma_start3A_409 = arith.constant 0 : i32
    %dma_start3A_410 = tpu.memref_slice %arg2[%add3A_397, %dma_start3A_409] : memref<2048x2048xi32, #tpu.memory_space<hbm>> -> memref<4x2048xi32, #tpu.memory_space<hbm>>
    tpu.enqueue_dma source(%dma_start3A_410 : memref<4x2048xi32, #tpu.memory_space<hbm>>) target(%dma_start3A_408 : memref<4x2048xi32, #tpu.memory_space<vmem>>) target_semaphore(%arg7 : memref<!tpu.dma_semaphore, #tpu.memory_space<semaphore_mem>>)
    %dma_wait3A_411 = arith.constant 0 : i32
    %dma_wait3A_412 = arith.constant 0 : i32
    %dma_wait3A_413 = arith.constant 0 : i32
    %dma_wait3A_414 = tpu.memref_slice %arg4[%dma_wait3A_411, %dma_wait3A_412, %dma_wait3A_413] : memref<2x4x2048xi32, #tpu.memory_space<vmem>> -> memref<1x4x2048xi32, #tpu.memory_space<vmem>>
    %dma_wait3A_415 = tpu.memref_squeeze %dma_wait3A_414 : memref<1x4x2048xi32, #tpu.memory_space<vmem>> -> memref<4x2048xi32, #tpu.memory_space<vmem>>
    %dma_wait3A_416 = arith.constant 0 : i32
    %dma_wait3A_417 = tpu.memref_slice %arg2[%add3A_366, %dma_wait3A_416] : memref<2048x2048xi32, #tpu.memory_space<hbm>> -> memref<4x2048xi32, #tpu.memory_space<hbm>>
    %dma_wait3A_418 = arith.constant 0 : i32
    %dma_wait3A_419 = arith.constant 0 : i32
    %dma_wait3A_420 = tpu.memref_slice %arg4[%dma_wait3A_411, %dma_wait3A_418, %dma_wait3A_419] : memref<2x4x2048xi32, #tpu.memory_space<vmem>> -> memref<1x4x2048xi32, #tpu.memory_space<vmem>>
    %dma_wait3A_421 = tpu.memref_squeeze %dma_wait3A_420 : memref<1x4x2048xi32, #tpu.memory_space<vmem>> -> memref<4x2048xi32, #tpu.memory_space<vmem>>
    %dma_wait3A_422 = arith.constant 0 : i32
    %dma_wait3A_423 = tpu.memref_slice %arg2[%add3A_366, %dma_wait3A_422] : memref<2048x2048xi32, #tpu.memory_space<hbm>> -> memref<4x2048xi32, #tpu.memory_space<hbm>>
    tpu.wait_dma2 semaphore(%arg6 : memref<!tpu.dma_semaphore, #tpu.memory_space<semaphore_mem>>) src(%dma_wait3A_423 : memref<4x2048xi32, #tpu.memory_space<hbm>>) dst(%dma_wait3A_421 : memref<4x2048xi32, #tpu.memory_space<vmem>>)
    %parallel_loop3A_424 = arith.constant 0 : i32
    %parallel_loop3A_425 = arith.constant 8192 : i32
    %parallel_loop3A_426 = arith.constant 16 : i32
    scf.for %parallel_loop3A_505 = %parallel_loop3A_424 to %parallel_loop3A_425 step %parallel_loop3A_426  : i32 {
      %parallel_loop3A_506 = arith.constant 11 : i32
      %parallel_loop3A_507 = arith.shrsi %parallel_loop3A_505, %parallel_loop3A_506 : i32
      %parallel_loop3A_508 = arith.constant 2047 : i32
      %parallel_loop3A_509 = arith.andi %parallel_loop3A_505, %parallel_loop3A_508 : i32
      %parallel_loop3A_510 = arith.constant 0 : i32
      %parallel_loop3A_511 = arith.index_cast %parallel_loop3A_510 : i32 to index
      %parallel_loop3A_512 = arith.index_cast %parallel_loop3A_507 : i32 to index
      %parallel_loop3A_513 = arith.index_cast %parallel_loop3A_509 : i32 to index
      %parallel_loop3A_514 = tpu.vector_load %arg4[%parallel_loop3A_511, %parallel_loop3A_512, %parallel_loop3A_513] {strides = array<i32>} : memref<2x4x2048xi32, #tpu.memory_space<vmem>>, vector<16xi32>,
      %parallel_loop3A_515 = arith.ori %mul3A_8, %parallel_loop3A_514 : vector<16xi32>
      tpu.vector_store_idx %arg5[%parallel_loop3A_515], %broadcast_in_dim3A_5 {add = true} : memref<4096xi32, #tpu.memory_space<vmem>>[vector<16xi32>], vector<16xi32>,
    } {sc.loop_unroll_factor = 16 : i64, sc.parallel_access}
    %add3A_427 = arith.constant 56 : i32
    %add3A_428 = arith.addi %mul3A_2, %add3A_427 : i32
    %dma_start3A_429 = arith.constant 0 : i32
    %dma_start3A_430 = arith.constant 0 : i32
    %dma_start3A_431 = arith.constant 0 : i32
    %dma_start3A_432 = tpu.memref_slice %arg4[%dma_start3A_429, %dma_start3A_430, %dma_start3A_431] : memref<2x4x2048xi32, #tpu.memory_space<vmem>> -> memref<1x4x2048xi32, #tpu.memory_space<vmem>>
    %dma_start3A_433 = tpu.memref_squeeze %dma_start3A_432 : memref<1x4x2048xi32, #tpu.memory_space<vmem>> -> memref<4x2048xi32, #tpu.memory_space<vmem>>
    %dma_start3A_434 = arith.constant 0 : i32
    %dma_start3A_435 = tpu.memref_slice %arg2[%add3A_428, %dma_start3A_434] : memref<2048x2048xi32, #tpu.memory_space<hbm>> -> memref<4x2048xi32, #tpu.memory_space<hbm>>
    %dma_start3A_436 = arith.constant 0 : i32
    %dma_start3A_437 = arith.constant 0 : i32
    %dma_start3A_438 = tpu.memref_slice %arg4[%dma_start3A_429, %dma_start3A_436, %dma_start3A_437] : memref<2x4x2048xi32, #tpu.memory_space<vmem>> -> memref<1x4x2048xi32, #tpu.memory_space<vmem>>
    %dma_start3A_439 = tpu.memref_squeeze %dma_start3A_438 : memref<1x4x2048xi32, #tpu.memory_space<vmem>> -> memref<4x2048xi32, #tpu.memory_space<vmem>>
    %dma_start3A_440 = arith.constant 0 : i32
    %dma_start3A_441 = tpu.memref_slice %arg2[%add3A_428, %dma_start3A_440] : memref<2048x2048xi32, #tpu.memory_space<hbm>> -> memref<4x2048xi32, #tpu.memory_space<hbm>>
    tpu.enqueue_dma source(%dma_start3A_441 : memref<4x2048xi32, #tpu.memory_space<hbm>>) target(%dma_start3A_439 : memref<4x2048xi32, #tpu.memory_space<vmem>>) target_semaphore(%arg6 : memref<!tpu.dma_semaphore, #tpu.memory_space<semaphore_mem>>)
    %dma_wait3A_442 = arith.constant 1 : i32
    %dma_wait3A_443 = arith.constant 0 : i32
    %dma_wait3A_444 = arith.constant 0 : i32
    %dma_wait3A_445 = tpu.memref_slice %arg4[%dma_wait3A_442, %dma_wait3A_443, %dma_wait3A_444] : memref<2x4x2048xi32, #tpu.memory_space<vmem>> -> memref<1x4x2048xi32, #tpu.memory_space<vmem>>
    %dma_wait3A_446 = tpu.memref_squeeze %dma_wait3A_445 : memref<1x4x2048xi32, #tpu.memory_space<vmem>> -> memref<4x2048xi32, #tpu.memory_space<vmem>>
    %dma_wait3A_447 = arith.constant 0 : i32
    %dma_wait3A_448 = tpu.memref_slice %arg2[%add3A_397, %dma_wait3A_447] : memref<2048x2048xi32, #tpu.memory_space<hbm>> -> memref<4x2048xi32, #tpu.memory_space<hbm>>
    %dma_wait3A_449 = arith.constant 0 : i32
    %dma_wait3A_450 = arith.constant 0 : i32
    %dma_wait3A_451 = tpu.memref_slice %arg4[%dma_wait3A_442, %dma_wait3A_449, %dma_wait3A_450] : memref<2x4x2048xi32, #tpu.memory_space<vmem>> -> memref<1x4x2048xi32, #tpu.memory_space<vmem>>
    %dma_wait3A_452 = tpu.memref_squeeze %dma_wait3A_451 : memref<1x4x2048xi32, #tpu.memory_space<vmem>> -> memref<4x2048xi32, #tpu.memory_space<vmem>>
    %dma_wait3A_453 = arith.constant 0 : i32
    %dma_wait3A_454 = tpu.memref_slice %arg2[%add3A_397, %dma_wait3A_453] : memref<2048x2048xi32, #tpu.memory_space<hbm>> -> memref<4x2048xi32, #tpu.memory_space<hbm>>
    tpu.wait_dma2 semaphore(%arg7 : memref<!tpu.dma_semaphore, #tpu.memory_space<semaphore_mem>>) src(%dma_wait3A_454 : memref<4x2048xi32, #tpu.memory_space<hbm>>) dst(%dma_wait3A_452 : memref<4x2048xi32, #tpu.memory_space<vmem>>)
    %parallel_loop3A_455 = arith.constant 0 : i32
    %parallel_loop3A_456 = arith.constant 8192 : i32
    %parallel_loop3A_457 = arith.constant 16 : i32
    scf.for %parallel_loop3A_505 = %parallel_loop3A_455 to %parallel_loop3A_456 step %parallel_loop3A_457  : i32 {
      %parallel_loop3A_506 = arith.constant 11 : i32
      %parallel_loop3A_507 = arith.shrsi %parallel_loop3A_505, %parallel_loop3A_506 : i32
      %parallel_loop3A_508 = arith.constant 2047 : i32
      %parallel_loop3A_509 = arith.andi %parallel_loop3A_505, %parallel_loop3A_508 : i32
      %parallel_loop3A_510 = arith.constant 1 : i32
      %parallel_loop3A_511 = arith.index_cast %parallel_loop3A_510 : i32 to index
      %parallel_loop3A_512 = arith.index_cast %parallel_loop3A_507 : i32 to index
      %parallel_loop3A_513 = arith.index_cast %parallel_loop3A_509 : i32 to index
      %parallel_loop3A_514 = tpu.vector_load %arg4[%parallel_loop3A_511, %parallel_loop3A_512, %parallel_loop3A_513] {strides = array<i32>} : memref<2x4x2048xi32, #tpu.memory_space<vmem>>, vector<16xi32>,
      %parallel_loop3A_515 = arith.ori %mul3A_8, %parallel_loop3A_514 : vector<16xi32>
      tpu.vector_store_idx %arg5[%parallel_loop3A_515], %broadcast_in_dim3A_5 {add = true} : memref<4096xi32, #tpu.memory_space<vmem>>[vector<16xi32>], vector<16xi32>,
    } {sc.loop_unroll_factor = 16 : i64, sc.parallel_access}
    %add3A_458 = arith.constant 60 : i32
    %add3A_459 = arith.addi %mul3A_2, %add3A_458 : i32
    %dma_start3A_460 = arith.constant 1 : i32
    %dma_start3A_461 = arith.constant 0 : i32
    %dma_start3A_462 = arith.constant 0 : i32
    %dma_start3A_463 = tpu.memref_slice %arg4[%dma_start3A_460, %dma_start3A_461, %dma_start3A_462] : memref<2x4x2048xi32, #tpu.memory_space<vmem>> -> memref<1x4x2048xi32, #tpu.memory_space<vmem>>
    %dma_start3A_464 = tpu.memref_squeeze %dma_start3A_463 : memref<1x4x2048xi32, #tpu.memory_space<vmem>> -> memref<4x2048xi32, #tpu.memory_space<vmem>>
    %dma_start3A_465 = arith.constant 0 : i32
    %dma_start3A_466 = tpu.memref_slice %arg2[%add3A_459, %dma_start3A_465] : memref<2048x2048xi32, #tpu.memory_space<hbm>> -> memref<4x2048xi32, #tpu.memory_space<hbm>>
    %dma_start3A_467 = arith.constant 0 : i32
    %dma_start3A_468 = arith.constant 0 : i32
    %dma_start3A_469 = tpu.memref_slice %arg4[%dma_start3A_460, %dma_start3A_467, %dma_start3A_468] : memref<2x4x2048xi32, #tpu.memory_space<vmem>> -> memref<1x4x2048xi32, #tpu.memory_space<vmem>>
    %dma_start3A_470 = tpu.memref_squeeze %dma_start3A_469 : memref<1x4x2048xi32, #tpu.memory_space<vmem>> -> memref<4x2048xi32, #tpu.memory_space<vmem>>
    %dma_start3A_471 = arith.constant 0 : i32
    %dma_start3A_472 = tpu.memref_slice %arg2[%add3A_459, %dma_start3A_471] : memref<2048x2048xi32, #tpu.memory_space<hbm>> -> memref<4x2048xi32, #tpu.memory_space<hbm>>
    tpu.enqueue_dma source(%dma_start3A_472 : memref<4x2048xi32, #tpu.memory_space<hbm>>) target(%dma_start3A_470 : memref<4x2048xi32, #tpu.memory_space<vmem>>) target_semaphore(%arg7 : memref<!tpu.dma_semaphore, #tpu.memory_space<semaphore_mem>>)
    %dma_wait3A_473 = arith.constant 0 : i32
    %dma_wait3A_474 = arith.constant 0 : i32
    %dma_wait3A_475 = arith.constant 0 : i32
    %dma_wait3A_476 = tpu.memref_slice %arg4[%dma_wait3A_473, %dma_wait3A_474, %dma_wait3A_475] : memref<2x4x2048xi32, #tpu.memory_space<vmem>> -> memref<1x4x2048xi32, #tpu.memory_space<vmem>>
    %dma_wait3A_477 = tpu.memref_squeeze %dma_wait3A_476 : memref<1x4x2048xi32, #tpu.memory_space<vmem>> -> memref<4x2048xi32, #tpu.memory_space<vmem>>
    %dma_wait3A_478 = arith.constant 0 : i32
    %dma_wait3A_479 = tpu.memref_slice %arg2[%add3A_428, %dma_wait3A_478] : memref<2048x2048xi32, #tpu.memory_space<hbm>> -> memref<4x2048xi32, #tpu.memory_space<hbm>>
    %dma_wait3A_480 = arith.constant 0 : i32
    %dma_wait3A_481 = arith.constant 0 : i32
    %dma_wait3A_482 = tpu.memref_slice %arg4[%dma_wait3A_473, %dma_wait3A_480, %dma_wait3A_481] : memref<2x4x2048xi32, #tpu.memory_space<vmem>> -> memref<1x4x2048xi32, #tpu.memory_space<vmem>>
    %dma_wait3A_483 = tpu.memref_squeeze %dma_wait3A_482 : memref<1x4x2048xi32, #tpu.memory_space<vmem>> -> memref<4x2048xi32, #tpu.memory_space<vmem>>
    %dma_wait3A_484 = arith.constant 0 : i32
    %dma_wait3A_485 = tpu.memref_slice %arg2[%add3A_428, %dma_wait3A_484] : memref<2048x2048xi32, #tpu.memory_space<hbm>> -> memref<4x2048xi32, #tpu.memory_space<hbm>>
    tpu.wait_dma2 semaphore(%arg6 : memref<!tpu.dma_semaphore, #tpu.memory_space<semaphore_mem>>) src(%dma_wait3A_485 : memref<4x2048xi32, #tpu.memory_space<hbm>>) dst(%dma_wait3A_483 : memref<4x2048xi32, #tpu.memory_space<vmem>>)
    %parallel_loop3A_486 = arith.constant 0 : i32
    %parallel_loop3A_487 = arith.constant 8192 : i32
    %parallel_loop3A_488 = arith.constant 16 : i32
    scf.for %parallel_loop3A_505 = %parallel_loop3A_486 to %parallel_loop3A_487 step %parallel_loop3A_488  : i32 {
      %parallel_loop3A_506 = arith.constant 11 : i32
      %parallel_loop3A_507 = arith.shrsi %parallel_loop3A_505, %parallel_loop3A_506 : i32
      %parallel_loop3A_508 = arith.constant 2047 : i32
      %parallel_loop3A_509 = arith.andi %parallel_loop3A_505, %parallel_loop3A_508 : i32
      %parallel_loop3A_510 = arith.constant 0 : i32
      %parallel_loop3A_511 = arith.index_cast %parallel_loop3A_510 : i32 to index
      %parallel_loop3A_512 = arith.index_cast %parallel_loop3A_507 : i32 to index
      %parallel_loop3A_513 = arith.index_cast %parallel_loop3A_509 : i32 to index
      %parallel_loop3A_514 = tpu.vector_load %arg4[%parallel_loop3A_511, %parallel_loop3A_512, %parallel_loop3A_513] {strides = array<i32>} : memref<2x4x2048xi32, #tpu.memory_space<vmem>>, vector<16xi32>,
      %parallel_loop3A_515 = arith.ori %mul3A_8, %parallel_loop3A_514 : vector<16xi32>
      tpu.vector_store_idx %arg5[%parallel_loop3A_515], %broadcast_in_dim3A_5 {add = true} : memref<4096xi32, #tpu.memory_space<vmem>>[vector<16xi32>], vector<16xi32>,
    } {sc.loop_unroll_factor = 16 : i64, sc.parallel_access}
    %dma_wait3A_489 = arith.constant 1 : i32
    %dma_wait3A_490 = arith.constant 0 : i32
    %dma_wait3A_491 = arith.constant 0 : i32
    %dma_wait3A_492 = tpu.memref_slice %arg4[%dma_wait3A_489, %dma_wait3A_490, %dma_wait3A_491] : memref<2x4x2048xi32, #tpu.memory_space<vmem>> -> memref<1x4x2048xi32, #tpu.memory_space<vmem>>
    %dma_wait3A_493 = tpu.memref_squeeze %dma_wait3A_492 : memref<1x4x2048xi32, #tpu.memory_space<vmem>> -> memref<4x2048xi32, #tpu.memory_space<vmem>>
    %dma_wait3A_494 = arith.constant 0 : i32
    %dma_wait3A_495 = tpu.memref_slice %arg2[%add3A_459, %dma_wait3A_494] : memref<2048x2048xi32, #tpu.memory_space<hbm>> -> memref<4x2048xi32, #tpu.memory_space<hbm>>
    %dma_wait3A_496 = arith.constant 0 : i32
    %dma_wait3A_497 = arith.constant 0 : i32
    %dma_wait3A_498 = tpu.memref_slice %arg4[%dma_wait3A_489, %dma_wait3A_496, %dma_wait3A_497] : memref<2x4x2048xi32, #tpu.memory_space<vmem>> -> memref<1x4x2048xi32, #tpu.memory_space<vmem>>
    %dma_wait3A_499 = tpu.memref_squeeze %dma_wait3A_498 : memref<1x4x2048xi32, #tpu.memory_space<vmem>> -> memref<4x2048xi32, #tpu.memory_space<vmem>>
    %dma_wait3A_500 = arith.constant 0 : i32
    %dma_wait3A_501 = tpu.memref_slice %arg2[%add3A_459, %dma_wait3A_500] : memref<2048x2048xi32, #tpu.memory_space<hbm>> -> memref<4x2048xi32, #tpu.memory_space<hbm>>
    tpu.wait_dma2 semaphore(%arg7 : memref<!tpu.dma_semaphore, #tpu.memory_space<semaphore_mem>>) src(%dma_wait3A_501 : memref<4x2048xi32, #tpu.memory_space<hbm>>) dst(%dma_wait3A_499 : memref<4x2048xi32, #tpu.memory_space<vmem>>)
    %parallel_loop3A_502 = arith.constant 0 : i32
    %parallel_loop3A_503 = arith.constant 8192 : i32
    %parallel_loop3A_504 = arith.constant 16 : i32
    scf.for %parallel_loop3A_505 = %parallel_loop3A_502 to %parallel_loop3A_503 step %parallel_loop3A_504  : i32 {
      %parallel_loop3A_506 = arith.constant 11 : i32
      %parallel_loop3A_507 = arith.shrsi %parallel_loop3A_505, %parallel_loop3A_506 : i32
      %parallel_loop3A_508 = arith.constant 2047 : i32
      %parallel_loop3A_509 = arith.andi %parallel_loop3A_505, %parallel_loop3A_508 : i32
      %parallel_loop3A_510 = arith.constant 1 : i32
      %parallel_loop3A_511 = arith.index_cast %parallel_loop3A_510 : i32 to index
      %parallel_loop3A_512 = arith.index_cast %parallel_loop3A_507 : i32 to index
      %parallel_loop3A_513 = arith.index_cast %parallel_loop3A_509 : i32 to index
      %parallel_loop3A_514 = tpu.vector_load %arg4[%parallel_loop3A_511, %parallel_loop3A_512, %parallel_loop3A_513] {strides = array<i32>} : memref<2x4x2048xi32, #tpu.memory_space<vmem>>, vector<16xi32>,
      %parallel_loop3A_515 = arith.ori %mul3A_8, %parallel_loop3A_514 : vector<16xi32>
      tpu.vector_store_idx %arg5[%parallel_loop3A_515], %broadcast_in_dim3A_5 {add = true} : memref<4096xi32, #tpu.memory_space<vmem>>[vector<16xi32>], vector<16xi32>,
    } {sc.loop_unroll_factor = 16 : i64, sc.parallel_access}
    "tpu.region"() ({
      %run_scoped3A = tpu.sem_alloc : memref<!tpu.dma_semaphore, #tpu.memory_space<semaphore_mem>>
      %dma_start3A_505 = arith.constant 0 : i32
      %dma_start3A_506 = tpu.memref_slice %arg3[%add3A, %dma_start3A_505] : memref<32x4096xi32, #tpu.memory_space<hbm>> -> memref<1x4096xi32, #tpu.memory_space<hbm>>
      %dma_start3A_507 = tpu.memref_squeeze %dma_start3A_506 : memref<1x4096xi32, #tpu.memory_space<hbm>> -> memref<4096xi32, #tpu.memory_space<hbm>>
      %dma_start3A_508 = arith.constant 0 : i32
      %dma_start3A_509 = tpu.memref_slice %arg3[%add3A, %dma_start3A_508] : memref<32x4096xi32, #tpu.memory_space<hbm>> -> memref<1x4096xi32, #tpu.memory_space<hbm>>
      %dma_start3A_510 = tpu.memref_squeeze %dma_start3A_509 : memref<1x4096xi32, #tpu.memory_space<hbm>> -> memref<4096xi32, #tpu.memory_space<hbm>>
      tpu.enqueue_dma source(%arg5 : memref<4096xi32, #tpu.memory_space<vmem>>) target(%dma_start3A_510 : memref<4096xi32, #tpu.memory_space<hbm>>) target_semaphore(%run_scoped3A : memref<!tpu.dma_semaphore, #tpu.memory_space<semaphore_mem>>)
      %dma_wait3A_511 = arith.constant 0 : i32
      %dma_wait3A_512 = tpu.memref_slice %arg3[%add3A, %dma_wait3A_511] : memref<32x4096xi32, #tpu.memory_space<hbm>> -> memref<1x4096xi32, #tpu.memory_space<hbm>>
      %dma_wait3A_513 = tpu.memref_squeeze %dma_wait3A_512 : memref<1x4096xi32, #tpu.memory_space<hbm>> -> memref<4096xi32, #tpu.memory_space<hbm>>
      %dma_wait3A_514 = arith.constant 0 : i32
      %dma_wait3A_515 = tpu.memref_slice %arg3[%add3A, %dma_wait3A_514] : memref<32x4096xi32, #tpu.memory_space<hbm>> -> memref<1x4096xi32, #tpu.memory_space<hbm>>
      %dma_wait3A_516 = tpu.memref_squeeze %dma_wait3A_515 : memref<1x4096xi32, #tpu.memory_space<hbm>> -> memref<4096xi32, #tpu.memory_space<hbm>>
      tpu.wait_dma2 semaphore(%run_scoped3A : memref<!tpu.dma_semaphore, #tpu.memory_space<semaphore_mem>>) src(%arg5 : memref<4096xi32, #tpu.memory_space<vmem>>) dst(%dma_wait3A_516 : memref<4096xi32, #tpu.memory_space<hbm>>)
      tpu.yield
    }) : () -> ()
    return
  }
}

module attributes {stable_mosaic.version = 14 : i64} {
  func.func @_finish_body(%arg0: i32, %arg1: memref<32x4096xi32, #tpu.memory_space<vmem>>, %arg2: memref<1024x2048xi32, #tpu.memory_space<vmem>>, %arg3: memref<1x1xi32, #tpu.memory_space<smem>>, %arg4: memref<1024x2048xi32, #tpu.memory_space<vmem>>) attributes {dimension_semantics = [#tpu.dimension_semantics<arbitrary>], iteration_bounds = array<i64: 2>, scalar_prefetch = 0 : i64, scratch_operands = 0 : i64, tpu.core_type = #tpu.core_type<tc>, window_params = [{pipeline_mode = #tpu.pipeline_mode<synchronous>, transform_indices = @transform_0, window_bounds = array<i64: 32, 4096>}, {transform_indices = @transform_1, window_bounds = array<i64: 1024, 2048>}, {transform_indices = @transform_2, window_bounds = array<i64: 1, 1>}, {transform_indices = @transform_3, window_bounds = array<i64: 1024, 2048>}]} {
    %eq3A = arith.constant 0 : i32
    %eq3A_0 = arith.cmpi eq, %arg0, %eq3A : i32
    %convert_element_type3A = arith.extui %eq3A_0 : i1 to i32
    %cond3A = arith.constant 0 : i32
    %cond3A_1 = arith.cmpi ne, %convert_element_type3A, %cond3A : i32
    scf.if %cond3A_1 {
      %get3A_12 = arith.constant 0 : index
      %get3A_13 = arith.constant 0 : index
      %get3A_14 = vector.load %arg1[%get3A_12, %get3A_13] : memref<32x4096xi32, #tpu.memory_space<vmem>>, vector<32x256xi32>
      %get3A_15 = arith.constant 0 : index
      %get3A_16 = arith.constant 256 : index
      %get3A_17 = vector.load %arg1[%get3A_15, %get3A_16] : memref<32x4096xi32, #tpu.memory_space<vmem>>, vector<32x256xi32>
      %add3A = arith.addi %get3A_14, %get3A_17 : vector<32x256xi32>
      %get3A_18 = arith.constant 0 : index
      %get3A_19 = arith.constant 512 : index
      %get3A_20 = vector.load %arg1[%get3A_18, %get3A_19] : memref<32x4096xi32, #tpu.memory_space<vmem>>, vector<32x256xi32>
      %add3A_21 = arith.addi %add3A, %get3A_20 : vector<32x256xi32>
      %get3A_22 = arith.constant 0 : index
      %get3A_23 = arith.constant 768 : index
      %get3A_24 = vector.load %arg1[%get3A_22, %get3A_23] : memref<32x4096xi32, #tpu.memory_space<vmem>>, vector<32x256xi32>
      %add3A_25 = arith.addi %add3A_21, %get3A_24 : vector<32x256xi32>
      %get3A_26 = arith.constant 0 : index
      %get3A_27 = arith.constant 1024 : index
      %get3A_28 = vector.load %arg1[%get3A_26, %get3A_27] : memref<32x4096xi32, #tpu.memory_space<vmem>>, vector<32x256xi32>
      %add3A_29 = arith.addi %add3A_25, %get3A_28 : vector<32x256xi32>
      %get3A_30 = arith.constant 0 : index
      %get3A_31 = arith.constant 1280 : index
      %get3A_32 = vector.load %arg1[%get3A_30, %get3A_31] : memref<32x4096xi32, #tpu.memory_space<vmem>>, vector<32x256xi32>
      %add3A_33 = arith.addi %add3A_29, %get3A_32 : vector<32x256xi32>
      %get3A_34 = arith.constant 0 : index
      %get3A_35 = arith.constant 1536 : index
      %get3A_36 = vector.load %arg1[%get3A_34, %get3A_35] : memref<32x4096xi32, #tpu.memory_space<vmem>>, vector<32x256xi32>
      %add3A_37 = arith.addi %add3A_33, %get3A_36 : vector<32x256xi32>
      %get3A_38 = arith.constant 0 : index
      %get3A_39 = arith.constant 1792 : index
      %get3A_40 = vector.load %arg1[%get3A_38, %get3A_39] : memref<32x4096xi32, #tpu.memory_space<vmem>>, vector<32x256xi32>
      %add3A_41 = arith.addi %add3A_37, %get3A_40 : vector<32x256xi32>
      %get3A_42 = arith.constant 0 : index
      %get3A_43 = arith.constant 2048 : index
      %get3A_44 = vector.load %arg1[%get3A_42, %get3A_43] : memref<32x4096xi32, #tpu.memory_space<vmem>>, vector<32x256xi32>
      %add3A_45 = arith.addi %add3A_41, %get3A_44 : vector<32x256xi32>
      %get3A_46 = arith.constant 0 : index
      %get3A_47 = arith.constant 2304 : index
      %get3A_48 = vector.load %arg1[%get3A_46, %get3A_47] : memref<32x4096xi32, #tpu.memory_space<vmem>>, vector<32x256xi32>
      %add3A_49 = arith.addi %add3A_45, %get3A_48 : vector<32x256xi32>
      %get3A_50 = arith.constant 0 : index
      %get3A_51 = arith.constant 2560 : index
      %get3A_52 = vector.load %arg1[%get3A_50, %get3A_51] : memref<32x4096xi32, #tpu.memory_space<vmem>>, vector<32x256xi32>
      %add3A_53 = arith.addi %add3A_49, %get3A_52 : vector<32x256xi32>
      %get3A_54 = arith.constant 0 : index
      %get3A_55 = arith.constant 2816 : index
      %get3A_56 = vector.load %arg1[%get3A_54, %get3A_55] : memref<32x4096xi32, #tpu.memory_space<vmem>>, vector<32x256xi32>
      %add3A_57 = arith.addi %add3A_53, %get3A_56 : vector<32x256xi32>
      %get3A_58 = arith.constant 0 : index
      %get3A_59 = arith.constant 3072 : index
      %get3A_60 = vector.load %arg1[%get3A_58, %get3A_59] : memref<32x4096xi32, #tpu.memory_space<vmem>>, vector<32x256xi32>
      %add3A_61 = arith.addi %add3A_57, %get3A_60 : vector<32x256xi32>
      %get3A_62 = arith.constant 0 : index
      %get3A_63 = arith.constant 3328 : index
      %get3A_64 = vector.load %arg1[%get3A_62, %get3A_63] : memref<32x4096xi32, #tpu.memory_space<vmem>>, vector<32x256xi32>
      %add3A_65 = arith.addi %add3A_61, %get3A_64 : vector<32x256xi32>
      %get3A_66 = arith.constant 0 : index
      %get3A_67 = arith.constant 3584 : index
      %get3A_68 = vector.load %arg1[%get3A_66, %get3A_67] : memref<32x4096xi32, #tpu.memory_space<vmem>>, vector<32x256xi32>
      %add3A_69 = arith.addi %add3A_65, %get3A_68 : vector<32x256xi32>
      %get3A_70 = arith.constant 0 : index
      %get3A_71 = arith.constant 3840 : index
      %get3A_72 = vector.load %arg1[%get3A_70, %get3A_71] : memref<32x4096xi32, #tpu.memory_space<vmem>>, vector<32x256xi32>
      %add3A_73 = arith.addi %add3A_69, %get3A_72 : vector<32x256xi32>
      %reduce_sum3A = arith.constant dense<0> : vector<256xi32>
      %reduce_sum3A_74 = vector.multi_reduction <add>, %add3A_73, %reduce_sum3A [0] : vector<32x256xi32> to vector<256xi32>
      %broadcast_in_dim3A_75 = vector.shape_cast %reduce_sum3A_74 : vector<256xi32> to vector<1x256xi32>
      %iota3A = tpu.iota {dimensions = array<i32: 1>} : vector<1x256xi32>
      %mul3A = arith.muli %broadcast_in_dim3A_75, %iota3A : vector<1x256xi32>
      %iota3A_76 = tpu.iota {dimensions = array<i32: 0>} : vector<256x256xi32>
      %iota3A_77 = tpu.iota {dimensions = array<i32: 1>} : vector<256x256xi32>
      %le3A_78 = arith.cmpi sle, %iota3A_77, %iota3A_76 : vector<256x256xi32>
      %broadcast_in_dim3A_79 = arith.constant 0 : i32
      %broadcast_in_dim3A_80 = vector.broadcast %broadcast_in_dim3A_79 : i32 to vector<256x256xi32>
      %broadcast_in_dim3A_81 = vector.shape_cast %broadcast_in_dim3A_75 : vector<1x256xi32> to vector<1x256xi32>
      %broadcast_in_dim3A_82 = vector.broadcast %broadcast_in_dim3A_81 : vector<1x256xi32> to vector<256x256xi32>
      %select_n3A_83 = arith.select %le3A_78, %broadcast_in_dim3A_82, %broadcast_in_dim3A_80 : vector<256x256xi1>, vector<256x256xi32>
      %reduce_sum3A_84 = arith.constant dense<0> : vector<256xi32>
      %reduce_sum3A_85 = vector.multi_reduction <add>, %select_n3A_83, %reduce_sum3A_84 [1] : vector<256x256xi32> to vector<256xi32>
      %broadcast_in_dim3A_86 = vector.shape_cast %reduce_sum3A_85 : vector<256xi32> to vector<256x1xi32>
      %broadcast_in_dim3A_87 = vector.shape_cast %mul3A : vector<1x256xi32> to vector<1x256xi32>
      %broadcast_in_dim3A_88 = vector.broadcast %broadcast_in_dim3A_87 : vector<1x256xi32> to vector<256x256xi32>
      %select_n3A_89 = arith.select %le3A_78, %broadcast_in_dim3A_88, %broadcast_in_dim3A_80 : vector<256x256xi1>, vector<256x256xi32>
      %reduce_sum3A_90 = arith.constant dense<0> : vector<256xi32>
      %reduce_sum3A_91 = vector.multi_reduction <add>, %select_n3A_89, %reduce_sum3A_90 [1] : vector<256x256xi32> to vector<256xi32>
      %broadcast_in_dim3A_92 = vector.shape_cast %reduce_sum3A_91 : vector<256xi32> to vector<256x1xi32>
      %reduce_sum3A_93 = vector.shape_cast %broadcast_in_dim3A_75 : vector<1x256xi32> to vector<1x1x256xi32>
      %reduce_sum3A_94 = arith.constant dense<0> : vector<1xi32>
      %reduce_sum3A_95 = vector.multi_reduction <add>, %reduce_sum3A_93, %reduce_sum3A_94 [1, 2] : vector<1x1x256xi32> to vector<1xi32>
      %reduce_sum3A_96 = vector.shape_cast %reduce_sum3A_95 : vector<1xi32> to vector<1x1x1xi32>
      %reduce_sum3A_97 = vector.extract %reduce_sum3A_96[0, 0, 0] : i32 from vector<1x1x1xi32>
      %sub3A = vector.broadcast %reduce_sum3A_97 : i32 to vector<256x1xi32>
      %sub3A_98 = arith.subi %sub3A, %broadcast_in_dim3A_86 : vector<256x1xi32>
      %reduce_sum3A_99 = vector.shape_cast %mul3A : vector<1x256xi32> to vector<1x1x256xi32>
      %reduce_sum3A_100 = arith.constant dense<0> : vector<1xi32>
      %reduce_sum3A_101 = vector.multi_reduction <add>, %reduce_sum3A_99, %reduce_sum3A_100 [1, 2] : vector<1x1x256xi32> to vector<1xi32>
      %reduce_sum3A_102 = vector.shape_cast %reduce_sum3A_101 : vector<1xi32> to vector<1x1x1xi32>
      %reduce_sum3A_103 = vector.extract %reduce_sum3A_102[0, 0, 0] : i32 from vector<1x1x1xi32>
      %sub3A_104 = vector.broadcast %reduce_sum3A_103 : i32 to vector<256x1xi32>
      %sub3A_105 = arith.subi %sub3A_104, %broadcast_in_dim3A_92 : vector<256x1xi32>
      %convert_element_type3A_106 = arith.sitofp %broadcast_in_dim3A_92 : vector<256x1xi32> to vector<256x1xf32>
      %convert_element_type3A_107 = arith.sitofp %broadcast_in_dim3A_86 : vector<256x1xi32> to vector<256x1xf32>
      %div3A = arith.divf %convert_element_type3A_106, %convert_element_type3A_107 : vector<256x1xf32>
      %convert_element_type3A_108 = arith.sitofp %sub3A_105 : vector<256x1xi32> to vector<256x1xf32>
      %convert_element_type3A_109 = arith.sitofp %sub3A_98 : vector<256x1xi32> to vector<256x1xf32>
      %div3A_110 = arith.divf %convert_element_type3A_108, %convert_element_type3A_109 : vector<256x1xf32>
      %convert_element_type3A_111 = arith.sitofp %broadcast_in_dim3A_86 : vector<256x1xi32> to vector<256x1xf32>
      %convert_element_type3A_112 = arith.sitofp %sub3A_98 : vector<256x1xi32> to vector<256x1xf32>
      %mul3A_113 = arith.mulf %convert_element_type3A_111, %convert_element_type3A_112 : vector<256x1xf32>
      %sub3A_114 = arith.subf %div3A, %div3A_110 : vector<256x1xf32>
      %integer_pow3A = arith.mulf %sub3A_114, %sub3A_114 : vector<256x1xf32>
      %mul3A_115 = arith.mulf %mul3A_113, %integer_pow3A : vector<256x1xf32>
      %ne3A = arith.cmpf one, %mul3A_115, %mul3A_115 : vector<256x1xf32>
      %jit3A_116 = arith.constant 0.000000e+00 : f32
      %broadcast_in_dim3A_117 = vector.broadcast %jit3A_116 : f32 to vector<256x1xf32>
      %select_n3A_118 = arith.select %ne3A, %broadcast_in_dim3A_117, %mul3A_115 : vector<256x1xi1>, vector<256x1xf32>
      %reduce_max3A = vector.shape_cast %select_n3A_118 : vector<256x1xf32> to vector<1x256x1xf32>
      %reduce_max3A_119 = arith.constant dense<0xFF800000> : vector<1xf32>
      %reduce_max3A_120 = vector.multi_reduction <maximumf>, %reduce_max3A, %reduce_max3A_119 [1, 2] : vector<1x256x1xf32> to vector<1xf32>
      %reduce_max3A_121 = vector.shape_cast %reduce_max3A_120 : vector<1xf32> to vector<1x1x1xf32>
      %reduce_max3A_122 = vector.extract %reduce_max3A_121[0, 0, 0] : f32 from vector<1x1x1xf32>
      %iota3A_123 = tpu.iota {dimensions = array<i32: 0>} : vector<256x1xi32>
      %eq3A_124 = vector.broadcast %reduce_max3A_122 : f32 to vector<256x1xf32>
      %eq3A_125 = arith.cmpf oeq, %select_n3A_118, %eq3A_124 : vector<256x1xf32>
      %jit3A_126 = arith.constant 256 : i32
      %broadcast_in_dim3A_127 = vector.broadcast %jit3A_126 : i32 to vector<256x1xi32>
      %select_n3A_128 = arith.select %eq3A_125, %iota3A_123, %broadcast_in_dim3A_127 : vector<256x1xi1>, vector<256x1xi32>
      %reduce_min3A = vector.shape_cast %select_n3A_128 : vector<256x1xi32> to vector<1x256x1xi32>
      %reduce_min3A_129 = arith.constant dense<2147483647> : vector<1xi32>
      %reduce_min3A_130 = vector.multi_reduction <minsi>, %reduce_min3A, %reduce_min3A_129 [1, 2] : vector<1x256x1xi32> to vector<1xi32>
      %reduce_min3A_131 = vector.shape_cast %reduce_min3A_130 : vector<1xi32> to vector<1x1x1xi32>
      %reduce_min3A_132 = vector.extract %reduce_min3A_131[0, 0, 0] : i32 from vector<1x1x1xi32>
      %swap3A_133 = arith.constant 0 : index
      %swap3A_134 = arith.constant 0 : index
      %swap3A_135 = memref.load %arg3[%swap3A_133, %swap3A_134] : memref<1x1xi32, #tpu.memory_space<smem>>
      memref.store %reduce_min3A_132, %arg3[%swap3A_133, %swap3A_134] : memref<1x1xi32, #tpu.memory_space<smem>>
    } else {
    }
    %get3A = arith.constant 0 : index
    %get3A_2 = arith.constant 0 : index
    %get3A_3 = memref.load %arg3[%get3A, %get3A_2] : memref<1x1xi32, #tpu.memory_space<smem>>
    %get3A_4 = arith.constant 0 : index
    %get3A_5 = arith.constant 0 : index
    %get3A_6 = vector.load %arg2[%get3A_4, %get3A_5] : memref<1024x2048xi32, #tpu.memory_space<vmem>>, vector<1024x2048xi32>
    %le3A = vector.broadcast %get3A_3 : i32 to vector<1024x2048xi32>
    %le3A_7 = arith.cmpi sle, %get3A_6, %le3A : vector<1024x2048xi32>
    %jit3A = arith.constant 0 : i32
    %jit3A_8 = arith.constant 255 : i32
    %broadcast_in_dim3A = vector.broadcast %jit3A : i32 to vector<1024x2048xi32>
    %broadcast_in_dim3A_9 = vector.broadcast %jit3A_8 : i32 to vector<1024x2048xi32>
    %select_n3A = arith.select %le3A_7, %broadcast_in_dim3A, %broadcast_in_dim3A_9 : vector<1024x2048xi1>, vector<1024x2048xi32>
    %swap3A = arith.constant 0 : index
    %swap3A_10 = arith.constant 0 : index
    %swap3A_11 = vector.load %arg4[%swap3A, %swap3A_10] : memref<1024x2048xi32, #tpu.memory_space<vmem>>, vector<1024x2048xi32>
    tpu.vector_store %arg4[%swap3A, %swap3A_10], %select_n3A {strides = array<i32>} : memref<1024x2048xi32, #tpu.memory_space<vmem>>, vector<1024x2048xi32>,
    return
  }
  func.func @transform_0(%arg0: i32) -> (i32, i32) {
    %c0_i32 = arith.constant 0 : i32
    %c0_i32_0 = arith.constant 0 : i32
    %c0_i32_1 = arith.constant 0 : i32
    return %c0_i32, %c0_i32_0 : i32, i32
  }
  func.func @transform_1(%arg0: i32) -> (i32, i32) {
    %c0_i32 = arith.constant 0 : i32
    %c0_i32_0 = arith.constant 0 : i32
    return %arg0, %c0_i32 : i32, i32
  }
  func.func @transform_2(%arg0: i32) -> (i32, i32) {
    %c0_i32 = arith.constant 0 : i32
    %c0_i32_0 = arith.constant 0 : i32
    %c0_i32_1 = arith.constant 0 : i32
    return %c0_i32, %c0_i32_0 : i32, i32
  }
  func.func @transform_3(%arg0: i32) -> (i32, i32) {
    %c0_i32 = arith.constant 0 : i32
    %c0_i32_0 = arith.constant 0 : i32
    return %arg0, %c0_i32 : i32, i32
  }
}

</mosaic_0001>

<sc_bundles>
// kernel: kernel.4.cloned.1.call-start
scs
__scs_entry_jumppad:
0x0: {  	(pc) =	sbr.rel $0x88, $3  }
0x1: {  	(tag) =	ssettag $0x0;
	lr =	simm.s32 $0x1  }
0x2: {  	[smem:$0x3FA0] =	sst lr;
	_ =	strace $0xD0000000  }
0x3: {  	_ = 	snop  }
0x4: {  	_ = 	snop  }
0x5: {  	_ = 	snop  }
0x6: {  	_ = 	snop  }
0x7: {  	_ = 	snop  }
__scs_overlays_trampoline_lowered:
0x8: {  	[smem:$0x3FAF] =	sst s0  }
0x9: {  	[smem:$0x3FB0] =	sst s1  }
0xa: {  	[smem:$0x3FB1] =	sst s2  }
0xb: {  	[smem:$0x3FB2] =	sst s3  }
0xc: {  	[smem:$0x3FB3] =	sst s4  }
0xd: {  	[smem:$0x3FB4] =	sst s5  }
0xe: {  	[smem:$0x3FB5] =	sst s6  }
0xf: {  	[smem:$0x3FB6] =	sst s7  }
0x10: {  	[smem:$0x3FB7] =	sst s8  }
0x11: {  	[smem:$0x3FB8] =	sst s9;
	s0 =	simm.s32 @!p0 $0x0  }
0x12: {  	s1 =	sld [smem:$0x3F9E];
	s0 =	simm.s32 @p0 $0x1  }
0x13: {  	[smem:$0x3FB9] =	sst s0;
	s0 =	simm.s32 @!p1 $0x0  }
0x14: {  	s2 =	sld [smem:$0x3F9D];
	s0 =	simm.s32 @p1 $0x1  }
0x15: {  	[smem:$0x3FBA] =	sst s0;
	s0 =	simm.s32 @!p2 $0x0  }
0x16: {  	s3 =	sld [smem:$0x3FDB];
	s0 =	simm.s32 @p2 $0x1  }
0x17: {  	s4 =	simm.s32 $0x1BF5;
	[smem:$0x3FBC] =	sst s0  }
0x18: {  	s0 =	sld [smem:$0x3F9F];
	_ =	swait.ge [sflag:s4], $0x0  }
0x19: {  	s7 =	sld [smem:$0x3FA0]  }
0x1a: {  	s8 =	sadd.s32 $0xFFFFE003, lr  }
0x1b: {  	s9 =	sadd.s32 $0xFFFFFEF7, lr;
	s5 =	simm.s32 $0xFFFFFFFF;
	p2 =	slt.u32 s8, $0xFFFFF086  }
0x1c: {  	p1 =	slt.u32 s9, $0xF7A;
	s5 =	simm.s32 @!p2 $0x0  }
0x1d: {  	s5 =	simm.s32 @p1 $0x1;
	p0 =	seq.s32 s7, s2  }
0x1e: {  	s7 =	smul.u32 @!p0 $0xF7A, s2;
	p2 =	seq.s32 @!p0 s5, $0x0  }
0x1f: {  	s9 =	smul.u32 $0xF7A, s1;
	s8 =	simm.s32 @!p0 $0x1BF5;
	p2 =	por !p2, p0  }
0x20: {  	[sflag:s8] =	ssyncset.s32 @!p0 $0xFFFFF086;
	s6 =	sadd.s32 @!p0 s3, s7;
	s7 =	simm.s32 @!p0 $0x108  }
0x21: {  	s3 =	sadd.s32 s3, s9;
	s6 =	sadd.s32 @!p0 $0x88, s6;
	s7 =	simm.s32 @p2 $0x1082  }
0x22: {  	[simem:s7], [sflag:s8] =	dma.local @!p0 [hbm:s6], $0xF7A  }
0x23: {  	s9 =	sor.u32 $0xD0000000, s2;
	s6 =	simm.s32 $0x108;
	_ =	swait.ge @!p0 [sflag:s8], $0x0  }
0x24: {  	s3 =	sadd.s32 $0x88, s3;
	s6 =	simm.s32 @!p1 $0x1082;
	[sflag:s4] =	ssyncset.s32 $0xFFFFF086  }
0x25: {  	[simem:s6], [sflag:s4] =	dma.local [hbm:s3], $0xF7A  }
0x26: {  	[smem:$0x3FA0] =	sst s1;
	(tag) =	ssettag s2;
	_ =	strace s9  }
0x27: {  	s1 =	sld [smem:$0x3FB0]  }
0x28: {  	s2 =	sld [smem:$0x3FB1]  }
0x29: {  	s4 =	sld [smem:$0x3FB3]  }
0x2a: {  	p0 =	seq.s32 s5, $0x0;
	s5 =	sld [smem:$0x3FB4]  }
0x2b: {  	s6 =	sld [smem:$0x3FB5]  }
0x2c: {  	s7 =	sld [smem:$0x3FB6]  }
0x2d: {  	s3 =	simm.s32 $0x108;
	s8 =	sld [smem:$0x3FB7]  }
0x2e: {  	s3 =	simm.s32 @!p0 $0x1082;
	s9 =	sld [smem:$0x3FB8]  }
0x2f: {  	lr =	sadd.s32 s0, s3;
	s0 =	sld [smem:$0x3FAF]  }
0x30: {  	s3 =	sld [smem:$0x3FB2]  }
0x31: {  	[smem:$0x3FBB] =	sst s10  }
0x32: {  	s10 =	sld [smem:$0x3FB9];
	_ =	sdelay $0x3  }
0x33: {  	p0 =	seq.s32 s10, $0x1;
	s10 =	sld [smem:$0x3FBB];
	_ =	sdelay $0x3  }
0x34: {  	[smem:$0x3FBB] =	sst s10  }
0x35: {  	s10 =	sld [smem:$0x3FBA];
	_ =	sdelay $0x3  }
0x36: {  	p1 =	seq.s32 s10, $0x1;
	s10 =	sld [smem:$0x3FBB];
	_ =	sdelay $0x3  }
0x37: {  	[smem:$0x3FBB] =	sst s10  }
0x38: {  	s10 =	sld [smem:$0x3FBC]  }
0x39: {  	_ = 	snop;
	(pc) =	sbr.ind lr, $3  }
0x3a: {  	_ = 	snop  }
0x3b: {  	_ = 	snop  }
0x3c: {  	p2 =	seq.s32 s10, $0x1;
	s10 =	sld [smem:$0x3FBB]  }
0x3d: {  	_ =	shalt  }
0x3e: {  	_ =	shalt  }
0x3f: {  	_ =	shalt  }
0x40: {  	_ =	shalt  }
0x41: {  	_ =	shalt  }
0x42: {  	_ =	shalt  }
0x43: {  	_ =	shalt  }
0x44: {  	_ =	shalt  }
0x45: {  	_ =	shalt  }
0x46: {  	_ =	shalt  }
0x47: {  	_ =	shalt  }
0x48: {  	_ =	shalt  }
0x49: {  	_ =	shalt  }
0x4a: {  	_ =	shalt  }
0x4b: {  	_ =	shalt  }
0x4c: {  	_ =	shalt  }
0x4d: {  	_ =	shalt  }
0x4e: {  	_ =	shalt  }
0x4f: {  	_ =	shalt  }
0x50: {  	_ =	shalt  }
0x51: {  	_ =	shalt  }
0x52: {  	_ =	shalt  }
0x53: {  	_ =	shalt  }
0x54: {  	_ =	shalt  }
0x55: {  	_ =	shalt  }
0x56: {  	_ =	shalt  }
0x57: {  	_ =	shalt  }
0x58: {  	_ =	shalt  }
0x59: {  	_ =	shalt  }
0x5a: {  	_ =	shalt  }
0x5b: {  	_ =	shalt  }
0x5c: {  	_ =	shalt  }
0x5d: {  	_ =	shalt  }
0x5e: {  	_ =	shalt  }
0x5f: {  	_ =	shalt  }
0x60: {  	_ =	shalt  }
0x61: {  	_ =	shalt  }
0x62: {  	_ =	shalt  }
0x63: {  	_ =	shalt  }
0x64: {  	_ =	shalt  }
0x65: {  	_ =	shalt  }
0x66: {  	_ =	shalt  }
0x67: {  	_ =	shalt  }
0x68: {  	_ =	shalt  }
0x69: {  	_ =	shalt  }
0x6a: {  	_ =	shalt  }
0x6b: {  	_ =	shalt  }
0x6c: {  	_ =	shalt  }
0x6d: {  	_ =	shalt  }
0x6e: {  	_ =	shalt  }
0x6f: {  	_ =	shalt  }
0x70: {  	_ =	shalt  }
0x71: {  	_ =	shalt  }
0x72: {  	_ =	shalt  }
0x73: {  	_ =	shalt  }
0x74: {  	_ =	shalt  }
0x75: {  	_ =	shalt  }
0x76: {  	_ =	shalt  }
0x77: {  	_ =	shalt  }
0x78: {  	_ =	shalt  }
0x79: {  	_ =	shalt  }
0x7a: {  	_ =	shalt  }
0x7b: {  	_ =	shalt  }
0x7c: {  	_ =	shalt  }
0x7d: {  	_ =	shalt  }
0x7e: {  	_ =	shalt  }
0x7f: {  	_ =	shalt  }
0x80: {  	_ =	shalt  }
0x81: {  	_ =	shalt  }
0x82: {  	_ =	shalt  }
0x83: {  	_ =	shalt  }
0x84: {  	_ =	shalt  }
0x85: {  	_ =	shalt  }
0x86: {  	_ =	shalt  }
0x87: {  	_ =	shalt  }
.Lfunc_end0:
.L_simem_size_0:
called_computation_lowered:
.L_overlay_start_0:
0x88: {  	s2 =	sld [smem:$0x3FD9]  }
0x89: {  	s3 =	sld [smem:$0x3FFE];
	_ =	sdelay $0x1  }
0x8a: {  	s1 =	srdreg.scid  }
0x8b: {  	s0 =	sand.u32 $0x1, s1  }
0x8c: {  	s15 =	sshll.u32 s0, $0xA;
	s2 =	sadd.s32 s3, s2  }
0x8d: {  	s2 =	sadd.s32 s2, s15  }
0x8e: {  	[smem:$0x3FC7] =	sst s2  }
0x8f: {  	_ = 	snop  }
0x90: {  	s2 =	sld [smem:$0x3FD0];
	_ =	sdelay $0x2  }
0x91: {  	s4 =	simm.s32 $0xA;
	s5 =	simm.s32 $0x10;
	s16 =	sld [smem:$0x3FC9]  }
0x92: {  	[smem:s5], [sflag:s4] =	dma.local [hbm:s2], $0x1  }
0x93: {  	_ =	swait.eq [sflag:s4], $0x1  }
0x94: {  	[sflag:s4] =	ssyncset.done $0x0  }
0x95: {  	[sflag:s4] =	ssyncadd.s32 $0xFFFFFFFF  }
0x96: {  	s17 =	sld [smem:$0x11];
	(tm) =	ssettm $0x1  }
0x97: {  	s18 =	sld [smem:$0x3FFB];
	_ =	sdelay $0x3  }
0x98: {  	_ =	strace s18  }
0x99: {  	s4 =	sld [smem:$0x3FFC];
	_ =	sdelay $0x3  }
0x9a: {  	_ =	strace s4  }
0x9b: {  	s4 =	sld [smem:$0x3FFD];
	_ =	sdelay $0x3  }
0x9c: {  	_ =	strace s4  }
0x9d: {  	_ =	strace $0x8FFFFFFF  }
0x9e: {  	s19 =	sld [smem:$0x3FDB];
	_ =	sdelay $0x1  }
0x9f: {  	s20 =	simm.s32 $_scs_section_size  }
0xa0: {  	s6 =	simm.s32 $_size__tile_overlayer_lowered;
	s7 =	simm.s32 $_tile_overlayer_lowered  }
0xa1: {  	s23 =	simm.s32 $0x1BFF;
	s22 =	sshll.u32 s7, $0x1;
	s4 =	sadd.s32 s20, s19  }
0xa2: {  	s8 =	simm.s32 $0x0;
	s21 =	sshll.u32 s6, $0x1;
	s6 =	sadd.s32 s22, s4  }
0xa3: {  	[timem:s8], [sflag:s23] =	dma.local [hbm:s6], s21  }
0xa4: {  	_ =	swait.ge [sflag:s23], s21  }
0xa5: {  	s5 =	ssub.s32 $0x0, s21;
	[sflag:s23] =	ssyncset.done $0x0  }
0xa6: {  	[sflag:s23] =	ssyncadd.s32 s5;
	_ =	sdelay $0x1  }
0xa7: {  	s24 =	simm.s32 $0x1B8B  }
0xa8: {  	_ =	swait.ge [sflag:s24], $0x1  }
0xa9: {  	[sflag:s24] =	ssyncset.done $0x0  }
0xaa: {  	s25 =	simm.s32 $0x1B8E;
	[sflag:s24] =	ssyncadd.s32 $0xFFFFFFFF  }
0xab: {  	s26 =	simm.s32 $execute0_lowered;
	[smem:$0x3FD2] =	sst s25  }
0xac: {  	s5 =	sshll.u32 s26, $0x1;
	_ =	strace $0x80000046;
	[dreg:$0x1] =	wrdreg $0xFFFFFFFF  }
0xad: {  	s28 =	simm.s32 $_size_execute0_lowered;
	s4 =	sadd.s32 s4, s5;
	[dreg:$0x0] =	wrdreg $0x0  }
0xae: {  	s5 =	sshll.u32 s28, $0x1;
	[dreg:$0x2] =	wrdreg s4  }
0xaf: {  	[dreg:$0x3] =	wrdreg s5  }
0xb0: {  	[dreg:$0x4] =	wrdreg $0xC0  }
0xb1: {  	_ =	task [dreg:s8], $0x5FFFF  }
0xb2: {  	[dreg:$0x1] =	wrdreg $0xFFFFFFFF  }
0xb3: {  	[dreg:$0x0] =	wrdreg $0x60  }
0xb4: {  	[dreg:$0x2] =	wrdreg s16  }
0xb5: {  	[dreg:$0x3] =	wrdreg s17  }
0xb6: {  	[dreg:$0x4] =	wrdreg $0x9  }
0xb7: {  	_ =	task.clear_ibuf [dreg:s8], $0x5FFFF;
	_ =	strace $0x90000046  }
0xb8: {  	s29 =	simm.s32 $0x9;
	_ =	strace $0x80000048  }
0xb9: {  	_ =	swait.ge [sflag:s29], $0x1  }
0xba: {  	[sflag:s29] =	ssyncadd.s32 $0xFFFFFFFF  }
0xbb: {  	_ =	strace $0x90000048  }
0xbc: {  	_ =	sfence  }
0xbd: {  	s30 =	sld [smem:$0x0];
	_ =	sdelay $0x2  }
0xbe: {  	s31 =	sshll.u32 s1, $0xD;
	s1 =	sshrl.u32 s1, $0x2  }
0xbf: {  	s3 =	sand.u32 $0x4000, s31;
	s1 =	sadd.s32 s1, s30  }
0xc0: {  	s0 =	sor.u32 s3, s0;
	s1 =	sshll.u32 s1, $0x11  }
0xc1: {  	s0 =	sor.u32 s1, s0  }
0xc2: {  	s0 =	sadd.s32 $0x8F2B, s0  }
0xc3: {  	[sflag:s0] =	ssyncadd.remote.s32 $0x1  }
0xc4: {  	_ =	sfence.sel $0xFFFF  }
0xc5: {  	[dreg:$0x0] =	wrdreg $0xFFFFFFFF;
	(pc) =	sbr.abs _section_cstart, $3  }
0xc6: {  	[dreg:$0x1] =	wrdreg $0xFFFFFFFF  }
0xc7: {  	_ =	task.clear_ibuf [dreg:s8], $0x2FFFF;
	_ =	strace $0x9FFFFFFF  }
0xc8: {  	(tm) =	ssettm $0x7FFFFFFF  }
0xc9: {  	_ =	shalt  }
tec
execute0_lowered:
.L_overlay_start_1:
0x0: {  	(tag) =	ssettag $0x1  }
0x1: {  	s0 =	rddreg [dreg:$0x0];
	s1 =	srdreg.scid  }
0x2: {  	s17 =	rddreg [dreg:$0x1];
	s28 =	stileid.u32;
	s2 =	simm.s32 $0x0  }
0x3: {  	s21 =	simm.s32 $0x200;
	s22 =	simm.s32 $0x400;
	s23 =	simm.s32 $0x2000  }
0x4: {  	s24 =	simm.s32 $0x1;
	s25 =	simm.s32 $0x4000;
	s26 =	simm.s32 $0x2  }
0x5: {  	s29 =	simm.s32 $0x3;
	s3 =	sand.u32 $0x1, s1;
	[smem:$0x7FF] =	sst s2  }
0x6: {  	s31 =	sshll.u32 s28, $0x4;
	s4 =	sshll.u32 s3, $0x4;
	s3 =	ssub.s32 $0x2, s3  }
0x7: {  	_ =	strace $0x80000047;
	s16 =	sor.u32 s28, s4;
	s30 =	sshrl.u32 s3, $0x1  }
0x8: {  	s5 =	sshll.u32 s16, $0xE;
	s20 =	ssub.s32 s3, s30;
	s18 =	sshll.u32 s16, $0x9  }
0x9: {  	s3 =	sadd.s32 s0, s5;
	s0 =	sand.u32 $0x70, s31;
	s19 =	sand.u32 $0x3000, s18  }
0xa: {  	s20 =	smax.u32 s20, $0x1;
	s4 =	sadd.s32 $0x40, s3;
	s5 =	sadd.s32 $0x800, s3  }
0xb: {  	s6 =	sadd.s32 $0x840, s3;
	s7 =	sadd.s32 $0x1000, s3;
	s8 =	sadd.s32 $0x1040, s3  }
0xc: {  	s9 =	sadd.s32 $0x1800, s3;
	s10 =	sadd.s32 $0x1840, s3;
	s11 =	sadd.s32 $0x2000, s3  }
0xd: {  	s12 =	sadd.s32 $0x2040, s3;
	s13 =	sadd.s32 $0x2800, s3;
	s14 =	sadd.s32 $0x2840, s3  }
0xe: {  	v1 =	vlaneseq.u32;
	s15 =	sadd.s32 $0x3000, s3;
	s16 =	sadd.s32 $0x3040, s3;
	s0 =	sadd.s32 s17, s0  }
0xf: {  	v0 =	vimm.s32 $0x0;
	v2 =	vimm.s32 $0x1;
	v1 =	vmul.u32 $0x100, v1;
	s17 =	sadd.s32 $0x3800, s3;
	s18 =	sadd.s32 $0x3840, s3;
	s19 =	sadd.s32 s19, s0  }
.LBB2_1:
0x10: {  	s0 =	simm.s32 $0x4040  }
0x11: {  	[tilespmem:s0+$0xFFFFFFC0] =	vst v0  }
0x12: {  	[tilespmem:s0+$0x30] =	vst v0  }
0x13: {  	[tilespmem:s0+$0x20] =	vst v0  }
0x14: {  	[tilespmem:s0+$0x10] =	vst v0  }
0x15: {  	[tilespmem:s0+$0x0] =	vst v0  }
0x16: {  	[tilespmem:s0+$0xFFFFFFF0] =	vst v0  }
0x17: {  	s30 =	simm.s32 $0x0;
	[tilespmem:s0+$0xFFFFFFE0] =	vst v0  }
.LBB2_2:
0x18: {  	s30 =	sadd.s32 $0x80, s30;
	[tilespmem:s0+$0xFFFFFFD0] =	vst v0;
	s0 =	sadd.s32 $0x80, s0  }
0x19: {  	[tilespmem:s0+$0xFFFFFFC0] =	vst v0;
	p0 =	slt.u32 s30, $0xF80  }
0x1a: {  	[tilespmem:s0+$0x30] =	vst v0  }
.Ltmp0:
0x1b: {  	[tilespmem:s0+$0x20] =	vst v0;
	(pc) =	sbr.rel @p0 .LBB2_2-.Ltmp0, $4  }
0x1c: {  	[tilespmem:s0+$0x10] =	vst v0  }
0x1d: {  	[tilespmem:s0+$0x0] =	vst v0  }
0x1e: {  	[tilespmem:s0+$0xFFFFFFF0] =	vst v0  }
0x1f: {  	[tilespmem:s0+$0xFFFFFFE0] =	vst v0  }
0x20: {  	[tilespmem:s0+$0xFFFFFFD0] =	vst v0;
	s28 =	simm.s32 $0x0  }
0x21: {  	[tilespmem:s28], [sflag:$0x1] =	stream.strided.gather [hbm4b:s3+s21], $0x2000, s22, s21, $0x38;
	[tilespmem:$0x5000] =	vst v63  }
0x22: {  	_ = 	snop  }
0x23: {  	[tilespmem:s23], [sflag:$0x2] =	stream.strided.gather [hbm4b:s4+s21], $0x2000, s22, s21, $0x38;
	[tilespmem:$0x5000] =	vst v63  }
0x24: {  	_ =	swait.ge [sflag:s24], $0x2000  }
0x25: {  	s30 =	sand.u32 $0x1C00, s28;
	s0 =	sand.u32 $0x180, s28;
	[sflag:s24] =	ssyncset.done $0x0  }
0x26: {  	s0 =	sor.u32 s0, s30;
	[sflag:s24] =	ssyncadd.s32 $0xFFFFE000  }
0x27: {  	v3 =	vld [tilespmem:s0+$0x270]  }
0x28: {  	v4 =	vld [tilespmem:s0+$0x0]  }
0x29: {  	v5 =	vld [tilespmem:s0+$0x10]  }
0x2a: {  	v6 =	vld [tilespmem:s0+$0x20]  }
0x2b: {  	v7 =	vld [tilespmem:s0+$0x30]  }
0x2c: {  	v8 =	vld [tilespmem:s0+$0x40]  }
0x2d: {  	v9 =	vld [tilespmem:s0+$0x50]  }
0x2e: {  	v10 =	vld [tilespmem:s0+$0x60]  }
0x2f: {  	v11 =	vld [tilespmem:s0+$0x70]  }
0x30: {  	v12 =	vld [tilespmem:s0+$0x200]  }
0x31: {  	v13 =	vld [tilespmem:s0+$0x220];
	v3 =	vor.u32 v1, v3  }
0x32: {  	v14 =	vld [tilespmem:s0+$0x230]  }
0x33: {  	v15 =	vld [tilespmem:s0+$0x240];
	v4 =	vor.u32 v1, v4  }
0x34: {  	v16 =	vld [tilespmem:s0+$0x250];
	v5 =	vor.u32 v1, v5  }
0x35: {  	v17 =	vld [tilespmem:s0+$0x260];
	v6 =	vor.u32 v1, v6  }
0x36: {  	v7 =	vor.u32 v1, v7;
	[tilespmem:v3+s25+$0x0] =	vst.idx.add.s32.msk $0xffff, v2  }
0x37: {  	v8 =	vor.u32 v1, v8;
	v3 =	vld [tilespmem:s0+$0x210]  }
0x38: {  	v9 =	vor.u32 v1, v9;
	[tilespmem:v4+s25+$0x0] =	vst.idx.add.s32.msk $0xffff, v2  }
0x39: {  	v62 =	vor.u32 v1, v14;
	[tilespmem:v5+s25+$0x0] =	vst.idx.add.s32.msk $0xffff, v2  }
0x3a: {  	v63 =	vor.u32 v1, v15;
	[tilespmem:v6+s25+$0x0] =	vst.idx.add.s32.msk $0xffff, v2  }
0x3b: {  	v4 =	vor.u32 v1, v10;
	[tilespmem:v7+s25+$0x0] =	vst.idx.add.s32.msk $0xffff, v2  }
0x3c: {  	[tilespmem:v8+s25+$0x0] =	vst.idx.add.s32.msk $0xffff, v2;
	v3 =	vor.u32 v1, v3  }
0x3d: {  	v5 =	vor.u32 v1, v11;
	[tilespmem:v9+s25+$0x0] =	vst.idx.add.s32.msk $0xffff, v2  }
0x3e: {  	v6 =	vor.u32 v1, v12;
	[tilespmem:v62+s25+$0x0] =	vst.idx.add.s32.msk $0xffff, v2  }
0x3f: {  	v7 =	vor.u32 v1, v13;
	[tilespmem:v63+s25+$0x0] =	vst.idx.add.s32.msk $0xffff, v2  }
0x40: {  	[tilespmem:v4+s25+$0x0] =	vst.idx.add.s32.msk $0xffff, v2;
	v4 =	vor.u32 v1, v16  }
0x41: {  	[tilespmem:v3+s25+$0x0] =	vst.idx.add.s32.msk $0xffff, v2;
	v3 =	vor.u32 v1, v17  }
0x42: {  	[tilespmem:v5+s25+$0x0] =	vst.idx.add.s32.msk $0xffff, v2  }
0x43: {  	[tilespmem:v6+s25+$0x0] =	vst.idx.add.s32.msk $0xffff, v2  }
0x44: {  	s31 =	simm.s32 $0x10;
	s30 =	simm.s32 $0x0;
	s0 =	simm.s32 $0x400;
	[tilespmem:v7+s25+$0x0] =	vst.idx.add.s32.msk $0xffff, v2  }
.LBB2_4:
0x45: {  	s1 =	sand.u32 $0x1C00, s0;
	s28 =	sand.u32 $0x180, s31;
	s30 =	sadd.s32 $0x100, s30;
	[tilespmem:v4+s25+$0x0] =	vst.idx.add.s32.msk $0xffff, v2  }
0x46: {  	s1 =	sor.u32 s28, s1;
	p0 =	slt.u32 s30, $0x1F00;
	[tilespmem:v3+s25+$0x0] =	vst.idx.add.s32.msk $0xffff, v2  }
0x47: {  	v3 =	vld [tilespmem:s1+$0x270]  }
0x48: {  	v4 =	vld [tilespmem:s1+$0x0]  }
0x49: {  	v5 =	vld [tilespmem:s1+$0x10]  }
0x4a: {  	v6 =	vld [tilespmem:s1+$0x20]  }
0x4b: {  	v7 =	vld [tilespmem:s1+$0x30]  }
0x4c: {  	v8 =	vld [tilespmem:s1+$0x40];
	v3 =	vor.u32 v1, v3  }
0x4d: {  	v4 =	vor.u32 v1, v4;
	v9 =	vld [tilespmem:s1+$0x50]  }
0x4e: {  	v5 =	vor.u32 v1, v5;
	v10 =	vld [tilespmem:s1+$0x60]  }
0x4f: {  	v6 =	vor.u32 v1, v6;
	v11 =	vld [tilespmem:s1+$0x70]  }
0x50: {  	v7 =	vor.u32 v1, v7;
	v12 =	vld [tilespmem:s1+$0x200]  }
0x51: {  	v8 =	vor.u32 v1, v8;
	[tilespmem:v3+s25+$0x0] =	vst.idx.add.s32.msk $0xffff, v2  }
0x52: {  	v9 =	vor.u32 v1, v9;
	v3 =	vld [tilespmem:s1+$0x210]  }
0x53: {  	v10 =	vor.u32 v1, v10;
	v13 =	vld [tilespmem:s1+$0x220]  }
0x54: {  	v11 =	vor.u32 v1, v11;
	v14 =	vld [tilespmem:s1+$0x230]  }
0x55: {  	v12 =	vor.u32 v1, v12;
	v15 =	vld [tilespmem:s1+$0x240]  }
0x56: {  	v16 =	vld [tilespmem:s1+$0x250]  }
0x57: {  	v17 =	vor.u32 v1, v3;
	v3 =	vld [tilespmem:s1+$0x260]  }
0x58: {  	[tilespmem:v4+s25+$0x0] =	vst.idx.add.s32.msk $0xffff, v2;
	v13 =	vor.u32 v1, v13  }
0x59: {  	[tilespmem:v5+s25+$0x0] =	vst.idx.add.s32.msk $0xffff, v2;
	v5 =	vor.u32 v1, v14  }
0x5a: {  	[tilespmem:v6+s25+$0x0] =	vst.idx.add.s32.msk $0xffff, v2;
	v6 =	vor.u32 v1, v15  }
0x5b: {  	[tilespmem:v7+s25+$0x0] =	vst.idx.add.s32.msk $0xffff, v2;
	v4 =	vor.u32 v1, v16  }
0x5c: {  	[tilespmem:v8+s25+$0x0] =	vst.idx.add.s32.msk $0xffff, v2;
	v3 =	vor.u32 v1, v3  }
0x5d: {  	[tilespmem:v9+s25+$0x0] =	vst.idx.add.s32.msk $0xffff, v2  }
0x5e: {  	[tilespmem:v10+s25+$0x0] =	vst.idx.add.s32.msk $0xffff, v2  }
0x5f: {  	[tilespmem:v11+s25+$0x0] =	vst.idx.add.s32.msk $0xffff, v2  }
.Ltmp1:
0x60: {  	[tilespmem:v12+s25+$0x0] =	vst.idx.add.s32.msk $0xffff, v2;
	(pc) =	sbr.rel @p0 .LBB2_4-.Ltmp1, $4  }
0x61: {  	[tilespmem:v17+s25+$0x0] =	vst.idx.add.s32.msk $0xffff, v2  }
0x62: {  	[tilespmem:v13+s25+$0x0] =	vst.idx.add.s32.msk $0xffff, v2  }
0x63: {  	[tilespmem:v5+s25+$0x0] =	vst.idx.add.s32.msk $0xffff, v2  }
0x64: {  	s31 =	sadd.s32 $0x10, s31;
	s0 =	sadd.s32 $0x400, s0;
	[tilespmem:v6+s25+$0x0] =	vst.idx.add.s32.msk $0xffff, v2  }
0x65: {  	_ =	sdelay $0x3  }
0x66: {  	[tilespmem:v4+s25+$0x0] =	vst.idx.add.s32.msk $0xffff, v2  }
0x67: {  	[tilespmem:v3+s25+$0x0] =	vst.idx.add.s32.msk $0xffff, v2;
	s0 =	simm.s32 $0x0  }
0x68: {  	[tilespmem:s0], [sflag:$0x1] =	stream.strided.gather [hbm4b:s5+s21], $0x2000, s22, s21, $0x38;
	[tilespmem:$0x5000] =	vst v63  }
0x69: {  	_ =	swait.ge [sflag:s26], $0x2000  }
0x6a: {  	s1 =	sand.u32 $0x1C00, s0;
	s0 =	sand.u32 $0x180, s0;
	[sflag:s26] =	ssyncset.done $0x0  }
0x6b: {  	s0 =	sor.u32 s0, s1;
	[sflag:s26] =	ssyncadd.s32 $0xFFFFE000  }
0x6c: {  	v3 =	vld [tilespmem:s0+$0x2270]  }
0x6d: {  	v4 =	vld [tilespmem:s0+$0x2000]  }
0x6e: {  	v5 =	vld [tilespmem:s0+$0x2010]  }
0x6f: {  	v6 =	vld [tilespmem:s0+$0x2020]  }
0x70: {  	v7 =	vld [tilespmem:s0+$0x2030]  }
0x71: {  	v8 =	vld [tilespmem:s0+$0x2040]  }
0x72: {  	v9 =	vld [tilespmem:s0+$0x2050]  }
0x73: {  	v10 =	vld [tilespmem:s0+$0x2060]  }
0x74: {  	v11 =	vld [tilespmem:s0+$0x2070]  }
0x75: {  	v12 =	vld [tilespmem:s0+$0x2200]  }
0x76: {  	v13 =	vld [tilespmem:s0+$0x2220];
	v3 =	vor.u32 v1, v3  }
0x77: {  	v14 =	vld [tilespmem:s0+$0x2230]  }
0x78: {  	v15 =	vld [tilespmem:s0+$0x2240];
	v4 =	vor.u32 v1, v4  }
0x79: {  	v16 =	vld [tilespmem:s0+$0x2250];
	v5 =	vor.u32 v1, v5  }
0x7a: {  	v17 =	vld [tilespmem:s0+$0x2260];
	v6 =	vor.u32 v1, v6  }
0x7b: {  	v7 =	vor.u32 v1, v7;
	[tilespmem:v3+s25+$0x0] =	vst.idx.add.s32.msk $0xffff, v2  }
0x7c: {  	v8 =	vor.u32 v1, v8;
	v3 =	vld [tilespmem:s0+$0x2210]  }
0x7d: {  	v9 =	vor.u32 v1, v9;
	[tilespmem:v4+s25+$0x0] =	vst.idx.add.s32.msk $0xffff, v2  }
0x7e: {  	v62 =	vor.u32 v1, v14;
	[tilespmem:v5+s25+$0x0] =	vst.idx.add.s32.msk $0xffff, v2  }
0x7f: {  	v63 =	vor.u32 v1, v15;
	[tilespmem:v6+s25+$0x0] =	vst.idx.add.s32.msk $0xffff, v2  }
0x80: {  	v4 =	vor.u32 v1, v10;
	[tilespmem:v7+s25+$0x0] =	vst.idx.add.s32.msk $0xffff, v2  }
0x81: {  	[tilespmem:v8+s25+$0x0] =	vst.idx.add.s32.msk $0xffff, v2;
	v3 =	vor.u32 v1, v3  }
0x82: {  	v5 =	vor.u32 v1, v11;
	[tilespmem:v9+s25+$0x0] =	vst.idx.add.s32.msk $0xffff, v2  }
0x83: {  	v6 =	vor.u32 v1, v12;
	[tilespmem:v62+s25+$0x0] =	vst.idx.add.s32.msk $0xffff, v2  }
0x84: {  	v7 =	vor.u32 v1, v13;
	[tilespmem:v63+s25+$0x0] =	vst.idx.add.s32.msk $0xffff, v2  }
0x85: {  	[tilespmem:v4+s25+$0x0] =	vst.idx.add.s32.msk $0xffff, v2;
	v4 =	vor.u32 v1, v16  }
0x86: {  	[tilespmem:v3+s25+$0x0] =	vst.idx.add.s32.msk $0xffff, v2;
	v3 =	vor.u32 v1, v17  }
0x87: {  	[tilespmem:v5+s25+$0x0] =	vst.idx.add.s32.msk $0xffff, v2  }
0x88: {  	[tilespmem:v6+s25+$0x0] =	vst.idx.add.s32.msk $0xffff, v2  }
0x89: {  	s30 =	simm.s32 $0x0;
	s31 =	simm.s32 $0x10;
	s0 =	simm.s32 $0x400;
	[tilespmem:v7+s25+$0x0] =	vst.idx.add.s32.msk $0xffff, v2  }
.LBB2_6:
0x8a: {  	s1 =	sand.u32 $0x1C00, s0;
	s28 =	sand.u32 $0x180, s31;
	s30 =	sadd.s32 $0x100, s30;
	[tilespmem:v4+s25+$0x0] =	vst.idx.add.s32.msk $0xffff, v2  }
0x8b: {  	s1 =	sor.u32 s28, s1;
	p0 =	slt.u32 s30, $0x1F00;
	[tilespmem:v3+s25+$0x0] =	vst.idx.add.s32.msk $0xffff, v2  }
0x8c: {  	v3 =	vld [tilespmem:s1+$0x2270]  }
0x8d: {  	v4 =	vld [tilespmem:s1+$0x2000]  }
0x8e: {  	v5 =	vld [tilespmem:s1+$0x2010]  }
0x8f: {  	v6 =	vld [tilespmem:s1+$0x2020]  }
0x90: {  	v7 =	vld [tilespmem:s1+$0x2030]  }
0x91: {  	v8 =	vld [tilespmem:s1+$0x2040];
	v3 =	vor.u32 v1, v3  }
0x92: {  	v4 =	vor.u32 v1, v4;
	v9 =	vld [tilespmem:s1+$0x2050]  }
0x93: {  	v5 =	vor.u32 v1, v5;
	v10 =	vld [tilespmem:s1+$0x2060]  }
0x94: {  	v6 =	vor.u32 v1, v6;
	v11 =	vld [tilespmem:s1+$0x2070]  }
0x95: {  	v7 =	vor.u32 v1, v7;
	v12 =	vld [tilespmem:s1+$0x2200]  }
0x96: {  	v8 =	vor.u32 v1, v8;
	[tilespmem:v3+s25+$0x0] =	vst.idx.add.s32.msk $0xffff, v2  }
0x97: {  	v9 =	vor.u32 v1, v9;
	v3 =	vld [tilespmem:s1+$0x2210]  }
0x98: {  	v10 =	vor.u32 v1, v10;
	v13 =	vld [tilespmem:s1+$0x2220]  }
0x99: {  	v11 =	vor.u32 v1, v11;
	v14 =	vld [tilespmem:s1+$0x2230]  }
0x9a: {  	v12 =	vor.u32 v1, v12;
	v15 =	vld [tilespmem:s1+$0x2240]  }
0x9b: {  	v16 =	vld [tilespmem:s1+$0x2250]  }
0x9c: {  	v17 =	vor.u32 v1, v3;
	v3 =	vld [tilespmem:s1+$0x2260]  }
0x9d: {  	[tilespmem:v4+s25+$0x0] =	vst.idx.add.s32.msk $0xffff, v2;
	v13 =	vor.u32 v1, v13  }
0x9e: {  	[tilespmem:v5+s25+$0x0] =	vst.idx.add.s32.msk $0xffff, v2;
	v5 =	vor.u32 v1, v14  }
0x9f: {  	[tilespmem:v6+s25+$0x0] =	vst.idx.add.s32.msk $0xffff, v2;
	v6 =	vor.u32 v1, v15  }
0xa0: {  	[tilespmem:v7+s25+$0x0] =	vst.idx.add.s32.msk $0xffff, v2;
	v4 =	vor.u32 v1, v16  }
0xa1: {  	[tilespmem:v8+s25+$0x0] =	vst.idx.add.s32.msk $0xffff, v2;
	v3 =	vor.u32 v1, v3  }
0xa2: {  	[tilespmem:v9+s25+$0x0] =	vst.idx.add.s32.msk $0xffff, v2  }
0xa3: {  	[tilespmem:v10+s25+$0x0] =	vst.idx.add.s32.msk $0xffff, v2  }
0xa4: {  	[tilespmem:v11+s25+$0x0] =	vst.idx.add.s32.msk $0xffff, v2  }
.Ltmp2:
0xa5: {  	[tilespmem:v12+s25+$0x0] =	vst.idx.add.s32.msk $0xffff, v2;
	(pc) =	sbr.rel @p0 .LBB2_6-.Ltmp2, $4  }
0xa6: {  	[tilespmem:v17+s25+$0x0] =	vst.idx.add.s32.msk $0xffff, v2  }
0xa7: {  	[tilespmem:v13+s25+$0x0] =	vst.idx.add.s32.msk $0xffff, v2  }
0xa8: {  	[tilespmem:v5+s25+$0x0] =	vst.idx.add.s32.msk $0xffff, v2  }
0xa9: {  	s31 =	sadd.s32 $0x10, s31;
	s0 =	sadd.s32 $0x400, s0;
	[tilespmem:v6+s25+$0x0] =	vst.idx.add.s32.msk $0xffff, v2  }
0xaa: {  	_ =	sdelay $0x3  }
0xab: {  	[tilespmem:v4+s25+$0x0] =	vst.idx.add.s32.msk $0xffff, v2  }
0xac: {  	[tilespmem:v3+s25+$0x0] =	vst.idx.add.s32.msk $0xffff, v2  }
0xad: {  	[tilespmem:s23], [sflag:$0x2] =	stream.strided.gather [hbm4b:s6+s21], $0x2000, s22, s21, $0x38;
	[tilespmem:$0x5000] =	vst v63  }
0xae: {  	s0 =	simm.s32 $0x0;
	_ =	swait.ge [sflag:s24], $0x2000  }
0xaf: {  	s1 =	sand.u32 $0x1C00, s0;
	s0 =	sand.u32 $0x180, s0;
	[sflag:s24] =	ssyncset.done $0x0  }
0xb0: {  	s0 =	sor.u32 s0, s1;
	[sflag:s24] =	ssyncadd.s32 $0xFFFFE000  }
0xb1: {  	v3 =	vld [tilespmem:s0+$0x270]  }
0xb2: {  	v4 =	vld [tilespmem:s0+$0x0]  }
0xb3: {  	v5 =	vld [tilespmem:s0+$0x10]  }
0xb4: {  	v6 =	vld [tilespmem:s0+$0x20]  }
0xb5: {  	v7 =	vld [tilespmem:s0+$0x30]  }
0xb6: {  	v8 =	vld [tilespmem:s0+$0x40]  }
0xb7: {  	v9 =	vld [tilespmem:s0+$0x50]  }
0xb8: {  	v10 =	vld [tilespmem:s0+$0x60]  }
0xb9: {  	v11 =	vld [tilespmem:s0+$0x70]  }
0xba: {  	v12 =	vld [tilespmem:s0+$0x200]  }
0xbb: {  	v13 =	vld [tilespmem:s0+$0x220];
	v3 =	vor.u32 v1, v3  }
0xbc: {  	v14 =	vld [tilespmem:s0+$0x230]  }
0xbd: {  	v15 =	vld [tilespmem:s0+$0x240];
	v4 =	vor.u32 v1, v4  }
0xbe: {  	v16 =	vld [tilespmem:s0+$0x250];
	v5 =	vor.u32 v1, v5  }
0xbf: {  	v17 =	vld [tilespmem:s0+$0x260];
	v6 =	vor.u32 v1, v6  }
0xc0: {  	v7 =	vor.u32 v1, v7;
	[tilespmem:v3+s25+$0x0] =	vst.idx.add.s32.msk $0xffff, v2  }
0xc1: {  	v8 =	vor.u32 v1, v8;
	v3 =	vld [tilespmem:s0+$0x210]  }
0xc2: {  	v9 =	vor.u32 v1, v9;
	[tilespmem:v4+s25+$0x0] =	vst.idx.add.s32.msk $0xffff, v2  }
0xc3: {  	v62 =	vor.u32 v1, v14;
	[tilespmem:v5+s25+$0x0] =	vst.idx.add.s32.msk $0xffff, v2  }
0xc4: {  	v63 =	vor.u32 v1, v15;
	[tilespmem:v6+s25+$0x0] =	vst.idx.add.s32.msk $0xffff, v2  }
0xc5: {  	v4 =	vor.u32 v1, v10;
	[tilespmem:v7+s25+$0x0] =	vst.idx.add.s32.msk $0xffff, v2  }
0xc6: {  	[tilespmem:v8+s25+$0x0] =	vst.idx.add.s32.msk $0xffff, v2;
	v3 =	vor.u32 v1, v3  }
0xc7: {  	v5 =	vor.u32 v1, v11;
	[tilespmem:v9+s25+$0x0] =	vst.idx.add.s32.msk $0xffff, v2  }
0xc8: {  	v6 =	vor.u32 v1, v12;
	[tilespmem:v62+s25+$0x0] =	vst.idx.add.s32.msk $0xffff, v2  }
0xc9: {  	v7 =	vor.u32 v1, v13;
	[tilespmem:v63+s25+$0x0] =	vst.idx.add.s32.msk $0xffff, v2  }
0xca: {  	[tilespmem:v4+s25+$0x0] =	vst.idx.add.s32.msk $0xffff, v2;
	v4 =	vor.u32 v1, v16  }
0xcb: {  	[tilespmem:v3+s25+$0x0] =	vst.idx.add.s32.msk $0xffff, v2;
	v3 =	vor.u32 v1, v17  }
0xcc: {  	[tilespmem:v5+s25+$0x0] =	vst.idx.add.s32.msk $0xffff, v2  }
0xcd: {  	[tilespmem:v6+s25+$0x0] =	vst.idx.add.s32.msk $0xffff, v2  }
0xce: {  	s30 =	simm.s32 $0x0;
	s31 =	simm.s32 $0x10;
	s0 =	simm.s32 $0x400;
	[tilespmem:v7+s25+$0x0] =	vst.idx.add.s32.msk $0xffff, v2  }
.LBB2_8:
0xcf: {  	s1 =	sand.u32 $0x1C00, s0;
	s28 =	sand.u32 $0x180, s31;
	s30 =	sadd.s32 $0x100, s30;
	[tilespmem:v4+s25+$0x0] =	vst.idx.add.s32.msk $0xffff, v2  }
0xd0: {  	s1 =	sor.u32 s28, s1;
	p0 =	slt.u32 s30, $0x1F00;
	[tilespmem:v3+s25+$0x0] =	vst.idx.add.s32.msk $0xffff, v2  }
0xd1: {  	v3 =	vld [tilespmem:s1+$0x270]  }
0xd2: {  	v4 =	vld [tilespmem:s1+$0x0]  }
0xd3: {  	v5 =	vld [tilespmem:s1+$0x10]  }
0xd4: {  	v6 =	vld [tilespmem:s1+$0x20]  }
0xd5: {  	v7 =	vld [tilespmem:s1+$0x30]  }
0xd6: {  	v8 =	vld [tilespmem:s1+$0x40];
	v3 =	vor.u32 v1, v3  }
0xd7: {  	v4 =	vor.u32 v1, v4;
	v9 =	vld [tilespmem:s1+$0x50]  }
0xd8: {  	v5 =	vor.u32 v1, v5;
	v10 =	vld [tilespmem:s1+$0x60]  }
0xd9: {  	v6 =	vor.u32 v1, v6;
	v11 =	vld [tilespmem:s1+$0x70]  }
0xda: {  	v7 =	vor.u32 v1, v7;
	v12 =	vld [tilespmem:s1+$0x200]  }
0xdb: {  	v8 =	vor.u32 v1, v8;
	[tilespmem:v3+s25+$0x0] =	vst.idx.add.s32.msk $0xffff, v2  }
0xdc: {  	v9 =	vor.u32 v1, v9;
	v3 =	vld [tilespmem:s1+$0x210]  }
0xdd: {  	v10 =	vor.u32 v1, v10;
	v13 =	vld [tilespmem:s1+$0x220]  }
0xde: {  	v11 =	vor.u32 v1, v11;
	v14 =	vld [tilespmem:s1+$0x230]  }
0xdf: {  	v12 =	vor.u32 v1, v12;
	v15 =	vld [tilespmem:s1+$0x240]  }
0xe0: {  	v16 =	vld [tilespmem:s1+$0x250]  }
0xe1: {  	v17 =	vor.u32 v1, v3;
	v3 =	vld [tilespmem:s1+$0x260]  }
0xe2: {  	[tilespmem:v4+s25+$0x0] =	vst.idx.add.s32.msk $0xffff, v2;
	v13 =	vor.u32 v1, v13  }
0xe3: {  	[tilespmem:v5+s25+$0x0] =	vst.idx.add.s32.msk $0xffff, v2;
	v5 =	vor.u32 v1, v14  }
0xe4: {  	[tilespmem:v6+s25+$0x0] =	vst.idx.add.s32.msk $0xffff, v2;
	v6 =	vor.u32 v1, v15  }
0xe5: {  	[tilespmem:v7+s25+$0x0] =	vst.idx.add.s32.msk $0xffff, v2;
	v4 =	vor.u32 v1, v16  }
0xe6: {  	[tilespmem:v8+s25+$0x0] =	vst.idx.add.s32.msk $0xffff, v2;
	v3 =	vor.u32 v1, v3  }
0xe7: {  	[tilespmem:v9+s25+$0x0] =	vst.idx.add.s32.msk $0xffff, v2  }
0xe8: {  	[tilespmem:v10+s25+$0x0] =	vst.idx.add.s32.msk $0xffff, v2  }
0xe9: {  	[tilespmem:v11+s25+$0x0] =	vst.idx.add.s32.msk $0xffff, v2  }
.Ltmp3:
0xea: {  	[tilespmem:v12+s25+$0x0] =	vst.idx.add.s32.msk $0xffff, v2;
	(pc) =	sbr.rel @p0 .LBB2_8-.Ltmp3, $4  }
0xeb: {  	[tilespmem:v17+s25+$0x0] =	vst.idx.add.s32.msk $0xffff, v2  }
0xec: {  	[tilespmem:v13+s25+$0x0] =	vst.idx.add.s32.msk $0xffff, v2  }
0xed: {  	[tilespmem:v5+s25+$0x0] =	vst.idx.add.s32.msk $0xffff, v2  }
0xee: {  	s31 =	sadd.s32 $0x10, s31;
	s0 =	sadd.s32 $0x400, s0;
	[tilespmem:v6+s25+$0x0] =	vst.idx.add.s32.msk $0xffff, v2  }
0xef: {  	_ =	sdelay $0x3  }
0xf0: {  	[tilespmem:v4+s25+$0x0] =	vst.idx.add.s32.msk $0xffff, v2  }
0xf1: {  	[tilespmem:v3+s25+$0x0] =	vst.idx.add.s32.msk $0xffff, v2;
	s0 =	simm.s32 $0x0  }
0xf2: {  	[tilespmem:s0], [sflag:$0x1] =	stream.strided.gather [hbm4b:s7+s21], $0x2000, s22, s21, $0x38;
	[tilespmem:$0x5000] =	vst v63  }
0xf3: {  	_ =	swait.ge [sflag:s26], $0x2000  }
0xf4: {  	s1 =	sand.u32 $0x1C00, s0;
	s0 =	sand.u32 $0x180, s0;
	[sflag:s26] =	ssyncset.done $0x0  }
0xf5: {  	s0 =	sor.u32 s0, s1;
	[sflag:s26] =	ssyncadd.s32 $0xFFFFE000  }
0xf6: {  	v3 =	vld [tilespmem:s0+$0x2270]  }
0xf7: {  	v4 =	vld [tilespmem:s0+$0x2000]  }
0xf8: {  	v5 =	vld [tilespmem:s0+$0x2010]  }
0xf9: {  	v6 =	vld [tilespmem:s0+$0x2020]  }
0xfa: {  	v7 =	vld [tilespmem:s0+$0x2030]  }
0xfb: {  	v8 =	vld [tilespmem:s0+$0x2040]  }
0xfc: {  	v9 =	vld [tilespmem:s0+$0x2050]  }
0xfd: {  	v10 =	vld [tilespmem:s0+$0x2060]  }
0xfe: {  	v11 =	vld [tilespmem:s0+$0x2070]  }
0xff: {  	v12 =	vld [tilespmem:s0+$0x2200]  }
0x100: {  	v13 =	vld [tilespmem:s0+$0x2220];
	v3 =	vor.u32 v1, v3  }
0x101: {  	v14 =	vld [tilespmem:s0+$0x2230]  }
0x102: {  	v15 =	vld [tilespmem:s0+$0x2240];
	v4 =	vor.u32 v1, v4  }
0x103: {  	v16 =	vld [tilespmem:s0+$0x2250];
	v5 =	vor.u32 v1, v5  }
0x104: {  	v17 =	vld [tilespmem:s0+$0x2260];
	v6 =	vor.u32 v1, v6  }
0x105: {  	v7 =	vor.u32 v1, v7;
	[tilespmem:v3+s25+$0x0] =	vst.idx.add.s32.msk $0xffff, v2  }
0x106: {  	v8 =	vor.u32 v1, v8;
	v3 =	vld [tilespmem:s0+$0x2210]  }
0x107: {  	v9 =	vor.u32 v1, v9;
	[tilespmem:v4+s25+$0x0] =	vst.idx.add.s32.msk $0xffff, v2  }
0x108: {  	v62 =	vor.u32 v1, v14;
	[tilespmem:v5+s25+$0x0] =	vst.idx.add.s32.msk $0xffff, v2  }
0x109: {  	v63 =	vor.u32 v1, v15;
	[tilespmem:v6+s25+$0x0] =	vst.idx.add.s32.msk $0xffff, v2  }
0x10a: {  	v4 =	vor.u32 v1, v10;
	[tilespmem:v7+s25+$0x0] =	vst.idx.add.s32.msk $0xffff, v2  }
0x10b: {  	[tilespmem:v8+s25+$0x0] =	vst.idx.add.s32.msk $0xffff, v2;
	v3 =	vor.u32 v1, v3  }
0x10c: {  	v5 =	vor.u32 v1, v11;
	[tilespmem:v9+s25+$0x0] =	vst.idx.add.s32.msk $0xffff, v2  }
0x10d: {  	v6 =	vor.u32 v1, v12;
	[tilespmem:v62+s25+$0x0] =	vst.idx.add.s32.msk $0xffff, v2  }
0x10e: {  	v7 =	vor.u32 v1, v13;
	[tilespmem:v63+s25+$0x0] =	vst.idx.add.s32.msk $0xffff, v2  }
0x10f: {  	[tilespmem:v4+s25+$0x0] =	vst.idx.add.s32.msk $0xffff, v2;
	v4 =	vor.u32 v1, v16  }
0x110: {  	[tilespmem:v3+s25+$0x0] =	vst.idx.add.s32.msk $0xffff, v2;
	v3 =	vor.u32 v1, v17  }
0x111: {  	[tilespmem:v5+s25+$0x0] =	vst.idx.add.s32.msk $0xffff, v2  }
0x112: {  	[tilespmem:v6+s25+$0x0] =	vst.idx.add.s32.msk $0xffff, v2  }
0x113: {  	s30 =	simm.s32 $0x0;
	s31 =	simm.s32 $0x10;
	s0 =	simm.s32 $0x400;
	[tilespmem:v7+s25+$0x0] =	vst.idx.add.s32.msk $0xffff, v2  }
.LBB2_10:
0x114: {  	s1 =	sand.u32 $0x1C00, s0;
	s28 =	sand.u32 $0x180, s31;
	s30 =	sadd.s32 $0x100, s30;
	[tilespmem:v4+s25+$0x0] =	vst.idx.add.s32.msk $0xffff, v2  }
0x115: {  	s1 =	sor.u32 s28, s1;
	p0 =	slt.u32 s30, $0x1F00;
	[tilespmem:v3+s25+$0x0] =	vst.idx.add.s32.msk $0xffff, v2  }
0x116: {  	v3 =	vld [tilespmem:s1+$0x2270]  }
0x117: {  	v4 =	vld [tilespmem:s1+$0x2000]  }
0x118: {  	v5 =	vld [tilespmem:s1+$0x2010]  }
0x119: {  	v6 =	vld [tilespmem:s1+$0x2020]  }
0x11a: {  	v7 =	vld [tilespmem:s1+$0x2030]  }
0x11b: {  	v8 =	vld [tilespmem:s1+$0x2040];
	v3 =	vor.u32 v1, v3  }
0x11c: {  	v4 =	vor.u32 v1, v4;
	v9 =	vld [tilespmem:s1+$0x2050]  }
0x11d: {  	v5 =	vor.u32 v1, v5;
	v10 =	vld [tilespmem:s1+$0x2060]  }
0x11e: {  	v6 =	vor.u32 v1, v6;
	v11 =	vld [tilespmem:s1+$0x2070]  }
0x11f: {  	v7 =	vor.u32 v1, v7;
	v12 =	vld [tilespmem:s1+$0x2200]  }
0x120: {  	v8 =	vor.u32 v1, v8;
	[tilespmem:v3+s25+$0x0] =	vst.idx.add.s32.msk $0xffff, v2  }
0x121: {  	v9 =	vor.u32 v1, v9;
	v3 =	vld [tilespmem:s1+$0x2210]  }
0x122: {  	v10 =	vor.u32 v1, v10;
	v13 =	vld [tilespmem:s1+$0x2220]  }
0x123: {  	v11 =	vor.u32 v1, v11;
	v14 =	vld [tilespmem:s1+$0x2230]  }
0x124: {  	v12 =	vor.u32 v1, v12;
	v15 =	vld [tilespmem:s1+$0x2240]  }
0x125: {  	v16 =	vld [tilespmem:s1+$0x2250]  }
0x126: {  	v17 =	vor.u32 v1, v3;
	v3 =	vld [tilespmem:s1+$0x2260]  }
0x127: {  	[tilespmem:v4+s25+$0x0] =	vst.idx.add.s32.msk $0xffff, v2;
	v13 =	vor.u32 v1, v13  }
0x128: {  	[tilespmem:v5+s25+$0x0] =	vst.idx.add.s32.msk $0xffff, v2;
	v5 =	vor.u32 v1, v14  }
0x129: {  	[tilespmem:v6+s25+$0x0] =	vst.idx.add.s32.msk $0xffff, v2;
	v6 =	vor.u32 v1, v15  }
0x12a: {  	[tilespmem:v7+s25+$0x0] =	vst.idx.add.s32.msk $0xffff, v2;
	v4 =	vor.u32 v1, v16  }
0x12b: {  	[tilespmem:v8+s25+$0x0] =	vst.idx.add.s32.msk $0xffff, v2;
	v3 =	vor.u32 v1, v3  }
0x12c: {  	[tilespmem:v9+s25+$0x0] =	vst.idx.add.s32.msk $0xffff, v2  }
0x12d: {  	[tilespmem:v10+s25+$0x0] =	vst.idx.add.s32.msk $0xffff, v2  }
0x12e: {  	[tilespmem:v11+s25+$0x0] =	vst.idx.add.s32.msk $0xffff, v2  }
.Ltmp4:
0x12f: {  	[tilespmem:v12+s25+$0x0] =	vst.idx.add.s32.msk $0xffff, v2;
	(pc) =	sbr.rel @p0 .LBB2_10-.Ltmp4, $4  }
0x130: {  	[tilespmem:v17+s25+$0x0] =	vst.idx.add.s32.msk $0xffff, v2  }
0x131: {  	[tilespmem:v13+s25+$0x0] =	vst.idx.add.s32.msk $0xffff, v2  }
0x132: {  	[tilespmem:v5+s25+$0x0] =	vst.idx.add.s32.msk $0xffff, v2  }
0x133: {  	s31 =	sadd.s32 $0x10, s31;
	s0 =	sadd.s32 $0x400, s0;
	[tilespmem:v6+s25+$0x0] =	vst.idx.add.s32.msk $0xffff, v2  }
0x134: {  	_ =	sdelay $0x3  }
0x135: {  	[tilespmem:v4+s25+$0x0] =	vst.idx.add.s32.msk $0xffff, v2  }
0x136: {  	[tilespmem:v3+s25+$0x0] =	vst.idx.add.s32.msk $0xffff, v2  }
0x137: {  	[tilespmem:s23], [sflag:$0x2] =	stream.strided.gather [hbm4b:s8+s21], $0x2000, s22, s21, $0x38;
	[tilespmem:$0x5000] =	vst v63  }
0x138: {  	s0 =	simm.s32 $0x0;
	_ =	swait.ge [sflag:s24], $0x2000  }
0x139: {  	s1 =	sand.u32 $0x1C00, s0;
	s0 =	sand.u32 $0x180, s0;
	[sflag:s24] =	ssyncset.done $0x0  }
0x13a: {  	s0 =	sor.u32 s0, s1;
	[sflag:s24] =	ssyncadd.s32 $0xFFFFE000  }
0x13b: {  	v3 =	vld [tilespmem:s0+$0x270]  }
0x13c: {  	v4 =	vld [tilespmem:s0+$0x0]  }
0x13d: {  	v5 =	vld [tilespmem:s0+$0x10]  }
0x13e: {  	v6 =	vld [tilespmem:s0+$0x20]  }
0x13f: {  	v7 =	vld [tilespmem:s0+$0x30]  }
0x140: {  	v8 =	vld [tilespmem:s0+$0x40]  }
0x141: {  	v9 =	vld [tilespmem:s0+$0x50]  }
0x142: {  	v10 =	vld [tilespmem:s0+$0x60]  }
0x143: {  	v11 =	vld [tilespmem:s0+$0x70]  }
0x144: {  	v12 =	vld [tilespmem:s0+$0x200]  }
0x145: {  	v13 =	vld [tilespmem:s0+$0x220];
	v3 =	vor.u32 v1, v3  }
0x146: {  	v14 =	vld [tilespmem:s0+$0x230]  }
0x147: {  	v15 =	vld [tilespmem:s0+$0x240];
	v4 =	vor.u32 v1, v4  }
0x148: {  	v16 =	vld [tilespmem:s0+$0x250];
	v5 =	vor.u32 v1, v5  }
0x149: {  	v17 =	vld [tilespmem:s0+$0x260];
	v6 =	vor.u32 v1, v6  }
0x14a: {  	v7 =	vor.u32 v1, v7;
	[tilespmem:v3+s25+$0x0] =	vst.idx.add.s32.msk $0xffff, v2  }
0x14b: {  	v8 =	vor.u32 v1, v8;
	v3 =	vld [tilespmem:s0+$0x210]  }
0x14c: {  	v9 =	vor.u32 v1, v9;
	[tilespmem:v4+s25+$0x0] =	vst.idx.add.s32.msk $0xffff, v2  }
0x14d: {  	v62 =	vor.u32 v1, v14;
	[tilespmem:v5+s25+$0x0] =	vst.idx.add.s32.msk $0xffff, v2  }
0x14e: {  	v63 =	vor.u32 v1, v15;
	[tilespmem:v6+s25+$0x0] =	vst.idx.add.s32.msk $0xffff, v2  }
0x14f: {  	v4 =	vor.u32 v1, v10;
	[tilespmem:v7+s25+$0x0] =	vst.idx.add.s32.msk $0xffff, v2  }
0x150: {  	[tilespmem:v8+s25+$0x0] =	vst.idx.add.s32.msk $0xffff, v2;
	v3 =	vor.u32 v1, v3  }
0x151: {  	v5 =	vor.u32 v1, v11;
	[tilespmem:v9+s25+$0x0] =	vst.idx.add.s32.msk $0xffff, v2  }
0x152: {  	v6 =	vor.u32 v1, v12;
	[tilespmem:v62+s25+$0x0] =	vst.idx.add.s32.msk $0xffff, v2  }
0x153: {  	v7 =	vor.u32 v1, v13;
	[tilespmem:v63+s25+$0x0] =	vst.idx.add.s32.msk $0xffff, v2  }
0x154: {  	[tilespmem:v4+s25+$0x0] =	vst.idx.add.s32.msk $0xffff, v2;
	v4 =	vor.u32 v1, v16  }
0x155: {  	[tilespmem:v3+s25+$0x0] =	vst.idx.add.s32.msk $0xffff, v2;
	v3 =	vor.u32 v1, v17  }
0x156: {  	[tilespmem:v5+s25+$0x0] =	vst.idx.add.s32.msk $0xffff, v2  }
0x157: {  	[tilespmem:v6+s25+$0x0] =	vst.idx.add.s32.msk $0xffff, v2  }
0x158: {  	s30 =	simm.s32 $0x0;
	s31 =	simm.s32 $0x10;
	s0 =	simm.s32 $0x400;
	[tilespmem:v7+s25+$0x0] =	vst.idx.add.s32.msk $0xffff, v2  }
.LBB2_12:
0x159: {  	s1 =	sand.u32 $0x1C00, s0;
	s28 =	sand.u32 $0x180, s31;
	s30 =	sadd.s32 $0x100, s30;
	[tilespmem:v4+s25+$0x0] =	vst.idx.add.s32.msk $0xffff, v2  }
0x15a: {  	s1 =	sor.u32 s28, s1;
	p0 =	slt.u32 s30, $0x1F00;
	[tilespmem:v3+s25+$0x0] =	vst.idx.add.s32.msk $0xffff, v2  }
0x15b: {  	v3 =	vld [tilespmem:s1+$0x270]  }
0x15c: {  	v4 =	vld [tilespmem:s1+$0x0]  }
0x15d: {  	v5 =	vld [tilespmem:s1+$0x10]  }
0x15e: {  	v6 =	vld [tilespmem:s1+$0x20]  }
0x15f: {  	v7 =	vld [tilespmem:s1+$0x30]  }
0x160: {  	v8 =	vld [tilespmem:s1+$0x40];
	v3 =	vor.u32 v1, v3  }
0x161: {  	v4 =	vor.u32 v1, v4;
	v9 =	vld [tilespmem:s1+$0x50]  }
0x162: {  	v5 =	vor.u32 v1, v5;
	v10 =	vld [tilespmem:s1+$0x60]  }
0x163: {  	v6 =	vor.u32 v1, v6;
	v11 =	vld [tilespmem:s1+$0x70]  }
0x164: {  	v7 =	vor.u32 v1, v7;
	v12 =	vld [tilespmem:s1+$0x200]  }
0x165: {  	v8 =	vor.u32 v1, v8;
	[tilespmem:v3+s25+$0x0] =	vst.idx.add.s32.msk $0xffff, v2  }
0x166: {  	v9 =	vor.u32 v1, v9;
	v3 =	vld [tilespmem:s1+$0x210]  }
0x167: {  	v10 =	vor.u32 v1, v10;
	v13 =	vld [tilespmem:s1+$0x220]  }
0x168: {  	v11 =	vor.u32 v1, v11;
	v14 =	vld [tilespmem:s1+$0x230]  }
0x169: {  	v12 =	vor.u32 v1, v12;
	v15 =	vld [tilespmem:s1+$0x240]  }
0x16a: {  	v16 =	vld [tilespmem:s1+$0x250]  }
0x16b: {  	v17 =	vor.u32 v1, v3;
	v3 =	vld [tilespmem:s1+$0x260]  }
0x16c: {  	[tilespmem:v4+s25+$0x0] =	vst.idx.add.s32.msk $0xffff, v2;
	v13 =	vor.u32 v1, v13  }
0x16d: {  	[tilespmem:v5+s25+$0x0] =	vst.idx.add.s32.msk $0xffff, v2;
	v5 =	vor.u32 v1, v14  }
0x16e: {  	[tilespmem:v6+s25+$0x0] =	vst.idx.add.s32.msk $0xffff, v2;
	v6 =	vor.u32 v1, v15  }
0x16f: {  	[tilespmem:v7+s25+$0x0] =	vst.idx.add.s32.msk $0xffff, v2;
	v4 =	vor.u32 v1, v16  }
0x170: {  	[tilespmem:v8+s25+$0x0] =	vst.idx.add.s32.msk $0xffff, v2;
	v3 =	vor.u32 v1, v3  }
0x171: {  	[tilespmem:v9+s25+$0x0] =	vst.idx.add.s32.msk $0xffff, v2  }
0x172: {  	[tilespmem:v10+s25+$0x0] =	vst.idx.add.s32.msk $0xffff, v2  }
0x173: {  	[tilespmem:v11+s25+$0x0] =	vst.idx.add.s32.msk $0xffff, v2  }
.Ltmp5:
0x174: {  	[tilespmem:v12+s25+$0x0] =	vst.idx.add.s32.msk $0xffff, v2;
	(pc) =	sbr.rel @p0 .LBB2_12-.Ltmp5, $4  }
0x175: {  	[tilespmem:v17+s25+$0x0] =	vst.idx.add.s32.msk $0xffff, v2  }
0x176: {  	[tilespmem:v13+s25+$0x0] =	vst.idx.add.s32.msk $0xffff, v2  }
0x177: {  	[tilespmem:v5+s25+$0x0] =	vst.idx.add.s32.msk $0xffff, v2  }
0x178: {  	s31 =	sadd.s32 $0x10, s31;
	s0 =	sadd.s32 $0x400, s0;
	[tilespmem:v6+s25+$0x0] =	vst.idx.add.s32.msk $0xffff, v2  }
0x179: {  	_ =	sdelay $0x3  }
0x17a: {  	[tilespmem:v4+s25+$0x0] =	vst.idx.add.s32.msk $0xffff, v2  }
0x17b: {  	[tilespmem:v3+s25+$0x0] =	vst.idx.add.s32.msk $0xffff, v2;
	s0 =	simm.s32 $0x0  }
0x17c: {  	[tilespmem:s0], [sflag:$0x1] =	stream.strided.gather [hbm4b:s9+s21], $0x2000, s22, s21, $0x38;
	[tilespmem:$0x5000] =	vst v63  }
0x17d: {  	_ =	swait.ge [sflag:s26], $0x2000  }
0x17e: {  	s1 =	sand.u32 $0x1C00, s0;
	s0 =	sand.u32 $0x180, s0;
	[sflag:s26] =	ssyncset.done $0x0  }
0x17f: {  	s0 =	sor.u32 s0, s1;
	[sflag:s26] =	ssyncadd.s32 $0xFFFFE000  }
0x180: {  	v3 =	vld [tilespmem:s0+$0x2270]  }
0x181: {  	v4 =	vld [tilespmem:s0+$0x2000]  }
0x182: {  	v5 =	vld [tilespmem:s0+$0x2010]  }
0x183: {  	v6 =	vld [tilespmem:s0+$0x2020]  }
0x184: {  	v7 =	vld [tilespmem:s0+$0x2030]  }
0x185: {  	v8 =	vld [tilespmem:s0+$0x2040]  }
0x186: {  	v9 =	vld [tilespmem:s0+$0x2050]  }
0x187: {  	v10 =	vld [tilespmem:s0+$0x2060]  }
0x188: {  	v11 =	vld [tilespmem:s0+$0x2070]  }
0x189: {  	v12 =	vld [tilespmem:s0+$0x2200]  }
0x18a: {  	v13 =	vld [tilespmem:s0+$0x2220];
	v3 =	vor.u32 v1, v3  }
0x18b: {  	v14 =	vld [tilespmem:s0+$0x2230]  }
0x18c: {  	v15 =	vld [tilespmem:s0+$0x2240];
	v4 =	vor.u32 v1, v4  }
0x18d: {  	v16 =	vld [tilespmem:s0+$0x2250];
	v5 =	vor.u32 v1, v5  }
0x18e: {  	v17 =	vld [tilespmem:s0+$0x2260];
	v6 =	vor.u32 v1, v6  }
0x18f: {  	v7 =	vor.u32 v1, v7;
	[tilespmem:v3+s25+$0x0] =	vst.idx.add.s32.msk $0xffff, v2  }
0x190: {  	v8 =	vor.u32 v1, v8;
	v3 =	vld [tilespmem:s0+$0x2210]  }
0x191: {  	v9 =	vor.u32 v1, v9;
	[tilespmem:v4+s25+$0x0] =	vst.idx.add.s32.msk $0xffff, v2  }
0x192: {  	v62 =	vor.u32 v1, v14;
	[tilespmem:v5+s25+$0x0] =	vst.idx.add.s32.msk $0xffff, v2  }
0x193: {  	v63 =	vor.u32 v1, v15;
	[tilespmem:v6+s25+$0x0] =	vst.idx.add.s32.msk $0xffff, v2  }
0x194: {  	v4 =	vor.u32 v1, v10;
	[tilespmem:v7+s25+$0x0] =	vst.idx.add.s32.msk $0xffff, v2  }
0x195: {  	[tilespmem:v8+s25+$0x0] =	vst.idx.add.s32.msk $0xffff, v2;
	v3 =	vor.u32 v1, v3  }
0x196: {  	v5 =	vor.u32 v1, v11;
	[tilespmem:v9+s25+$0x0] =	vst.idx.add.s32.msk $0xffff, v2  }
0x197: {  	v6 =	vor.u32 v1, v12;
	[tilespmem:v62+s25+$0x0] =	vst.idx.add.s32.msk $0xffff, v2  }
0x198: {  	v7 =	vor.u32 v1, v13;
	[tilespmem:v63+s25+$0x0] =	vst.idx.add.s32.msk $0xffff, v2  }
0x199: {  	[tilespmem:v4+s25+$0x0] =	vst.idx.add.s32.msk $0xffff, v2;
	v4 =	vor.u32 v1, v16  }
0x19a: {  	[tilespmem:v3+s25+$0x0] =	vst.idx.add.s32.msk $0xffff, v2;
	v3 =	vor.u32 v1, v17  }
0x19b: {  	[tilespmem:v5+s25+$0x0] =	vst.idx.add.s32.msk $0xffff, v2  }
0x19c: {  	[tilespmem:v6+s25+$0x0] =	vst.idx.add.s32.msk $0xffff, v2  }
0x19d: {  	s30 =	simm.s32 $0x0;
	s31 =	simm.s32 $0x10;
	s0 =	simm.s32 $0x400;
	[tilespmem:v7+s25+$0x0] =	vst.idx.add.s32.msk $0xffff, v2  }
.LBB2_14:
0x19e: {  	s1 =	sand.u32 $0x1C00, s0;
	s28 =	sand.u32 $0x180, s31;
	s30 =	sadd.s32 $0x100, s30;
	[tilespmem:v4+s25+$0x0] =	vst.idx.add.s32.msk $0xffff, v2  }
0x19f: {  	s1 =	sor.u32 s28, s1;
	p0 =	slt.u32 s30, $0x1F00;
	[tilespmem:v3+s25+$0x0] =	vst.idx.add.s32.msk $0xffff, v2  }
0x1a0: {  	v3 =	vld [tilespmem:s1+$0x2270]  }
0x1a1: {  	v4 =	vld [tilespmem:s1+$0x2000]  }
0x1a2: {  	v5 =	vld [tilespmem:s1+$0x2010]  }
0x1a3: {  	v6 =	vld [tilespmem:s1+$0x2020]  }
0x1a4: {  	v7 =	vld [tilespmem:s1+$0x2030]  }
0x1a5: {  	v8 =	vld [tilespmem:s1+$0x2040];
	v3 =	vor.u32 v1, v3  }
0x1a6: {  	v4 =	vor.u32 v1, v4;
	v9 =	vld [tilespmem:s1+$0x2050]  }
0x1a7: {  	v5 =	vor.u32 v1, v5;
	v10 =	vld [tilespmem:s1+$0x2060]  }
0x1a8: {  	v6 =	vor.u32 v1, v6;
	v11 =	vld [tilespmem:s1+$0x2070]  }
0x1a9: {  	v7 =	vor.u32 v1, v7;
	v12 =	vld [tilespmem:s1+$0x2200]  }
0x1aa: {  	v8 =	vor.u32 v1, v8;
	[tilespmem:v3+s25+$0x0] =	vst.idx.add.s32.msk $0xffff, v2  }
0x1ab: {  	v9 =	vor.u32 v1, v9;
	v3 =	vld [tilespmem:s1+$0x2210]  }
0x1ac: {  	v10 =	vor.u32 v1, v10;
	v13 =	vld [tilespmem:s1+$0x2220]  }
0x1ad: {  	v11 =	vor.u32 v1, v11;
	v14 =	vld [tilespmem:s1+$0x2230]  }
0x1ae: {  	v12 =	vor.u32 v1, v12;
	v15 =	vld [tilespmem:s1+$0x2240]  }
0x1af: {  	v16 =	vld [tilespmem:s1+$0x2250]  }
0x1b0: {  	v17 =	vor.u32 v1, v3;
	v3 =	vld [tilespmem:s1+$0x2260]  }
0x1b1: {  	[tilespmem:v4+s25+$0x0] =	vst.idx.add.s32.msk $0xffff, v2;
	v13 =	vor.u32 v1, v13  }
0x1b2: {  	[tilespmem:v5+s25+$0x0] =	vst.idx.add.s32.msk $0xffff, v2;
	v5 =	vor.u32 v1, v14  }
0x1b3: {  	[tilespmem:v6+s25+$0x0] =	vst.idx.add.s32.msk $0xffff, v2;
	v6 =	vor.u32 v1, v15  }
0x1b4: {  	[tilespmem:v7+s25+$0x0] =	vst.idx.add.s32.msk $0xffff, v2;
	v4 =	vor.u32 v1, v16  }
0x1b5: {  	[tilespmem:v8+s25+$0x0] =	vst.idx.add.s32.msk $0xffff, v2;
	v3 =	vor.u32 v1, v3  }
0x1b6: {  	[tilespmem:v9+s25+$0x0] =	vst.idx.add.s32.msk $0xffff, v2  }
0x1b7: {  	[tilespmem:v10+s25+$0x0] =	vst.idx.add.s32.msk $0xffff, v2  }
0x1b8: {  	[tilespmem:v11+s25+$0x0] =	vst.idx.add.s32.msk $0xffff, v2  }
.Ltmp6:
0x1b9: {  	[tilespmem:v12+s25+$0x0] =	vst.idx.add.s32.msk $0xffff, v2;
	(pc) =	sbr.rel @p0 .LBB2_14-.Ltmp6, $4  }
0x1ba: {  	[tilespmem:v17+s25+$0x0] =	vst.idx.add.s32.msk $0xffff, v2  }
0x1bb: {  	[tilespmem:v13+s25+$0x0] =	vst.idx.add.s32.msk $0xffff, v2  }
0x1bc: {  	[tilespmem:v5+s25+$0x0] =	vst.idx.add.s32.msk $0xffff, v2  }
0x1bd: {  	s31 =	sadd.s32 $0x10, s31;
	s0 =	sadd.s32 $0x400, s0;
	[tilespmem:v6+s25+$0x0] =	vst.idx.add.s32.msk $0xffff, v2  }
0x1be: {  	_ =	sdelay $0x3  }
0x1bf: {  	[tilespmem:v4+s25+$0x0] =	vst.idx.add.s32.msk $0xffff, v2  }
0x1c0: {  	[tilespmem:v3+s25+$0x0] =	vst.idx.add.s32.msk $0xffff, v2  }
0x1c1: {  	[tilespmem:s23], [sflag:$0x2] =	stream.strided.gather [hbm4b:s10+s21], $0x2000, s22, s21, $0x38;
	[tilespmem:$0x5000] =	vst v63  }
0x1c2: {  	s0 =	simm.s32 $0x0;
	_ =	swait.ge [sflag:s24], $0x2000  }
0x1c3: {  	s1 =	sand.u32 $0x1C00, s0;
	s0 =	sand.u32 $0x180, s0;
	[sflag:s24] =	ssyncset.done $0x0  }
0x1c4: {  	s0 =	sor.u32 s0, s1;
	[sflag:s24] =	ssyncadd.s32 $0xFFFFE000  }
0x1c5: {  	v3 =	vld [tilespmem:s0+$0x270]  }
0x1c6: {  	v4 =	vld [tilespmem:s0+$0x0]  }
0x1c7: {  	v5 =	vld [tilespmem:s0+$0x10]  }
0x1c8: {  	v6 =	vld [tilespmem:s0+$0x20]  }
0x1c9: {  	v7 =	vld [tilespmem:s0+$0x30]  }
0x1ca: {  	v8 =	vld [tilespmem:s0+$0x40]  }
0x1cb: {  	v9 =	vld [tilespmem:s0+$0x50]  }
0x1cc: {  	v10 =	vld [tilespmem:s0+$0x60]  }
0x1cd: {  	v11 =	vld [tilespmem:s0+$0x70]  }
0x1ce: {  	v12 =	vld [tilespmem:s0+$0x200]  }
0x1cf: {  	v13 =	vld [tilespmem:s0+$0x220];
	v3 =	vor.u32 v1, v3  }
0x1d0: {  	v14 =	vld [tilespmem:s0+$0x230]  }
0x1d1: {  	v15 =	vld [tilespmem:s0+$0x240];
	v4 =	vor.u32 v1, v4  }
0x1d2: {  	v16 =	vld [tilespmem:s0+$0x250];
	v5 =	vor.u32 v1, v5  }
0x1d3: {  	v17 =	vld [tilespmem:s0+$0x260];
	v6 =	vor.u32 v1, v6  }
0x1d4: {  	v7 =	vor.u32 v1, v7;
	[tilespmem:v3+s25+$0x0] =	vst.idx.add.s32.msk $0xffff, v2  }
0x1d5: {  	v8 =	vor.u32 v1, v8;
	v3 =	vld [tilespmem:s0+$0x210]  }
0x1d6: {  	v9 =	vor.u32 v1, v9;
	[tilespmem:v4+s25+$0x0] =	vst.idx.add.s32.msk $0xffff, v2  }
0x1d7: {  	v62 =	vor.u32 v1, v14;
	[tilespmem:v5+s25+$0x0] =	vst.idx.add.s32.msk $0xffff, v2  }
0x1d8: {  	v63 =	vor.u32 v1, v15;
	[tilespmem:v6+s25+$0x0] =	vst.idx.add.s32.msk $0xffff, v2  }
0x1d9: {  	v4 =	vor.u32 v1, v10;
	[tilespmem:v7+s25+$0x0] =	vst.idx.add.s32.msk $0xffff, v2  }
0x1da: {  	[tilespmem:v8+s25+$0x0] =	vst.idx.add.s32.msk $0xffff, v2;
	v3 =	vor.u32 v1, v3  }
0x1db: {  	v5 =	vor.u32 v1, v11;
	[tilespmem:v9+s25+$0x0] =	vst.idx.add.s32.msk $0xffff, v2  }
0x1dc: {  	v6 =	vor.u32 v1, v12;
	[tilespmem:v62+s25+$0x0] =	vst.idx.add.s32.msk $0xffff, v2  }
0x1dd: {  	v7 =	vor.u32 v1, v13;
	[tilespmem:v63+s25+$0x0] =	vst.idx.add.s32.msk $0xffff, v2  }
0x1de: {  	[tilespmem:v4+s25+$0x0] =	vst.idx.add.s32.msk $0xffff, v2;
	v4 =	vor.u32 v1, v16  }
0x1df: {  	[tilespmem:v3+s25+$0x0] =	vst.idx.add.s32.msk $0xffff, v2;
	v3 =	vor.u32 v1, v17  }
0x1e0: {  	[tilespmem:v5+s25+$0x0] =	vst.idx.add.s32.msk $0xffff, v2  }
0x1e1: {  	[tilespmem:v6+s25+$0x0] =	vst.idx.add.s32.msk $0xffff, v2  }
0x1e2: {  	s30 =	simm.s32 $0x0;
	s31 =	simm.s32 $0x10;
	s0 =	simm.s32 $0x400;
	[tilespmem:v7+s25+$0x0] =	vst.idx.add.s32.msk $0xffff, v2  }
.LBB2_16:
0x1e3: {  	s1 =	sand.u32 $0x1C00, s0;
	s28 =	sand.u32 $0x180, s31;
	s30 =	sadd.s32 $0x100, s30;
	[tilespmem:v4+s25+$0x0] =	vst.idx.add.s32.msk $0xffff, v2  }
0x1e4: {  	s1 =	sor.u32 s28, s1;
	p0 =	slt.u32 s30, $0x1F00;
	[tilespmem:v3+s25+$0x0] =	vst.idx.add.s32.msk $0xffff, v2  }
0x1e5: {  	v3 =	vld [tilespmem:s1+$0x270]  }
0x1e6: {  	v4 =	vld [tilespmem:s1+$0x0]  }
0x1e7: {  	v5 =	vld [tilespmem:s1+$0x10]  }
0x1e8: {  	v6 =	vld [tilespmem:s1+$0x20]  }
0x1e9: {  	v7 =	vld [tilespmem:s1+$0x30]  }
0x1ea: {  	v8 =	vld [tilespmem:s1+$0x40];
	v3 =	vor.u32 v1, v3  }
0x1eb: {  	v4 =	vor.u32 v1, v4;
	v9 =	vld [tilespmem:s1+$0x50]  }
0x1ec: {  	v5 =	vor.u32 v1, v5;
	v10 =	vld [tilespmem:s1+$0x60]  }
0x1ed: {  	v6 =	vor.u32 v1, v6;
	v11 =	vld [tilespmem:s1+$0x70]  }
0x1ee: {  	v7 =	vor.u32 v1, v7;
	v12 =	vld [tilespmem:s1+$0x200]  }
0x1ef: {  	v8 =	vor.u32 v1, v8;
	[tilespmem:v3+s25+$0x0] =	vst.idx.add.s32.msk $0xffff, v2  }
0x1f0: {  	v9 =	vor.u32 v1, v9;
	v3 =	vld [tilespmem:s1+$0x210]  }
0x1f1: {  	v10 =	vor.u32 v1, v10;
	v13 =	vld [tilespmem:s1+$0x220]  }
0x1f2: {  	v11 =	vor.u32 v1, v11;
	v14 =	vld [tilespmem:s1+$0x230]  }
0x1f3: {  	v12 =	vor.u32 v1, v12;
	v15 =	vld [tilespmem:s1+$0x240]  }
0x1f4: {  	v16 =	vld [tilespmem:s1+$0x250]  }
0x1f5: {  	v17 =	vor.u32 v1, v3;
	v3 =	vld [tilespmem:s1+$0x260]  }
0x1f6: {  	[tilespmem:v4+s25+$0x0] =	vst.idx.add.s32.msk $0xffff, v2;
	v13 =	vor.u32 v1, v13  }
0x1f7: {  	[tilespmem:v5+s25+$0x0] =	vst.idx.add.s32.msk $0xffff, v2;
	v5 =	vor.u32 v1, v14  }
0x1f8: {  	[tilespmem:v6+s25+$0x0] =	vst.idx.add.s32.msk $0xffff, v2;
	v6 =	vor.u32 v1, v15  }
0x1f9: {  	[tilespmem:v7+s25+$0x0] =	vst.idx.add.s32.msk $0xffff, v2;
	v4 =	vor.u32 v1, v16  }
0x1fa: {  	[tilespmem:v8+s25+$0x0] =	vst.idx.add.s32.msk $0xffff, v2;
	v3 =	vor.u32 v1, v3  }
0x1fb: {  	[tilespmem:v9+s25+$0x0] =	vst.idx.add.s32.msk $0xffff, v2  }
0x1fc: {  	[tilespmem:v10+s25+$0x0] =	vst.idx.add.s32.msk $0xffff, v2  }
0x1fd: {  	[tilespmem:v11+s25+$0x0] =	vst.idx.add.s32.msk $0xffff, v2  }
.Ltmp7:
0x1fe: {  	[tilespmem:v12+s25+$0x0] =	vst.idx.add.s32.msk $0xffff, v2;
	(pc) =	sbr.rel @p0 .LBB2_16-.Ltmp7, $4  }
0x1ff: {  	[tilespmem:v17+s25+$0x0] =	vst.idx.add.s32.msk $0xffff, v2  }
0x200: {  	[tilespmem:v13+s25+$0x0] =	vst.idx.add.s32.msk $0xffff, v2  }
0x201: {  	[tilespmem:v5+s25+$0x0] =	vst.idx.add.s32.msk $0xffff, v2  }
0x202: {  	s31 =	sadd.s32 $0x10, s31;
	s0 =	sadd.s32 $0x400, s0;
	[tilespmem:v6+s25+$0x0] =	vst.idx.add.s32.msk $0xffff, v2  }
0x203: {  	_ =	sdelay $0x3  }
0x204: {  	[tilespmem:v4+s25+$0x0] =	vst.idx.add.s32.msk $0xffff, v2  }
0x205: {  	[tilespmem:v3+s25+$0x0] =	vst.idx.add.s32.msk $0xffff, v2;
	s0 =	simm.s32 $0x0  }
0x206: {  	[tilespmem:s0], [sflag:$0x1] =	stream.strided.gather [hbm4b:s11+s21], $0x2000, s22, s21, $0x38;
	[tilespmem:$0x5000] =	vst v63  }
0x207: {  	_ =	swait.ge [sflag:s26], $0x2000  }
0x208: {  	s1 =	sand.u32 $0x1C00, s0;
	s0 =	sand.u32 $0x180, s0;
	[sflag:s26] =	ssyncset.done $0x0  }
0x209: {  	s0 =	sor.u32 s0, s1;
	[sflag:s26] =	ssyncadd.s32 $0xFFFFE000  }
0x20a: {  	v3 =	vld [tilespmem:s0+$0x2270]  }
0x20b: {  	v4 =	vld [tilespmem:s0+$0x2000]  }
0x20c: {  	v5 =	vld [tilespmem:s0+$0x2010]  }
0x20d: {  	v6 =	vld [tilespmem:s0+$0x2020]  }
0x20e: {  	v7 =	vld [tilespmem:s0+$0x2030]  }
0x20f: {  	v8 =	vld [tilespmem:s0+$0x2040]  }
0x210: {  	v9 =	vld [tilespmem:s0+$0x2050]  }
0x211: {  	v10 =	vld [tilespmem:s0+$0x2060]  }
0x212: {  	v11 =	vld [tilespmem:s0+$0x2070]  }
0x213: {  	v12 =	vld [tilespmem:s0+$0x2200]  }
0x214: {  	v13 =	vld [tilespmem:s0+$0x2220];
	v3 =	vor.u32 v1, v3  }
0x215: {  	v14 =	vld [tilespmem:s0+$0x2230]  }
0x216: {  	v15 =	vld [tilespmem:s0+$0x2240];
	v4 =	vor.u32 v1, v4  }
0x217: {  	v16 =	vld [tilespmem:s0+$0x2250];
	v5 =	vor.u32 v1, v5  }
0x218: {  	v17 =	vld [tilespmem:s0+$0x2260];
	v6 =	vor.u32 v1, v6  }
0x219: {  	v7 =	vor.u32 v1, v7;
	[tilespmem:v3+s25+$0x0] =	vst.idx.add.s32.msk $0xffff, v2  }
0x21a: {  	v8 =	vor.u32 v1, v8;
	v3 =	vld [tilespmem:s0+$0x2210]  }
0x21b: {  	v9 =	vor.u32 v1, v9;
	[tilespmem:v4+s25+$0x0] =	vst.idx.add.s32.msk $0xffff, v2  }
0x21c: {  	v62 =	vor.u32 v1, v14;
	[tilespmem:v5+s25+$0x0] =	vst.idx.add.s32.msk $0xffff, v2  }
0x21d: {  	v63 =	vor.u32 v1, v15;
	[tilespmem:v6+s25+$0x0] =	vst.idx.add.s32.msk $0xffff, v2  }
0x21e: {  	v4 =	vor.u32 v1, v10;
	[tilespmem:v7+s25+$0x0] =	vst.idx.add.s32.msk $0xffff, v2  }
0x21f: {  	[tilespmem:v8+s25+$0x0] =	vst.idx.add.s32.msk $0xffff, v2;
	v3 =	vor.u32 v1, v3  }
0x220: {  	v5 =	vor.u32 v1, v11;
	[tilespmem:v9+s25+$0x0] =	vst.idx.add.s32.msk $0xffff, v2  }
0x221: {  	v6 =	vor.u32 v1, v12;
	[tilespmem:v62+s25+$0x0] =	vst.idx.add.s32.msk $0xffff, v2  }
0x222: {  	v7 =	vor.u32 v1, v13;
	[tilespmem:v63+s25+$0x0] =	vst.idx.add.s32.msk $0xffff, v2  }
0x223: {  	[tilespmem:v4+s25+$0x0] =	vst.idx.add.s32.msk $0xffff, v2;
	v4 =	vor.u32 v1, v16  }
0x224: {  	[tilespmem:v3+s25+$0x0] =	vst.idx.add.s32.msk $0xffff, v2;
	v3 =	vor.u32 v1, v17  }
0x225: {  	[tilespmem:v5+s25+$0x0] =	vst.idx.add.s32.msk $0xffff, v2  }
0x226: {  	[tilespmem:v6+s25+$0x0] =	vst.idx.add.s32.msk $0xffff, v2  }
0x227: {  	s30 =	simm.s32 $0x0;
	s31 =	simm.s32 $0x10;
	s0 =	simm.s32 $0x400;
	[tilespmem:v7+s25+$0x0] =	vst.idx.add.s32.msk $0xffff, v2  }
.LBB2_18:
0x228: {  	s1 =	sand.u32 $0x1C00, s0;
	s28 =	sand.u32 $0x180, s31;
	s30 =	sadd.s32 $0x100, s30;
	[tilespmem:v4+s25+$0x0] =	vst.idx.add.s32.msk $0xffff, v2  }
0x229: {  	s1 =	sor.u32 s28, s1;
	p0 =	slt.u32 s30, $0x1F00;
	[tilespmem:v3+s25+$0x0] =	vst.idx.add.s32.msk $0xffff, v2  }
0x22a: {  	v3 =	vld [tilespmem:s1+$0x2270]  }
0x22b: {  	v4 =	vld [tilespmem:s1+$0x2000]  }
0x22c: {  	v5 =	vld [tilespmem:s1+$0x2010]  }
0x22d: {  	v6 =	vld [tilespmem:s1+$0x2020]  }
0x22e: {  	v7 =	vld [tilespmem:s1+$0x2030]  }
0x22f: {  	v8 =	vld [tilespmem:s1+$0x2040];
	v3 =	vor.u32 v1, v3  }
0x230: {  	v4 =	vor.u32 v1, v4;
	v9 =	vld [tilespmem:s1+$0x2050]  }
0x231: {  	v5 =	vor.u32 v1, v5;
	v10 =	vld [tilespmem:s1+$0x2060]  }
0x232: {  	v6 =	vor.u32 v1, v6;
	v11 =	vld [tilespmem:s1+$0x2070]  }
0x233: {  	v7 =	vor.u32 v1, v7;
	v12 =	vld [tilespmem:s1+$0x2200]  }
0x234: {  	v8 =	vor.u32 v1, v8;
	[tilespmem:v3+s25+$0x0] =	vst.idx.add.s32.msk $0xffff, v2  }
0x235: {  	v9 =	vor.u32 v1, v9;
	v3 =	vld [tilespmem:s1+$0x2210]  }
0x236: {  	v10 =	vor.u32 v1, v10;
	v13 =	vld [tilespmem:s1+$0x2220]  }
0x237: {  	v11 =	vor.u32 v1, v11;
	v14 =	vld [tilespmem:s1+$0x2230]  }
0x238: {  	v12 =	vor.u32 v1, v12;
	v15 =	vld [tilespmem:s1+$0x2240]  }
0x239: {  	v16 =	vld [tilespmem:s1+$0x2250]  }
0x23a: {  	v17 =	vor.u32 v1, v3;
	v3 =	vld [tilespmem:s1+$0x2260]  }
0x23b: {  	[tilespmem:v4+s25+$0x0] =	vst.idx.add.s32.msk $0xffff, v2;
	v13 =	vor.u32 v1, v13  }
0x23c: {  	[tilespmem:v5+s25+$0x0] =	vst.idx.add.s32.msk $0xffff, v2;
	v5 =	vor.u32 v1, v14  }
0x23d: {  	[tilespmem:v6+s25+$0x0] =	vst.idx.add.s32.msk $0xffff, v2;
	v6 =	vor.u32 v1, v15  }
0x23e: {  	[tilespmem:v7+s25+$0x0] =	vst.idx.add.s32.msk $0xffff, v2;
	v4 =	vor.u32 v1, v16  }
0x23f: {  	[tilespmem:v8+s25+$0x0] =	vst.idx.add.s32.msk $0xffff, v2;
	v3 =	vor.u32 v1, v3  }
0x240: {  	[tilespmem:v9+s25+$0x0] =	vst.idx.add.s32.msk $0xffff, v2  }
0x241: {  	[tilespmem:v10+s25+$0x0] =	vst.idx.add.s32.msk $0xffff, v2  }
0x242: {  	[tilespmem:v11+s25+$0x0] =	vst.idx.add.s32.msk $0xffff, v2  }
.Ltmp8:
0x243: {  	[tilespmem:v12+s25+$0x0] =	vst.idx.add.s32.msk $0xffff, v2;
	(pc) =	sbr.rel @p0 .LBB2_18-.Ltmp8, $4  }
0x244: {  	[tilespmem:v17+s25+$0x0] =	vst.idx.add.s32.msk $0xffff, v2  }
0x245: {  	[tilespmem:v13+s25+$0x0] =	vst.idx.add.s32.msk $0xffff, v2  }
0x246: {  	[tilespmem:v5+s25+$0x0] =	vst.idx.add.s32.msk $0xffff, v2  }
0x247: {  	s31 =	sadd.s32 $0x10, s31;
	s0 =	sadd.s32 $0x400, s0;
	[tilespmem:v6+s25+$0x0] =	vst.idx.add.s32.msk $0xffff, v2  }
0x248: {  	_ =	sdelay $0x3  }
0x249: {  	[tilespmem:v4+s25+$0x0] =	vst.idx.add.s32.msk $0xffff, v2  }
0x24a: {  	[tilespmem:v3+s25+$0x0] =	vst.idx.add.s32.msk $0xffff, v2  }
0x24b: {  	[tilespmem:s23], [sflag:$0x2] =	stream.strided.gather [hbm4b:s12+s21], $0x2000, s22, s21, $0x38;
	[tilespmem:$0x5000] =	vst v63  }
0x24c: {  	s0 =	simm.s32 $0x0;
	_ =	swait.ge [sflag:s24], $0x2000  }
0x24d: {  	s1 =	sand.u32 $0x1C00, s0;
	s0 =	sand.u32 $0x180, s0;
	[sflag:s24] =	ssyncset.done $0x0  }
0x24e: {  	s0 =	sor.u32 s0, s1;
	[sflag:s24] =	ssyncadd.s32 $0xFFFFE000  }
0x24f: {  	v3 =	vld [tilespmem:s0+$0x270]  }
0x250: {  	v4 =	vld [tilespmem:s0+$0x0]  }
0x251: {  	v5 =	vld [tilespmem:s0+$0x10]  }
0x252: {  	v6 =	vld [tilespmem:s0+$0x20]  }
0x253: {  	v7 =	vld [tilespmem:s0+$0x30]  }
0x254: {  	v8 =	vld [tilespmem:s0+$0x40]  }
0x255: {  	v9 =	vld [tilespmem:s0+$0x50]  }
0x256: {  	v10 =	vld [tilespmem:s0+$0x60]  }
0x257: {  	v11 =	vld [tilespmem:s0+$0x70]  }
0x258: {  	v12 =	vld [tilespmem:s0+$0x200]  }
0x259: {  	v13 =	vld [tilespmem:s0+$0x220];
	v3 =	vor.u32 v1, v3  }
0x25a: {  	v14 =	vld [tilespmem:s0+$0x230]  }
0x25b: {  	v15 =	vld [tilespmem:s0+$0x240];
	v4 =	vor.u32 v1, v4  }
0x25c: {  	v16 =	vld [tilespmem:s0+$0x250];
	v5 =	vor.u32 v1, v5  }
0x25d: {  	v17 =	vld [tilespmem:s0+$0x260];
	v6 =	vor.u32 v1, v6  }
0x25e: {  	v7 =	vor.u32 v1, v7;
	[tilespmem:v3+s25+$0x0] =	vst.idx.add.s32.msk $0xffff, v2  }
0x25f: {  	v8 =	vor.u32 v1, v8;
	v3 =	vld [tilespmem:s0+$0x210]  }
0x260: {  	v9 =	vor.u32 v1, v9;
	[tilespmem:v4+s25+$0x0] =	vst.idx.add.s32.msk $0xffff, v2  }
0x261: {  	v62 =	vor.u32 v1, v14;
	[tilespmem:v5+s25+$0x0] =	vst.idx.add.s32.msk $0xffff, v2  }
0x262: {  	v63 =	vor.u32 v1, v15;
	[tilespmem:v6+s25+$0x0] =	vst.idx.add.s32.msk $0xffff, v2  }
0x263: {  	v4 =	vor.u32 v1, v10;
	[tilespmem:v7+s25+$0x0] =	vst.idx.add.s32.msk $0xffff, v2  }
0x264: {  	[tilespmem:v8+s25+$0x0] =	vst.idx.add.s32.msk $0xffff, v2;
	v3 =	vor.u32 v1, v3  }
0x265: {  	v5 =	vor.u32 v1, v11;
	[tilespmem:v9+s25+$0x0] =	vst.idx.add.s32.msk $0xffff, v2  }
0x266: {  	v6 =	vor.u32 v1, v12;
	[tilespmem:v62+s25+$0x0] =	vst.idx.add.s32.msk $0xffff, v2  }
0x267: {  	v7 =	vor.u32 v1, v13;
	[tilespmem:v63+s25+$0x0] =	vst.idx.add.s32.msk $0xffff, v2  }
0x268: {  	[tilespmem:v4+s25+$0x0] =	vst.idx.add.s32.msk $0xffff, v2;
	v4 =	vor.u32 v1, v16  }
0x269: {  	[tilespmem:v3+s25+$0x0] =	vst.idx.add.s32.msk $0xffff, v2;
	v3 =	vor.u32 v1, v17  }
0x26a: {  	[tilespmem:v5+s25+$0x0] =	vst.idx.add.s32.msk $0xffff, v2  }
0x26b: {  	[tilespmem:v6+s25+$0x0] =	vst.idx.add.s32.msk $0xffff, v2  }
0x26c: {  	s30 =	simm.s32 $0x0;
	s31 =	simm.s32 $0x10;
	s0 =	simm.s32 $0x400;
	[tilespmem:v7+s25+$0x0] =	vst.idx.add.s32.msk $0xffff, v2  }
.LBB2_20:
0x26d: {  	s1 =	sand.u32 $0x1C00, s0;
	s28 =	sand.u32 $0x180, s31;
	s30 =	sadd.s32 $0x100, s30;
	[tilespmem:v4+s25+$0x0] =	vst.idx.add.s32.msk $0xffff, v2  }
0x26e: {  	s1 =	sor.u32 s28, s1;
	p0 =	slt.u32 s30, $0x1F00;
	[tilespmem:v3+s25+$0x0] =	vst.idx.add.s32.msk $0xffff, v2  }
0x26f: {  	v3 =	vld [tilespmem:s1+$0x270]  }
0x270: {  	v4 =	vld [tilespmem:s1+$0x0]  }
0x271: {  	v5 =	vld [tilespmem:s1+$0x10]  }
0x272: {  	v6 =	vld [tilespmem:s1+$0x20]  }
0x273: {  	v7 =	vld [tilespmem:s1+$0x30]  }
0x274: {  	v8 =	vld [tilespmem:s1+$0x40];
	v3 =	vor.u32 v1, v3  }
0x275: {  	v4 =	vor.u32 v1, v4;
	v9 =	vld [tilespmem:s1+$0x50]  }
0x276: {  	v5 =	vor.u32 v1, v5;
	v10 =	vld [tilespmem:s1+$0x60]  }
0x277: {  	v6 =	vor.u32 v1, v6;
	v11 =	vld [tilespmem:s1+$0x70]  }
0x278: {  	v7 =	vor.u32 v1, v7;
	v12 =	vld [tilespmem:s1+$0x200]  }
0x279: {  	v8 =	vor.u32 v1, v8;
	[tilespmem:v3+s25+$0x0] =	vst.idx.add.s32.msk $0xffff, v2  }
0x27a: {  	v9 =	vor.u32 v1, v9;
	v3 =	vld [tilespmem:s1+$0x210]  }
0x27b: {  	v10 =	vor.u32 v1, v10;
	v13 =	vld [tilespmem:s1+$0x220]  }
0x27c: {  	v11 =	vor.u32 v1, v11;
	v14 =	vld [tilespmem:s1+$0x230]  }
0x27d: {  	v12 =	vor.u32 v1, v12;
	v15 =	vld [tilespmem:s1+$0x240]  }
0x27e: {  	v16 =	vld [tilespmem:s1+$0x250]  }
0x27f: {  	v17 =	vor.u32 v1, v3;
	v3 =	vld [tilespmem:s1+$0x260]  }
0x280: {  	[tilespmem:v4+s25+$0x0] =	vst.idx.add.s32.msk $0xffff, v2;
	v13 =	vor.u32 v1, v13  }
0x281: {  	[tilespmem:v5+s25+$0x0] =	vst.idx.add.s32.msk $0xffff, v2;
	v5 =	vor.u32 v1, v14  }
0x282: {  	[tilespmem:v6+s25+$0x0] =	vst.idx.add.s32.msk $0xffff, v2;
	v6 =	vor.u32 v1, v15  }
0x283: {  	[tilespmem:v7+s25+$0x0] =	vst.idx.add.s32.msk $0xffff, v2;
	v4 =	vor.u32 v1, v16  }
0x284: {  	[tilespmem:v8+s25+$0x0] =	vst.idx.add.s32.msk $0xffff, v2;
	v3 =	vor.u32 v1, v3  }
0x285: {  	[tilespmem:v9+s25+$0x0] =	vst.idx.add.s32.msk $0xffff, v2  }
0x286: {  	[tilespmem:v10+s25+$0x0] =	vst.idx.add.s32.msk $0xffff, v2  }
0x287: {  	[tilespmem:v11+s25+$0x0] =	vst.idx.add.s32.msk $0xffff, v2  }
.Ltmp9:
0x288: {  	[tilespmem:v12+s25+$0x0] =	vst.idx.add.s32.msk $0xffff, v2;
	(pc) =	sbr.rel @p0 .LBB2_20-.Ltmp9, $4  }
0x289: {  	[tilespmem:v17+s25+$0x0] =	vst.idx.add.s32.msk $0xffff, v2  }
0x28a: {  	[tilespmem:v13+s25+$0x0] =	vst.idx.add.s32.msk $0xffff, v2  }
0x28b: {  	[tilespmem:v5+s25+$0x0] =	vst.idx.add.s32.msk $0xffff, v2  }
0x28c: {  	s31 =	sadd.s32 $0x10, s31;
	s0 =	sadd.s32 $0x400, s0;
	[tilespmem:v6+s25+$0x0] =	vst.idx.add.s32.msk $0xffff, v2  }
0x28d: {  	_ =	sdelay $0x3  }
0x28e: {  	[tilespmem:v4+s25+$0x0] =	vst.idx.add.s32.msk $0xffff, v2  }
0x28f: {  	[tilespmem:v3+s25+$0x0] =	vst.idx.add.s32.msk $0xffff, v2;
	s0 =	simm.s32 $0x0  }
0x290: {  	[tilespmem:s0], [sflag:$0x1] =	stream.strided.gather [hbm4b:s13+s21], $0x2000, s22, s21, $0x38;
	[tilespmem:$0x5000] =	vst v63  }
0x291: {  	_ =	swait.ge [sflag:s26], $0x2000  }
0x292: {  	s1 =	sand.u32 $0x1C00, s0;
	s0 =	sand.u32 $0x180, s0;
	[sflag:s26] =	ssyncset.done $0x0  }
0x293: {  	s0 =	sor.u32 s0, s1;
	[sflag:s26] =	ssyncadd.s32 $0xFFFFE000  }
0x294: {  	v3 =	vld [tilespmem:s0+$0x2270]  }
0x295: {  	v4 =	vld [tilespmem:s0+$0x2000]  }
0x296: {  	v5 =	vld [tilespmem:s0+$0x2010]  }
0x297: {  	v6 =	vld [tilespmem:s0+$0x2020]  }
0x298: {  	v7 =	vld [tilespmem:s0+$0x2030]  }
0x299: {  	v8 =	vld [tilespmem:s0+$0x2040]  }
0x29a: {  	v9 =	vld [tilespmem:s0+$0x2050]  }
0x29b: {  	v10 =	vld [tilespmem:s0+$0x2060]  }
0x29c: {  	v11 =	vld [tilespmem:s0+$0x2070]  }
0x29d: {  	v12 =	vld [tilespmem:s0+$0x2200]  }
0x29e: {  	v13 =	vld [tilespmem:s0+$0x2220];
	v3 =	vor.u32 v1, v3  }
0x29f: {  	v14 =	vld [tilespmem:s0+$0x2230]  }
0x2a0: {  	v15 =	vld [tilespmem:s0+$0x2240];
	v4 =	vor.u32 v1, v4  }
0x2a1: {  	v16 =	vld [tilespmem:s0+$0x2250];
	v5 =	vor.u32 v1, v5  }
0x2a2: {  	v17 =	vld [tilespmem:s0+$0x2260];
	v6 =	vor.u32 v1, v6  }
0x2a3: {  	v7 =	vor.u32 v1, v7;
	[tilespmem:v3+s25+$0x0] =	vst.idx.add.s32.msk $0xffff, v2  }
0x2a4: {  	v8 =	vor.u32 v1, v8;
	v3 =	vld [tilespmem:s0+$0x2210]  }
0x2a5: {  	v9 =	vor.u32 v1, v9;
	[tilespmem:v4+s25+$0x0] =	vst.idx.add.s32.msk $0xffff, v2  }
0x2a6: {  	v62 =	vor.u32 v1, v14;
	[tilespmem:v5+s25+$0x0] =	vst.idx.add.s32.msk $0xffff, v2  }
0x2a7: {  	v63 =	vor.u32 v1, v15;
	[tilespmem:v6+s25+$0x0] =	vst.idx.add.s32.msk $0xffff, v2  }
0x2a8: {  	v4 =	vor.u32 v1, v10;
	[tilespmem:v7+s25+$0x0] =	vst.idx.add.s32.msk $0xffff, v2  }
0x2a9: {  	[tilespmem:v8+s25+$0x0] =	vst.idx.add.s32.msk $0xffff, v2;
	v3 =	vor.u32 v1, v3  }
0x2aa: {  	v5 =	vor.u32 v1, v11;
	[tilespmem:v9+s25+$0x0] =	vst.idx.add.s32.msk $0xffff, v2  }
0x2ab: {  	v6 =	vor.u32 v1, v12;
	[tilespmem:v62+s25+$0x0] =	vst.idx.add.s32.msk $0xffff, v2  }
0x2ac: {  	v7 =	vor.u32 v1, v13;
	[tilespmem:v63+s25+$0x0] =	vst.idx.add.s32.msk $0xffff, v2  }
0x2ad: {  	[tilespmem:v4+s25+$0x0] =	vst.idx.add.s32.msk $0xffff, v2;
	v4 =	vor.u32 v1, v16  }
0x2ae: {  	[tilespmem:v3+s25+$0x0] =	vst.idx.add.s32.msk $0xffff, v2;
	v3 =	vor.u32 v1, v17  }
0x2af: {  	[tilespmem:v5+s25+$0x0] =	vst.idx.add.s32.msk $0xffff, v2  }
0x2b0: {  	[tilespmem:v6+s25+$0x0] =	vst.idx.add.s32.msk $0xffff, v2  }
0x2b1: {  	s30 =	simm.s32 $0x0;
	s31 =	simm.s32 $0x10;
	s0 =	simm.s32 $0x400;
	[tilespmem:v7+s25+$0x0] =	vst.idx.add.s32.msk $0xffff, v2  }
.LBB2_22:
0x2b2: {  	s1 =	sand.u32 $0x1C00, s0;
	s28 =	sand.u32 $0x180, s31;
	s30 =	sadd.s32 $0x100, s30;
	[tilespmem:v4+s25+$0x0] =	vst.idx.add.s32.msk $0xffff, v2  }
0x2b3: {  	s1 =	sor.u32 s28, s1;
	p0 =	slt.u32 s30, $0x1F00;
	[tilespmem:v3+s25+$0x0] =	vst.idx.add.s32.msk $0xffff, v2  }
0x2b4: {  	v3 =	vld [tilespmem:s1+$0x2270]  }
0x2b5: {  	v4 =	vld [tilespmem:s1+$0x2000]  }
0x2b6: {  	v5 =	vld [tilespmem:s1+$0x2010]  }
0x2b7: {  	v6 =	vld [tilespmem:s1+$0x2020]  }
0x2b8: {  	v7 =	vld [tilespmem:s1+$0x2030]  }
0x2b9: {  	v8 =	vld [tilespmem:s1+$0x2040];
	v3 =	vor.u32 v1, v3  }
0x2ba: {  	v4 =	vor.u32 v1, v4;
	v9 =	vld [tilespmem:s1+$0x2050]  }
0x2bb: {  	v5 =	vor.u32 v1, v5;
	v10 =	vld [tilespmem:s1+$0x2060]  }
0x2bc: {  	v6 =	vor.u32 v1, v6;
	v11 =	vld [tilespmem:s1+$0x2070]  }
0x2bd: {  	v7 =	vor.u32 v1, v7;
	v12 =	vld [tilespmem:s1+$0x2200]  }
0x2be: {  	v8 =	vor.u32 v1, v8;
	[tilespmem:v3+s25+$0x0] =	vst.idx.add.s32.msk $0xffff, v2  }
0x2bf: {  	v9 =	vor.u32 v1, v9;
	v3 =	vld [tilespmem:s1+$0x2210]  }
0x2c0: {  	v10 =	vor.u32 v1, v10;
	v13 =	vld [tilespmem:s1+$0x2220]  }
0x2c1: {  	v11 =	vor.u32 v1, v11;
	v14 =	vld [tilespmem:s1+$0x2230]  }
0x2c2: {  	v12 =	vor.u32 v1, v12;
	v15 =	vld [tilespmem:s1+$0x2240]  }
0x2c3: {  	v16 =	vld [tilespmem:s1+$0x2250]  }
0x2c4: {  	v17 =	vor.u32 v1, v3;
	v3 =	vld [tilespmem:s1+$0x2260]  }
0x2c5: {  	[tilespmem:v4+s25+$0x0] =	vst.idx.add.s32.msk $0xffff, v2;
	v13 =	vor.u32 v1, v13  }
0x2c6: {  	[tilespmem:v5+s25+$0x0] =	vst.idx.add.s32.msk $0xffff, v2;
	v5 =	vor.u32 v1, v14  }
0x2c7: {  	[tilespmem:v6+s25+$0x0] =	vst.idx.add.s32.msk $0xffff, v2;
	v6 =	vor.u32 v1, v15  }
0x2c8: {  	[tilespmem:v7+s25+$0x0] =	vst.idx.add.s32.msk $0xffff, v2;
	v4 =	vor.u32 v1, v16  }
0x2c9: {  	[tilespmem:v8+s25+$0x0] =	vst.idx.add.s32.msk $0xffff, v2;
	v3 =	vor.u32 v1, v3  }
0x2ca: {  	[tilespmem:v9+s25+$0x0] =	vst.idx.add.s32.msk $0xffff, v2  }
0x2cb: {  	[tilespmem:v10+s25+$0x0] =	vst.idx.add.s32.msk $0xffff, v2  }
0x2cc: {  	[tilespmem:v11+s25+$0x0] =	vst.idx.add.s32.msk $0xffff, v2  }
.Ltmp10:
0x2cd: {  	[tilespmem:v12+s25+$0x0] =	vst.idx.add.s32.msk $0xffff, v2;
	(pc) =	sbr.rel @p0 .LBB2_22-.Ltmp10, $4  }
0x2ce: {  	[tilespmem:v17+s25+$0x0] =	vst.idx.add.s32.msk $0xffff, v2  }
0x2cf: {  	[tilespmem:v13+s25+$0x0] =	vst.idx.add.s32.msk $0xffff, v2  }
0x2d0: {  	[tilespmem:v5+s25+$0x0] =	vst.idx.add.s32.msk $0xffff, v2  }
0x2d1: {  	s31 =	sadd.s32 $0x10, s31;
	s0 =	sadd.s32 $0x400, s0;
	[tilespmem:v6+s25+$0x0] =	vst.idx.add.s32.msk $0xffff, v2  }
0x2d2: {  	_ =	sdelay $0x3  }
0x2d3: {  	[tilespmem:v4+s25+$0x0] =	vst.idx.add.s32.msk $0xffff, v2  }
0x2d4: {  	[tilespmem:v3+s25+$0x0] =	vst.idx.add.s32.msk $0xffff, v2  }
0x2d5: {  	[tilespmem:s23], [sflag:$0x2] =	stream.strided.gather [hbm4b:s14+s21], $0x2000, s22, s21, $0x38;
	[tilespmem:$0x5000] =	vst v63  }
0x2d6: {  	s0 =	simm.s32 $0x0;
	_ =	swait.ge [sflag:s24], $0x2000  }
0x2d7: {  	s1 =	sand.u32 $0x1C00, s0;
	s0 =	sand.u32 $0x180, s0;
	[sflag:s24] =	ssyncset.done $0x0  }
0x2d8: {  	s0 =	sor.u32 s0, s1;
	[sflag:s24] =	ssyncadd.s32 $0xFFFFE000  }
0x2d9: {  	v3 =	vld [tilespmem:s0+$0x270]  }
0x2da: {  	v4 =	vld [tilespmem:s0+$0x0]  }
0x2db: {  	v5 =	vld [tilespmem:s0+$0x10]  }
0x2dc: {  	v6 =	vld [tilespmem:s0+$0x20]  }
0x2dd: {  	v7 =	vld [tilespmem:s0+$0x30]  }
0x2de: {  	v8 =	vld [tilespmem:s0+$0x40]  }
0x2df: {  	v9 =	vld [tilespmem:s0+$0x50]  }
0x2e0: {  	v10 =	vld [tilespmem:s0+$0x60]  }
0x2e1: {  	v11 =	vld [tilespmem:s0+$0x70]  }
0x2e2: {  	v12 =	vld [tilespmem:s0+$0x200]  }
0x2e3: {  	v13 =	vld [tilespmem:s0+$0x220];
	v3 =	vor.u32 v1, v3  }
0x2e4: {  	v14 =	vld [tilespmem:s0+$0x230]  }
0x2e5: {  	v15 =	vld [tilespmem:s0+$0x240];
	v4 =	vor.u32 v1, v4  }
0x2e6: {  	v16 =	vld [tilespmem:s0+$0x250];
	v5 =	vor.u32 v1, v5  }
0x2e7: {  	v17 =	vld [tilespmem:s0+$0x260];
	v6 =	vor.u32 v1, v6  }
0x2e8: {  	v7 =	vor.u32 v1, v7;
	[tilespmem:v3+s25+$0x0] =	vst.idx.add.s32.msk $0xffff, v2  }
0x2e9: {  	v8 =	vor.u32 v1, v8;
	v3 =	vld [tilespmem:s0+$0x210]  }
0x2ea: {  	v9 =	vor.u32 v1, v9;
	[tilespmem:v4+s25+$0x0] =	vst.idx.add.s32.msk $0xffff, v2  }
0x2eb: {  	v62 =	vor.u32 v1, v14;
	[tilespmem:v5+s25+$0x0] =	vst.idx.add.s32.msk $0xffff, v2  }
0x2ec: {  	v63 =	vor.u32 v1, v15;
	[tilespmem:v6+s25+$0x0] =	vst.idx.add.s32.msk $0xffff, v2  }
0x2ed: {  	v4 =	vor.u32 v1, v10;
	[tilespmem:v7+s25+$0x0] =	vst.idx.add.s32.msk $0xffff, v2  }
0x2ee: {  	[tilespmem:v8+s25+$0x0] =	vst.idx.add.s32.msk $0xffff, v2;
	v3 =	vor.u32 v1, v3  }
0x2ef: {  	v5 =	vor.u32 v1, v11;
	[tilespmem:v9+s25+$0x0] =	vst.idx.add.s32.msk $0xffff, v2  }
0x2f0: {  	v6 =	vor.u32 v1, v12;
	[tilespmem:v62+s25+$0x0] =	vst.idx.add.s32.msk $0xffff, v2  }
0x2f1: {  	v7 =	vor.u32 v1, v13;
	[tilespmem:v63+s25+$0x0] =	vst.idx.add.s32.msk $0xffff, v2  }
0x2f2: {  	[tilespmem:v4+s25+$0x0] =	vst.idx.add.s32.msk $0xffff, v2;
	v4 =	vor.u32 v1, v16  }
0x2f3: {  	[tilespmem:v3+s25+$0x0] =	vst.idx.add.s32.msk $0xffff, v2;
	v3 =	vor.u32 v1, v17  }
0x2f4: {  	[tilespmem:v5+s25+$0x0] =	vst.idx.add.s32.msk $0xffff, v2  }
0x2f5: {  	[tilespmem:v6+s25+$0x0] =	vst.idx.add.s32.msk $0xffff, v2  }
0x2f6: {  	s30 =	simm.s32 $0x0;
	s31 =	simm.s32 $0x10;
	s0 =	simm.s32 $0x400;
	[tilespmem:v7+s25+$0x0] =	vst.idx.add.s32.msk $0xffff, v2  }
.LBB2_24:
0x2f7: {  	s1 =	sand.u32 $0x1C00, s0;
	s28 =	sand.u32 $0x180, s31;
	s30 =	sadd.s32 $0x100, s30;
	[tilespmem:v4+s25+$0x0] =	vst.idx.add.s32.msk $0xffff, v2  }
0x2f8: {  	s1 =	sor.u32 s28, s1;
	p0 =	slt.u32 s30, $0x1F00;
	[tilespmem:v3+s25+$0x0] =	vst.idx.add.s32.msk $0xffff, v2  }
0x2f9: {  	v3 =	vld [tilespmem:s1+$0x270]  }
0x2fa: {  	v4 =	vld [tilespmem:s1+$0x0]  }
0x2fb: {  	v5 =	vld [tilespmem:s1+$0x10]  }
0x2fc: {  	v6 =	vld [tilespmem:s1+$0x20]  }
0x2fd: {  	v7 =	vld [tilespmem:s1+$0x30]  }
0x2fe: {  	v8 =	vld [tilespmem:s1+$0x40];
	v3 =	vor.u32 v1, v3  }
0x2ff: {  	v4 =	vor.u32 v1, v4;
	v9 =	vld [tilespmem:s1+$0x50]  }
0x300: {  	v5 =	vor.u32 v1, v5;
	v10 =	vld [tilespmem:s1+$0x60]  }
0x301: {  	v6 =	vor.u32 v1, v6;
	v11 =	vld [tilespmem:s1+$0x70]  }
0x302: {  	v7 =	vor.u32 v1, v7;
	v12 =	vld [tilespmem:s1+$0x200]  }
0x303: {  	v8 =	vor.u32 v1, v8;
	[tilespmem:v3+s25+$0x0] =	vst.idx.add.s32.msk $0xffff, v2  }
0x304: {  	v9 =	vor.u32 v1, v9;
	v3 =	vld [tilespmem:s1+$0x210]  }
0x305: {  	v10 =	vor.u32 v1, v10;
	v13 =	vld [tilespmem:s1+$0x220]  }
0x306: {  	v11 =	vor.u32 v1, v11;
	v14 =	vld [tilespmem:s1+$0x230]  }
0x307: {  	v12 =	vor.u32 v1, v12;
	v15 =	vld [tilespmem:s1+$0x240]  }
0x308: {  	v16 =	vld [tilespmem:s1+$0x250]  }
0x309: {  	v17 =	vor.u32 v1, v3;
	v3 =	vld [tilespmem:s1+$0x260]  }
0x30a: {  	[tilespmem:v4+s25+$0x0] =	vst.idx.add.s32.msk $0xffff, v2;
	v13 =	vor.u32 v1, v13  }
0x30b: {  	[tilespmem:v5+s25+$0x0] =	vst.idx.add.s32.msk $0xffff, v2;
	v5 =	vor.u32 v1, v14  }
0x30c: {  	[tilespmem:v6+s25+$0x0] =	vst.idx.add.s32.msk $0xffff, v2;
	v6 =	vor.u32 v1, v15  }
0x30d: {  	[tilespmem:v7+s25+$0x0] =	vst.idx.add.s32.msk $0xffff, v2;
	v4 =	vor.u32 v1, v16  }
0x30e: {  	[tilespmem:v8+s25+$0x0] =	vst.idx.add.s32.msk $0xffff, v2;
	v3 =	vor.u32 v1, v3  }
0x30f: {  	[tilespmem:v9+s25+$0x0] =	vst.idx.add.s32.msk $0xffff, v2  }
0x310: {  	[tilespmem:v10+s25+$0x0] =	vst.idx.add.s32.msk $0xffff, v2  }
0x311: {  	[tilespmem:v11+s25+$0x0] =	vst.idx.add.s32.msk $0xffff, v2  }
.Ltmp11:
0x312: {  	[tilespmem:v12+s25+$0x0] =	vst.idx.add.s32.msk $0xffff, v2;
	(pc) =	sbr.rel @p0 .LBB2_24-.Ltmp11, $4  }
0x313: {  	[tilespmem:v17+s25+$0x0] =	vst.idx.add.s32.msk $0xffff, v2  }
0x314: {  	[tilespmem:v13+s25+$0x0] =	vst.idx.add.s32.msk $0xffff, v2  }
0x315: {  	[tilespmem:v5+s25+$0x0] =	vst.idx.add.s32.msk $0xffff, v2  }
0x316: {  	s31 =	sadd.s32 $0x10, s31;
	s0 =	sadd.s32 $0x400, s0;
	[tilespmem:v6+s25+$0x0] =	vst.idx.add.s32.msk $0xffff, v2  }
0x317: {  	_ =	sdelay $0x3  }
0x318: {  	[tilespmem:v4+s25+$0x0] =	vst.idx.add.s32.msk $0xffff, v2  }
0x319: {  	[tilespmem:v3+s25+$0x0] =	vst.idx.add.s32.msk $0xffff, v2;
	s0 =	simm.s32 $0x0  }
0x31a: {  	[tilespmem:s0], [sflag:$0x1] =	stream.strided.gather [hbm4b:s15+s21], $0x2000, s22, s21, $0x38;
	[tilespmem:$0x5000] =	vst v63  }
0x31b: {  	_ =	swait.ge [sflag:s26], $0x2000  }
0x31c: {  	s1 =	sand.u32 $0x1C00, s0;
	s0 =	sand.u32 $0x180, s0;
	[sflag:s26] =	ssyncset.done $0x0  }
0x31d: {  	s0 =	sor.u32 s0, s1;
	[sflag:s26] =	ssyncadd.s32 $0xFFFFE000  }
0x31e: {  	v3 =	vld [tilespmem:s0+$0x2270]  }
0x31f: {  	v4 =	vld [tilespmem:s0+$0x2000]  }
0x320: {  	v5 =	vld [tilespmem:s0+$0x2010]  }
0x321: {  	v6 =	vld [tilespmem:s0+$0x2020]  }
0x322: {  	v7 =	vld [tilespmem:s0+$0x2030]  }
0x323: {  	v8 =	vld [tilespmem:s0+$0x2040]  }
0x324: {  	v9 =	vld [tilespmem:s0+$0x2050]  }
0x325: {  	v10 =	vld [tilespmem:s0+$0x2060]  }
0x326: {  	v11 =	vld [tilespmem:s0+$0x2070]  }
0x327: {  	v12 =	vld [tilespmem:s0+$0x2200]  }
0x328: {  	v13 =	vld [tilespmem:s0+$0x2220];
	v3 =	vor.u32 v1, v3  }
0x329: {  	v14 =	vld [tilespmem:s0+$0x2230]  }
0x32a: {  	v15 =	vld [tilespmem:s0+$0x2240];
	v4 =	vor.u32 v1, v4  }
0x32b: {  	v16 =	vld [tilespmem:s0+$0x2250];
	v5 =	vor.u32 v1, v5  }
0x32c: {  	v17 =	vld [tilespmem:s0+$0x2260];
	v6 =	vor.u32 v1, v6  }
0x32d: {  	v7 =	vor.u32 v1, v7;
	[tilespmem:v3+s25+$0x0] =	vst.idx.add.s32.msk $0xffff, v2  }
0x32e: {  	v8 =	vor.u32 v1, v8;
	v3 =	vld [tilespmem:s0+$0x2210]  }
0x32f: {  	v9 =	vor.u32 v1, v9;
	[tilespmem:v4+s25+$0x0] =	vst.idx.add.s32.msk $0xffff, v2  }
0x330: {  	v62 =	vor.u32 v1, v14;
	[tilespmem:v5+s25+$0x0] =	vst.idx.add.s32.msk $0xffff, v2  }
0x331: {  	v63 =	vor.u32 v1, v15;
	[tilespmem:v6+s25+$0x0] =	vst.idx.add.s32.msk $0xffff, v2  }
0x332: {  	v4 =	vor.u32 v1, v10;
	[tilespmem:v7+s25+$0x0] =	vst.idx.add.s32.msk $0xffff, v2  }
0x333: {  	[tilespmem:v8+s25+$0x0] =	vst.idx.add.s32.msk $0xffff, v2;
	v3 =	vor.u32 v1, v3  }
0x334: {  	v5 =	vor.u32 v1, v11;
	[tilespmem:v9+s25+$0x0] =	vst.idx.add.s32.msk $0xffff, v2  }
0x335: {  	v6 =	vor.u32 v1, v12;
	[tilespmem:v62+s25+$0x0] =	vst.idx.add.s32.msk $0xffff, v2  }
0x336: {  	v7 =	vor.u32 v1, v13;
	[tilespmem:v63+s25+$0x0] =	vst.idx.add.s32.msk $0xffff, v2  }
0x337: {  	[tilespmem:v4+s25+$0x0] =	vst.idx.add.s32.msk $0xffff, v2;
	v4 =	vor.u32 v1, v16  }
0x338: {  	[tilespmem:v3+s25+$0x0] =	vst.idx.add.s32.msk $0xffff, v2;
	v3 =	vor.u32 v1, v17  }
0x339: {  	[tilespmem:v5+s25+$0x0] =	vst.idx.add.s32.msk $0xffff, v2  }
0x33a: {  	[tilespmem:v6+s25+$0x0] =	vst.idx.add.s32.msk $0xffff, v2  }
0x33b: {  	s30 =	simm.s32 $0x0;
	s31 =	simm.s32 $0x10;
	s0 =	simm.s32 $0x400;
	[tilespmem:v7+s25+$0x0] =	vst.idx.add.s32.msk $0xffff, v2  }
.LBB2_26:
0x33c: {  	s1 =	sand.u32 $0x1C00, s0;
	s28 =	sand.u32 $0x180, s31;
	s30 =	sadd.s32 $0x100, s30;
	[tilespmem:v4+s25+$0x0] =	vst.idx.add.s32.msk $0xffff, v2  }
0x33d: {  	s1 =	sor.u32 s28, s1;
	p0 =	slt.u32 s30, $0x1F00;
	[tilespmem:v3+s25+$0x0] =	vst.idx.add.s32.msk $0xffff, v2  }
0x33e: {  	v3 =	vld [tilespmem:s1+$0x2270]  }
0x33f: {  	v4 =	vld [tilespmem:s1+$0x2000]  }
0x340: {  	v5 =	vld [tilespmem:s1+$0x2010]  }
0x341: {  	v6 =	vld [tilespmem:s1+$0x2020]  }
0x342: {  	v7 =	vld [tilespmem:s1+$0x2030]  }
0x343: {  	v8 =	vld [tilespmem:s1+$0x2040];
	v3 =	vor.u32 v1, v3  }
0x344: {  	v4 =	vor.u32 v1, v4;
	v9 =	vld [tilespmem:s1+$0x2050]  }
0x345: {  	v5 =	vor.u32 v1, v5;
	v10 =	vld [tilespmem:s1+$0x2060]  }
0x346: {  	v6 =	vor.u32 v1, v6;
	v11 =	vld [tilespmem:s1+$0x2070]  }
0x347: {  	v7 =	vor.u32 v1, v7;
	v12 =	vld [tilespmem:s1+$0x2200]  }
0x348: {  	v8 =	vor.u32 v1, v8;
	[tilespmem:v3+s25+$0x0] =	vst.idx.add.s32.msk $0xffff, v2  }
0x349: {  	v9 =	vor.u32 v1, v9;
	v3 =	vld [tilespmem:s1+$0x2210]  }
0x34a: {  	v10 =	vor.u32 v1, v10;
	v13 =	vld [tilespmem:s1+$0x2220]  }
0x34b: {  	v11 =	vor.u32 v1, v11;
	v14 =	vld [tilespmem:s1+$0x2230]  }
0x34c: {  	v12 =	vor.u32 v1, v12;
	v15 =	vld [tilespmem:s1+$0x2240]  }
0x34d: {  	v16 =	vld [tilespmem:s1+$0x2250]  }
0x34e: {  	v17 =	vor.u32 v1, v3;
	v3 =	vld [tilespmem:s1+$0x2260]  }
0x34f: {  	[tilespmem:v4+s25+$0x0] =	vst.idx.add.s32.msk $0xffff, v2;
	v13 =	vor.u32 v1, v13  }
0x350: {  	[tilespmem:v5+s25+$0x0] =	vst.idx.add.s32.msk $0xffff, v2;
	v5 =	vor.u32 v1, v14  }
0x351: {  	[tilespmem:v6+s25+$0x0] =	vst.idx.add.s32.msk $0xffff, v2;
	v6 =	vor.u32 v1, v15  }
0x352: {  	[tilespmem:v7+s25+$0x0] =	vst.idx.add.s32.msk $0xffff, v2;
	v4 =	vor.u32 v1, v16  }
0x353: {  	[tilespmem:v8+s25+$0x0] =	vst.idx.add.s32.msk $0xffff, v2;
	v3 =	vor.u32 v1, v3  }
0x354: {  	[tilespmem:v9+s25+$0x0] =	vst.idx.add.s32.msk $0xffff, v2  }
0x355: {  	[tilespmem:v10+s25+$0x0] =	vst.idx.add.s32.msk $0xffff, v2  }
0x356: {  	[tilespmem:v11+s25+$0x0] =	vst.idx.add.s32.msk $0xffff, v2  }
.Ltmp12:
0x357: {  	[tilespmem:v12+s25+$0x0] =	vst.idx.add.s32.msk $0xffff, v2;
	(pc) =	sbr.rel @p0 .LBB2_26-.Ltmp12, $4  }
0x358: {  	[tilespmem:v17+s25+$0x0] =	vst.idx.add.s32.msk $0xffff, v2  }
0x359: {  	[tilespmem:v13+s25+$0x0] =	vst.idx.add.s32.msk $0xffff, v2  }
0x35a: {  	[tilespmem:v5+s25+$0x0] =	vst.idx.add.s32.msk $0xffff, v2  }
0x35b: {  	s31 =	sadd.s32 $0x10, s31;
	s0 =	sadd.s32 $0x400, s0;
	[tilespmem:v6+s25+$0x0] =	vst.idx.add.s32.msk $0xffff, v2  }
0x35c: {  	_ =	sdelay $0x3  }
0x35d: {  	[tilespmem:v4+s25+$0x0] =	vst.idx.add.s32.msk $0xffff, v2  }
0x35e: {  	[tilespmem:v3+s25+$0x0] =	vst.idx.add.s32.msk $0xffff, v2  }
0x35f: {  	[tilespmem:s23], [sflag:$0x2] =	stream.strided.gather [hbm4b:s16+s21], $0x2000, s22, s21, $0x38;
	[tilespmem:$0x5000] =	vst v63  }
0x360: {  	s0 =	simm.s32 $0x0;
	_ =	swait.ge [sflag:s24], $0x2000  }
0x361: {  	s1 =	sand.u32 $0x1C00, s0;
	s0 =	sand.u32 $0x180, s0;
	[sflag:s24] =	ssyncset.done $0x0  }
0x362: {  	s0 =	sor.u32 s0, s1;
	[sflag:s24] =	ssyncadd.s32 $0xFFFFE000  }
0x363: {  	v3 =	vld [tilespmem:s0+$0x270]  }
0x364: {  	v4 =	vld [tilespmem:s0+$0x0]  }
0x365: {  	v5 =	vld [tilespmem:s0+$0x10]  }
0x366: {  	v6 =	vld [tilespmem:s0+$0x20]  }
0x367: {  	v7 =	vld [tilespmem:s0+$0x30]  }
0x368: {  	v8 =	vld [tilespmem:s0+$0x40]  }
0x369: {  	v9 =	vld [tilespmem:s0+$0x50]  }
0x36a: {  	v10 =	vld [tilespmem:s0+$0x60]  }
0x36b: {  	v11 =	vld [tilespmem:s0+$0x70]  }
0x36c: {  	v12 =	vld [tilespmem:s0+$0x200]  }
0x36d: {  	v13 =	vld [tilespmem:s0+$0x220];
	v3 =	vor.u32 v1, v3  }
0x36e: {  	v14 =	vld [tilespmem:s0+$0x230]  }
0x36f: {  	v15 =	vld [tilespmem:s0+$0x240];
	v4 =	vor.u32 v1, v4  }
0x370: {  	v16 =	vld [tilespmem:s0+$0x250];
	v5 =	vor.u32 v1, v5  }
0x371: {  	v17 =	vld [tilespmem:s0+$0x260];
	v6 =	vor.u32 v1, v6  }
0x372: {  	v7 =	vor.u32 v1, v7;
	[tilespmem:v3+s25+$0x0] =	vst.idx.add.s32.msk $0xffff, v2  }
0x373: {  	v8 =	vor.u32 v1, v8;
	v3 =	vld [tilespmem:s0+$0x210]  }
0x374: {  	v9 =	vor.u32 v1, v9;
	[tilespmem:v4+s25+$0x0] =	vst.idx.add.s32.msk $0xffff, v2  }
0x375: {  	v62 =	vor.u32 v1, v14;
	[tilespmem:v5+s25+$0x0] =	vst.idx.add.s32.msk $0xffff, v2  }
0x376: {  	v63 =	vor.u32 v1, v15;
	[tilespmem:v6+s25+$0x0] =	vst.idx.add.s32.msk $0xffff, v2  }
0x377: {  	v4 =	vor.u32 v1, v10;
	[tilespmem:v7+s25+$0x0] =	vst.idx.add.s32.msk $0xffff, v2  }
0x378: {  	[tilespmem:v8+s25+$0x0] =	vst.idx.add.s32.msk $0xffff, v2;
	v3 =	vor.u32 v1, v3  }
0x379: {  	v5 =	vor.u32 v1, v11;
	[tilespmem:v9+s25+$0x0] =	vst.idx.add.s32.msk $0xffff, v2  }
0x37a: {  	v6 =	vor.u32 v1, v12;
	[tilespmem:v62+s25+$0x0] =	vst.idx.add.s32.msk $0xffff, v2  }
0x37b: {  	v7 =	vor.u32 v1, v13;
	[tilespmem:v63+s25+$0x0] =	vst.idx.add.s32.msk $0xffff, v2  }
0x37c: {  	[tilespmem:v4+s25+$0x0] =	vst.idx.add.s32.msk $0xffff, v2;
	v4 =	vor.u32 v1, v16  }
0x37d: {  	[tilespmem:v3+s25+$0x0] =	vst.idx.add.s32.msk $0xffff, v2;
	v3 =	vor.u32 v1, v17  }
0x37e: {  	[tilespmem:v5+s25+$0x0] =	vst.idx.add.s32.msk $0xffff, v2  }
0x37f: {  	[tilespmem:v6+s25+$0x0] =	vst.idx.add.s32.msk $0xffff, v2  }
0x380: {  	s30 =	simm.s32 $0x0;
	s31 =	simm.s32 $0x10;
	s0 =	simm.s32 $0x400;
	[tilespmem:v7+s25+$0x0] =	vst.idx.add.s32.msk $0xffff, v2  }
.LBB2_28:
0x381: {  	s1 =	sand.u32 $0x1C00, s0;
	s28 =	sand.u32 $0x180, s31;
	s30 =	sadd.s32 $0x100, s30;
	[tilespmem:v4+s25+$0x0] =	vst.idx.add.s32.msk $0xffff, v2  }
0x382: {  	s1 =	sor.u32 s28, s1;
	p0 =	slt.u32 s30, $0x1F00;
	[tilespmem:v3+s25+$0x0] =	vst.idx.add.s32.msk $0xffff, v2  }
0x383: {  	v3 =	vld [tilespmem:s1+$0x270]  }
0x384: {  	v4 =	vld [tilespmem:s1+$0x0]  }
0x385: {  	v5 =	vld [tilespmem:s1+$0x10]  }
0x386: {  	v6 =	vld [tilespmem:s1+$0x20]  }
0x387: {  	v7 =	vld [tilespmem:s1+$0x30]  }
0x388: {  	v8 =	vld [tilespmem:s1+$0x40];
	v3 =	vor.u32 v1, v3  }
0x389: {  	v4 =	vor.u32 v1, v4;
	v9 =	vld [tilespmem:s1+$0x50]  }
0x38a: {  	v5 =	vor.u32 v1, v5;
	v10 =	vld [tilespmem:s1+$0x60]  }
0x38b: {  	v6 =	vor.u32 v1, v6;
	v11 =	vld [tilespmem:s1+$0x70]  }
0x38c: {  	v7 =	vor.u32 v1, v7;
	v12 =	vld [tilespmem:s1+$0x200]  }
0x38d: {  	v8 =	vor.u32 v1, v8;
	[tilespmem:v3+s25+$0x0] =	vst.idx.add.s32.msk $0xffff, v2  }
0x38e: {  	v9 =	vor.u32 v1, v9;
	v3 =	vld [tilespmem:s1+$0x210]  }
0x38f: {  	v10 =	vor.u32 v1, v10;
	v13 =	vld [tilespmem:s1+$0x220]  }
0x390: {  	v11 =	vor.u32 v1, v11;
	v14 =	vld [tilespmem:s1+$0x230]  }
0x391: {  	v12 =	vor.u32 v1, v12;
	v15 =	vld [tilespmem:s1+$0x240]  }
0x392: {  	v16 =	vld [tilespmem:s1+$0x250]  }
0x393: {  	v17 =	vor.u32 v1, v3;
	v3 =	vld [tilespmem:s1+$0x260]  }
0x394: {  	[tilespmem:v4+s25+$0x0] =	vst.idx.add.s32.msk $0xffff, v2;
	v13 =	vor.u32 v1, v13  }
0x395: {  	[tilespmem:v5+s25+$0x0] =	vst.idx.add.s32.msk $0xffff, v2;
	v5 =	vor.u32 v1, v14  }
0x396: {  	[tilespmem:v6+s25+$0x0] =	vst.idx.add.s32.msk $0xffff, v2;
	v6 =	vor.u32 v1, v15  }
0x397: {  	[tilespmem:v7+s25+$0x0] =	vst.idx.add.s32.msk $0xffff, v2;
	v4 =	vor.u32 v1, v16  }
0x398: {  	[tilespmem:v8+s25+$0x0] =	vst.idx.add.s32.msk $0xffff, v2;
	v3 =	vor.u32 v1, v3  }
0x399: {  	[tilespmem:v9+s25+$0x0] =	vst.idx.add.s32.msk $0xffff, v2  }
0x39a: {  	[tilespmem:v10+s25+$0x0] =	vst.idx.add.s32.msk $0xffff, v2  }
0x39b: {  	[tilespmem:v11+s25+$0x0] =	vst.idx.add.s32.msk $0xffff, v2  }
.Ltmp13:
0x39c: {  	[tilespmem:v12+s25+$0x0] =	vst.idx.add.s32.msk $0xffff, v2;
	(pc) =	sbr.rel @p0 .LBB2_28-.Ltmp13, $4  }
0x39d: {  	[tilespmem:v17+s25+$0x0] =	vst.idx.add.s32.msk $0xffff, v2  }
0x39e: {  	[tilespmem:v13+s25+$0x0] =	vst.idx.add.s32.msk $0xffff, v2  }
0x39f: {  	[tilespmem:v5+s25+$0x0] =	vst.idx.add.s32.msk $0xffff, v2  }
0x3a0: {  	s31 =	sadd.s32 $0x10, s31;
	s0 =	sadd.s32 $0x400, s0;
	[tilespmem:v6+s25+$0x0] =	vst.idx.add.s32.msk $0xffff, v2  }
0x3a1: {  	_ =	sdelay $0x3  }
0x3a2: {  	[tilespmem:v4+s25+$0x0] =	vst.idx.add.s32.msk $0xffff, v2  }
0x3a3: {  	[tilespmem:v3+s25+$0x0] =	vst.idx.add.s32.msk $0xffff, v2;
	s0 =	simm.s32 $0x0  }
0x3a4: {  	[tilespmem:s0], [sflag:$0x1] =	stream.strided.gather [hbm4b:s17+s21], $0x2000, s22, s21, $0x38;
	[tilespmem:$0x5000] =	vst v63  }
0x3a5: {  	_ =	swait.ge [sflag:s26], $0x2000  }
0x3a6: {  	s1 =	sand.u32 $0x1C00, s0;
	s0 =	sand.u32 $0x180, s0;
	[sflag:s26] =	ssyncset.done $0x0  }
0x3a7: {  	s0 =	sor.u32 s0, s1;
	[sflag:s26] =	ssyncadd.s32 $0xFFFFE000  }
0x3a8: {  	v3 =	vld [tilespmem:s0+$0x2270]  }
0x3a9: {  	v4 =	vld [tilespmem:s0+$0x2000]  }
0x3aa: {  	v5 =	vld [tilespmem:s0+$0x2010]  }
0x3ab: {  	v6 =	vld [tilespmem:s0+$0x2020]  }
0x3ac: {  	v7 =	vld [tilespmem:s0+$0x2030]  }
0x3ad: {  	v8 =	vld [tilespmem:s0+$0x2040]  }
0x3ae: {  	v9 =	vld [tilespmem:s0+$0x2050]  }
0x3af: {  	v10 =	vld [tilespmem:s0+$0x2060]  }
0x3b0: {  	v11 =	vld [tilespmem:s0+$0x2070]  }
0x3b1: {  	v12 =	vld [tilespmem:s0+$0x2200]  }
0x3b2: {  	v13 =	vld [tilespmem:s0+$0x2220];
	v3 =	vor.u32 v1, v3  }
0x3b3: {  	v14 =	vld [tilespmem:s0+$0x2230]  }
0x3b4: {  	v15 =	vld [tilespmem:s0+$0x2240];
	v4 =	vor.u32 v1, v4  }
0x3b5: {  	v16 =	vld [tilespmem:s0+$0x2250];
	v5 =	vor.u32 v1, v5  }
0x3b6: {  	v17 =	vld [tilespmem:s0+$0x2260];
	v6 =	vor.u32 v1, v6  }
0x3b7: {  	v7 =	vor.u32 v1, v7;
	[tilespmem:v3+s25+$0x0] =	vst.idx.add.s32.msk $0xffff, v2  }
0x3b8: {  	v8 =	vor.u32 v1, v8;
	v3 =	vld [tilespmem:s0+$0x2210]  }
0x3b9: {  	v9 =	vor.u32 v1, v9;
	[tilespmem:v4+s25+$0x0] =	vst.idx.add.s32.msk $0xffff, v2  }
0x3ba: {  	v62 =	vor.u32 v1, v14;
	[tilespmem:v5+s25+$0x0] =	vst.idx.add.s32.msk $0xffff, v2  }
0x3bb: {  	v63 =	vor.u32 v1, v15;
	[tilespmem:v6+s25+$0x0] =	vst.idx.add.s32.msk $0xffff, v2  }
0x3bc: {  	v4 =	vor.u32 v1, v10;
	[tilespmem:v7+s25+$0x0] =	vst.idx.add.s32.msk $0xffff, v2  }
0x3bd: {  	[tilespmem:v8+s25+$0x0] =	vst.idx.add.s32.msk $0xffff, v2;
	v3 =	vor.u32 v1, v3  }
0x3be: {  	v5 =	vor.u32 v1, v11;
	[tilespmem:v9+s25+$0x0] =	vst.idx.add.s32.msk $0xffff, v2  }
0x3bf: {  	v6 =	vor.u32 v1, v12;
	[tilespmem:v62+s25+$0x0] =	vst.idx.add.s32.msk $0xffff, v2  }
0x3c0: {  	v7 =	vor.u32 v1, v13;
	[tilespmem:v63+s25+$0x0] =	vst.idx.add.s32.msk $0xffff, v2  }
0x3c1: {  	[tilespmem:v4+s25+$0x0] =	vst.idx.add.s32.msk $0xffff, v2;
	v4 =	vor.u32 v1, v16  }
0x3c2: {  	[tilespmem:v3+s25+$0x0] =	vst.idx.add.s32.msk $0xffff, v2;
	v3 =	vor.u32 v1, v17  }
0x3c3: {  	[tilespmem:v5+s25+$0x0] =	vst.idx.add.s32.msk $0xffff, v2  }
0x3c4: {  	[tilespmem:v6+s25+$0x0] =	vst.idx.add.s32.msk $0xffff, v2  }
0x3c5: {  	s30 =	simm.s32 $0x0;
	s31 =	simm.s32 $0x10;
	s0 =	simm.s32 $0x400;
	[tilespmem:v7+s25+$0x0] =	vst.idx.add.s32.msk $0xffff, v2  }
.LBB2_30:
0x3c6: {  	s1 =	sand.u32 $0x1C00, s0;
	s28 =	sand.u32 $0x180, s31;
	s30 =	sadd.s32 $0x100, s30;
	[tilespmem:v4+s25+$0x0] =	vst.idx.add.s32.msk $0xffff, v2  }
0x3c7: {  	s1 =	sor.u32 s28, s1;
	p0 =	slt.u32 s30, $0x1F00;
	[tilespmem:v3+s25+$0x0] =	vst.idx.add.s32.msk $0xffff, v2  }
0x3c8: {  	v3 =	vld [tilespmem:s1+$0x2270]  }
0x3c9: {  	v4 =	vld [tilespmem:s1+$0x2000]  }
0x3ca: {  	v5 =	vld [tilespmem:s1+$0x2010]  }
0x3cb: {  	v6 =	vld [tilespmem:s1+$0x2020]  }
0x3cc: {  	v7 =	vld [tilespmem:s1+$0x2030]  }
0x3cd: {  	v8 =	vld [tilespmem:s1+$0x2040];
	v3 =	vor.u32 v1, v3  }
0x3ce: {  	v4 =	vor.u32 v1, v4;
	v9 =	vld [tilespmem:s1+$0x2050]  }
0x3cf: {  	v5 =	vor.u32 v1, v5;
	v10 =	vld [tilespmem:s1+$0x2060]  }
0x3d0: {  	v6 =	vor.u32 v1, v6;
	v11 =	vld [tilespmem:s1+$0x2070]  }
0x3d1: {  	v7 =	vor.u32 v1, v7;
	v12 =	vld [tilespmem:s1+$0x2200]  }
0x3d2: {  	v8 =	vor.u32 v1, v8;
	[tilespmem:v3+s25+$0x0] =	vst.idx.add.s32.msk $0xffff, v2  }
0x3d3: {  	v9 =	vor.u32 v1, v9;
	v3 =	vld [tilespmem:s1+$0x2210]  }
0x3d4: {  	v10 =	vor.u32 v1, v10;
	v13 =	vld [tilespmem:s1+$0x2220]  }
0x3d5: {  	v11 =	vor.u32 v1, v11;
	v14 =	vld [tilespmem:s1+$0x2230]  }
0x3d6: {  	v12 =	vor.u32 v1, v12;
	v15 =	vld [tilespmem:s1+$0x2240]  }
0x3d7: {  	v16 =	vld [tilespmem:s1+$0x2250]  }
0x3d8: {  	v17 =	vor.u32 v1, v3;
	v3 =	vld [tilespmem:s1+$0x2260]  }
0x3d9: {  	[tilespmem:v4+s25+$0x0] =	vst.idx.add.s32.msk $0xffff, v2;
	v13 =	vor.u32 v1, v13  }
0x3da: {  	[tilespmem:v5+s25+$0x0] =	vst.idx.add.s32.msk $0xffff, v2;
	v5 =	vor.u32 v1, v14  }
0x3db: {  	[tilespmem:v6+s25+$0x0] =	vst.idx.add.s32.msk $0xffff, v2;
	v6 =	vor.u32 v1, v15  }
0x3dc: {  	[tilespmem:v7+s25+$0x0] =	vst.idx.add.s32.msk $0xffff, v2;
	v4 =	vor.u32 v1, v16  }
0x3dd: {  	[tilespmem:v8+s25+$0x0] =	vst.idx.add.s32.msk $0xffff, v2;
	v3 =	vor.u32 v1, v3  }
0x3de: {  	[tilespmem:v9+s25+$0x0] =	vst.idx.add.s32.msk $0xffff, v2  }
0x3df: {  	[tilespmem:v10+s25+$0x0] =	vst.idx.add.s32.msk $0xffff, v2  }
0x3e0: {  	[tilespmem:v11+s25+$0x0] =	vst.idx.add.s32.msk $0xffff, v2  }
.Ltmp14:
0x3e1: {  	[tilespmem:v12+s25+$0x0] =	vst.idx.add.s32.msk $0xffff, v2;
	(pc) =	sbr.rel @p0 .LBB2_30-.Ltmp14, $4  }
0x3e2: {  	[tilespmem:v17+s25+$0x0] =	vst.idx.add.s32.msk $0xffff, v2  }
0x3e3: {  	[tilespmem:v13+s25+$0x0] =	vst.idx.add.s32.msk $0xffff, v2  }
0x3e4: {  	[tilespmem:v5+s25+$0x0] =	vst.idx.add.s32.msk $0xffff, v2  }
0x3e5: {  	s31 =	sadd.s32 $0x10, s31;
	s0 =	sadd.s32 $0x400, s0;
	[tilespmem:v6+s25+$0x0] =	vst.idx.add.s32.msk $0xffff, v2  }
0x3e6: {  	_ =	sdelay $0x3  }
0x3e7: {  	[tilespmem:v4+s25+$0x0] =	vst.idx.add.s32.msk $0xffff, v2  }
0x3e8: {  	[tilespmem:v3+s25+$0x0] =	vst.idx.add.s32.msk $0xffff, v2  }
0x3e9: {  	[tilespmem:s23], [sflag:$0x2] =	stream.strided.gather [hbm4b:s18+s21], $0x2000, s22, s21, $0x38;
	[tilespmem:$0x5000] =	vst v63  }
0x3ea: {  	s0 =	simm.s32 $0x0;
	_ =	swait.ge [sflag:s24], $0x2000  }
0x3eb: {  	s1 =	sand.u32 $0x1C00, s0;
	s0 =	sand.u32 $0x180, s0;
	[sflag:s24] =	ssyncset.done $0x0  }
0x3ec: {  	s0 =	sor.u32 s0, s1;
	[sflag:s24] =	ssyncadd.s32 $0xFFFFE000  }
0x3ed: {  	v3 =	vld [tilespmem:s0+$0x270]  }
0x3ee: {  	v4 =	vld [tilespmem:s0+$0x0]  }
0x3ef: {  	v5 =	vld [tilespmem:s0+$0x10]  }
0x3f0: {  	v6 =	vld [tilespmem:s0+$0x20]  }
0x3f1: {  	v7 =	vld [tilespmem:s0+$0x30]  }
0x3f2: {  	v8 =	vld [tilespmem:s0+$0x40]  }
0x3f3: {  	v9 =	vld [tilespmem:s0+$0x50]  }
0x3f4: {  	v10 =	vld [tilespmem:s0+$0x60]  }
0x3f5: {  	v11 =	vld [tilespmem:s0+$0x70]  }
0x3f6: {  	v12 =	vld [tilespmem:s0+$0x200]  }
0x3f7: {  	v13 =	vld [tilespmem:s0+$0x220];
	v3 =	vor.u32 v1, v3  }
0x3f8: {  	v14 =	vld [tilespmem:s0+$0x230]  }
0x3f9: {  	v15 =	vld [tilespmem:s0+$0x240];
	v4 =	vor.u32 v1, v4  }
0x3fa: {  	v16 =	vld [tilespmem:s0+$0x250];
	v5 =	vor.u32 v1, v5  }
0x3fb: {  	v17 =	vld [tilespmem:s0+$0x260];
	v6 =	vor.u32 v1, v6  }
0x3fc: {  	v7 =	vor.u32 v1, v7;
	[tilespmem:v3+s25+$0x0] =	vst.idx.add.s32.msk $0xffff, v2  }
0x3fd: {  	v8 =	vor.u32 v1, v8;
	v3 =	vld [tilespmem:s0+$0x210]  }
0x3fe: {  	v9 =	vor.u32 v1, v9;
	[tilespmem:v4+s25+$0x0] =	vst.idx.add.s32.msk $0xffff, v2  }
0x3ff: {  	v62 =	vor.u32 v1, v14;
	[tilespmem:v5+s25+$0x0] =	vst.idx.add.s32.msk $0xffff, v2  }
0x400: {  	v63 =	vor.u32 v1, v15;
	[tilespmem:v6+s25+$0x0] =	vst.idx.add.s32.msk $0xffff, v2  }
0x401: {  	v4 =	vor.u32 v1, v10;
	[tilespmem:v7+s25+$0x0] =	vst.idx.add.s32.msk $0xffff, v2  }
0x402: {  	[tilespmem:v8+s25+$0x0] =	vst.idx.add.s32.msk $0xffff, v2;
	v3 =	vor.u32 v1, v3  }
0x403: {  	v5 =	vor.u32 v1, v11;
	[tilespmem:v9+s25+$0x0] =	vst.idx.add.s32.msk $0xffff, v2  }
0x404: {  	v6 =	vor.u32 v1, v12;
	[tilespmem:v62+s25+$0x0] =	vst.idx.add.s32.msk $0xffff, v2  }
0x405: {  	v7 =	vor.u32 v1, v13;
	[tilespmem:v63+s25+$0x0] =	vst.idx.add.s32.msk $0xffff, v2  }
0x406: {  	[tilespmem:v4+s25+$0x0] =	vst.idx.add.s32.msk $0xffff, v2;
	v4 =	vor.u32 v1, v16  }
0x407: {  	[tilespmem:v3+s25+$0x0] =	vst.idx.add.s32.msk $0xffff, v2;
	v3 =	vor.u32 v1, v17  }
0x408: {  	[tilespmem:v5+s25+$0x0] =	vst.idx.add.s32.msk $0xffff, v2  }
0x409: {  	[tilespmem:v6+s25+$0x0] =	vst.idx.add.s32.msk $0xffff, v2  }
0x40a: {  	s30 =	simm.s32 $0x0;
	s31 =	simm.s32 $0x10;
	s0 =	simm.s32 $0x400;
	[tilespmem:v7+s25+$0x0] =	vst.idx.add.s32.msk $0xffff, v2  }
.LBB2_32:
0x40b: {  	s1 =	sand.u32 $0x1C00, s0;
	s28 =	sand.u32 $0x180, s31;
	s30 =	sadd.s32 $0x100, s30;
	[tilespmem:v4+s25+$0x0] =	vst.idx.add.s32.msk $0xffff, v2  }
0x40c: {  	s1 =	sor.u32 s28, s1;
	p0 =	slt.u32 s30, $0x1F00;
	[tilespmem:v3+s25+$0x0] =	vst.idx.add.s32.msk $0xffff, v2  }
0x40d: {  	v3 =	vld [tilespmem:s1+$0x270]  }
0x40e: {  	v4 =	vld [tilespmem:s1+$0x0]  }
0x40f: {  	v5 =	vld [tilespmem:s1+$0x10]  }
0x410: {  	v6 =	vld [tilespmem:s1+$0x20]  }
0x411: {  	v7 =	vld [tilespmem:s1+$0x30]  }
0x412: {  	v8 =	vld [tilespmem:s1+$0x40];
	v3 =	vor.u32 v1, v3  }
0x413: {  	v4 =	vor.u32 v1, v4;
	v9 =	vld [tilespmem:s1+$0x50]  }
0x414: {  	v5 =	vor.u32 v1, v5;
	v10 =	vld [tilespmem:s1+$0x60]  }
0x415: {  	v6 =	vor.u32 v1, v6;
	v11 =	vld [tilespmem:s1+$0x70]  }
0x416: {  	v7 =	vor.u32 v1, v7;
	v12 =	vld [tilespmem:s1+$0x200]  }
0x417: {  	v8 =	vor.u32 v1, v8;
	[tilespmem:v3+s25+$0x0] =	vst.idx.add.s32.msk $0xffff, v2  }
0x418: {  	v9 =	vor.u32 v1, v9;
	v3 =	vld [tilespmem:s1+$0x210]  }
0x419: {  	v10 =	vor.u32 v1, v10;
	v13 =	vld [tilespmem:s1+$0x220]  }
0x41a: {  	v11 =	vor.u32 v1, v11;
	v14 =	vld [tilespmem:s1+$0x230]  }
0x41b: {  	v12 =	vor.u32 v1, v12;
	v15 =	vld [tilespmem:s1+$0x240]  }
0x41c: {  	v16 =	vld [tilespmem:s1+$0x250]  }
0x41d: {  	v17 =	vor.u32 v1, v3;
	v3 =	vld [tilespmem:s1+$0x260]  }
0x41e: {  	[tilespmem:v4+s25+$0x0] =	vst.idx.add.s32.msk $0xffff, v2;
	v13 =	vor.u32 v1, v13  }
0x41f: {  	[tilespmem:v5+s25+$0x0] =	vst.idx.add.s32.msk $0xffff, v2;
	v5 =	vor.u32 v1, v14  }
0x420: {  	[tilespmem:v6+s25+$0x0] =	vst.idx.add.s32.msk $0xffff, v2;
	v6 =	vor.u32 v1, v15  }
0x421: {  	[tilespmem:v7+s25+$0x0] =	vst.idx.add.s32.msk $0xffff, v2;
	v4 =	vor.u32 v1, v16  }
0x422: {  	[tilespmem:v8+s25+$0x0] =	vst.idx.add.s32.msk $0xffff, v2;
	v3 =	vor.u32 v1, v3  }
0x423: {  	[tilespmem:v9+s25+$0x0] =	vst.idx.add.s32.msk $0xffff, v2  }
0x424: {  	[tilespmem:v10+s25+$0x0] =	vst.idx.add.s32.msk $0xffff, v2  }
0x425: {  	[tilespmem:v11+s25+$0x0] =	vst.idx.add.s32.msk $0xffff, v2  }
.Ltmp15:
0x426: {  	[tilespmem:v12+s25+$0x0] =	vst.idx.add.s32.msk $0xffff, v2;
	(pc) =	sbr.rel @p0 .LBB2_32-.Ltmp15, $4  }
0x427: {  	[tilespmem:v17+s25+$0x0] =	vst.idx.add.s32.msk $0xffff, v2  }
0x428: {  	[tilespmem:v13+s25+$0x0] =	vst.idx.add.s32.msk $0xffff, v2  }
0x429: {  	[tilespmem:v5+s25+$0x0] =	vst.idx.add.s32.msk $0xffff, v2  }
0x42a: {  	s31 =	sadd.s32 $0x10, s31;
	s0 =	sadd.s32 $0x400, s0;
	[tilespmem:v6+s25+$0x0] =	vst.idx.add.s32.msk $0xffff, v2  }
0x42b: {  	_ =	sdelay $0x3  }
0x42c: {  	[tilespmem:v4+s25+$0x0] =	vst.idx.add.s32.msk $0xffff, v2  }
0x42d: {  	[tilespmem:v3+s25+$0x0] =	vst.idx.add.s32.msk $0xffff, v2  }
0x42e: {  	s0 =	simm.s32 $0x0;
	_ =	swait.ge [sflag:s26], $0x2000  }
0x42f: {  	s1 =	sand.u32 $0x1C00, s0;
	s0 =	sand.u32 $0x180, s0;
	[sflag:s26] =	ssyncset.done $0x0  }
0x430: {  	s0 =	sor.u32 s0, s1;
	[sflag:s26] =	ssyncadd.s32 $0xFFFFE000  }
0x431: {  	v3 =	vld [tilespmem:s0+$0x2270]  }
0x432: {  	v4 =	vld [tilespmem:s0+$0x2000]  }
0x433: {  	v5 =	vld [tilespmem:s0+$0x2010]  }
0x434: {  	v6 =	vld [tilespmem:s0+$0x2020]  }
0x435: {  	v7 =	vld [tilespmem:s0+$0x2030]  }
0x436: {  	v8 =	vld [tilespmem:s0+$0x2040]  }
0x437: {  	v9 =	vld [tilespmem:s0+$0x2050]  }
0x438: {  	v10 =	vld [tilespmem:s0+$0x2060]  }
0x439: {  	v11 =	vld [tilespmem:s0+$0x2070]  }
0x43a: {  	v12 =	vld [tilespmem:s0+$0x2200]  }
0x43b: {  	v13 =	vld [tilespmem:s0+$0x2220];
	v3 =	vor.u32 v1, v3  }
0x43c: {  	v14 =	vld [tilespmem:s0+$0x2230]  }
0x43d: {  	v15 =	vld [tilespmem:s0+$0x2240];
	v4 =	vor.u32 v1, v4  }
0x43e: {  	v16 =	vld [tilespmem:s0+$0x2250];
	v5 =	vor.u32 v1, v5  }
0x43f: {  	v17 =	vld [tilespmem:s0+$0x2260];
	v6 =	vor.u32 v1, v6  }
0x440: {  	v7 =	vor.u32 v1, v7;
	[tilespmem:v3+s25+$0x0] =	vst.idx.add.s32.msk $0xffff, v2  }
0x441: {  	v8 =	vor.u32 v1, v8;
	v3 =	vld [tilespmem:s0+$0x2210]  }
0x442: {  	v9 =	vor.u32 v1, v9;
	[tilespmem:v4+s25+$0x0] =	vst.idx.add.s32.msk $0xffff, v2  }
0x443: {  	v62 =	vor.u32 v1, v14;
	[tilespmem:v5+s25+$0x0] =	vst.idx.add.s32.msk $0xffff, v2  }
0x444: {  	v63 =	vor.u32 v1, v15;
	[tilespmem:v6+s25+$0x0] =	vst.idx.add.s32.msk $0xffff, v2  }
0x445: {  	v4 =	vor.u32 v1, v10;
	[tilespmem:v7+s25+$0x0] =	vst.idx.add.s32.msk $0xffff, v2  }
0x446: {  	[tilespmem:v8+s25+$0x0] =	vst.idx.add.s32.msk $0xffff, v2;
	v3 =	vor.u32 v1, v3  }
0x447: {  	v5 =	vor.u32 v1, v11;
	[tilespmem:v9+s25+$0x0] =	vst.idx.add.s32.msk $0xffff, v2  }
0x448: {  	v6 =	vor.u32 v1, v12;
	[tilespmem:v62+s25+$0x0] =	vst.idx.add.s32.msk $0xffff, v2  }
0x449: {  	v7 =	vor.u32 v1, v13;
	[tilespmem:v63+s25+$0x0] =	vst.idx.add.s32.msk $0xffff, v2  }
0x44a: {  	[tilespmem:v4+s25+$0x0] =	vst.idx.add.s32.msk $0xffff, v2;
	v4 =	vor.u32 v1, v16  }
0x44b: {  	[tilespmem:v3+s25+$0x0] =	vst.idx.add.s32.msk $0xffff, v2;
	v3 =	vor.u32 v1, v17  }
0x44c: {  	[tilespmem:v5+s25+$0x0] =	vst.idx.add.s32.msk $0xffff, v2  }
0x44d: {  	[tilespmem:v6+s25+$0x0] =	vst.idx.add.s32.msk $0xffff, v2  }
0x44e: {  	s30 =	simm.s32 $0x0;
	s31 =	simm.s32 $0x10;
	s0 =	simm.s32 $0x400;
	[tilespmem:v7+s25+$0x0] =	vst.idx.add.s32.msk $0xffff, v2  }
.LBB2_34:
0x44f: {  	s1 =	sand.u32 $0x1C00, s0;
	s28 =	sand.u32 $0x180, s31;
	s30 =	sadd.s32 $0x100, s30;
	[tilespmem:v4+s25+$0x0] =	vst.idx.add.s32.msk $0xffff, v2  }
0x450: {  	s1 =	sor.u32 s28, s1;
	p0 =	slt.u32 s30, $0x1F00;
	[tilespmem:v3+s25+$0x0] =	vst.idx.add.s32.msk $0xffff, v2  }
0x451: {  	v3 =	vld [tilespmem:s1+$0x2270]  }
0x452: {  	v4 =	vld [tilespmem:s1+$0x2000]  }
0x453: {  	v5 =	vld [tilespmem:s1+$0x2010]  }
0x454: {  	v6 =	vld [tilespmem:s1+$0x2020]  }
0x455: {  	v7 =	vld [tilespmem:s1+$0x2030]  }
0x456: {  	v8 =	vld [tilespmem:s1+$0x2040];
	v3 =	vor.u32 v1, v3  }
0x457: {  	v4 =	vor.u32 v1, v4;
	v9 =	vld [tilespmem:s1+$0x2050]  }
0x458: {  	v5 =	vor.u32 v1, v5;
	v10 =	vld [tilespmem:s1+$0x2060]  }
0x459: {  	v6 =	vor.u32 v1, v6;
	v11 =	vld [tilespmem:s1+$0x2070]  }
0x45a: {  	v7 =	vor.u32 v1, v7;
	v12 =	vld [tilespmem:s1+$0x2200]  }
0x45b: {  	v8 =	vor.u32 v1, v8;
	[tilespmem:v3+s25+$0x0] =	vst.idx.add.s32.msk $0xffff, v2  }
0x45c: {  	v9 =	vor.u32 v1, v9;
	v3 =	vld [tilespmem:s1+$0x2210]  }
0x45d: {  	v10 =	vor.u32 v1, v10;
	v13 =	vld [tilespmem:s1+$0x2220]  }
0x45e: {  	v11 =	vor.u32 v1, v11;
	v14 =	vld [tilespmem:s1+$0x2230]  }
0x45f: {  	v12 =	vor.u32 v1, v12;
	v15 =	vld [tilespmem:s1+$0x2240]  }
0x460: {  	v16 =	vld [tilespmem:s1+$0x2250]  }
0x461: {  	v17 =	vor.u32 v1, v3;
	v3 =	vld [tilespmem:s1+$0x2260]  }
0x462: {  	[tilespmem:v4+s25+$0x0] =	vst.idx.add.s32.msk $0xffff, v2;
	v13 =	vor.u32 v1, v13  }
0x463: {  	[tilespmem:v5+s25+$0x0] =	vst.idx.add.s32.msk $0xffff, v2;
	v5 =	vor.u32 v1, v14  }
0x464: {  	[tilespmem:v6+s25+$0x0] =	vst.idx.add.s32.msk $0xffff, v2;
	v6 =	vor.u32 v1, v15  }
0x465: {  	[tilespmem:v7+s25+$0x0] =	vst.idx.add.s32.msk $0xffff, v2;
	v4 =	vor.u32 v1, v16  }
0x466: {  	[tilespmem:v8+s25+$0x0] =	vst.idx.add.s32.msk $0xffff, v2;
	v3 =	vor.u32 v1, v3  }
0x467: {  	[tilespmem:v9+s25+$0x0] =	vst.idx.add.s32.msk $0xffff, v2  }
0x468: {  	[tilespmem:v10+s25+$0x0] =	vst.idx.add.s32.msk $0xffff, v2  }
0x469: {  	[tilespmem:v11+s25+$0x0] =	vst.idx.add.s32.msk $0xffff, v2  }
.Ltmp16:
0x46a: {  	[tilespmem:v12+s25+$0x0] =	vst.idx.add.s32.msk $0xffff, v2;
	(pc) =	sbr.rel @p0 .LBB2_34-.Ltmp16, $4  }
0x46b: {  	[tilespmem:v17+s25+$0x0] =	vst.idx.add.s32.msk $0xffff, v2  }
0x46c: {  	[tilespmem:v13+s25+$0x0] =	vst.idx.add.s32.msk $0xffff, v2  }
0x46d: {  	[tilespmem:v5+s25+$0x0] =	vst.idx.add.s32.msk $0xffff, v2  }
0x46e: {  	s31 =	sadd.s32 $0x10, s31;
	s0 =	sadd.s32 $0x400, s0;
	[tilespmem:v6+s25+$0x0] =	vst.idx.add.s32.msk $0xffff, v2  }
0x46f: {  	_ =	sdelay $0x2  }
0x470: {  	s2 =	sadd.s32 $0x1, s2  }
0x471: {  	[tilespmem:v4+s25+$0x0] =	vst.idx.add.s32.msk $0xffff, v2;
	p0 =	sne.s32 s2, s20  }
.Ltmp17:
0x472: {  	[tilespmem:v3+s25+$0x0] =	vst.idx.add.s32.msk $0xffff, v2;
	s0 =	simm.s32 $0x80;
	(pc) =	sbr.rel @p0 .LBB2_1-.Ltmp17, $4  }
0x473: {  	[hbm4b:s19+s0] =	stream.strided.scatter [tilespmem:s25], [sflag:$0x3], $0x1000, s22, s0, $0x38;
	[tilespmem:$0x5000] =	vst v63  }
0x474: {  	_ =	swait.ge [sflag:s29], $0x1000  }
0x475: {  	[sflag:s29] =	ssyncset.done $0x0  }
0x476: {  	[sflag:s29] =	ssyncadd.s32 $0xFFFFF000  }
0x477: {  	_ =	sfence.sel $0x180000  }
0x478: {  	[bflag:$0x0] =	sbarrier.arrive $0xFFFF  }
0x479: {  	_ =	strace $0x90000047  }
0x47a: {  	s0 =	stileid.u32;
	[bflag:$0x2] =	sbarrier.arrive $0xFFFF  }
0x47b: {  	p0 =	sne.s32 s0, $0x0;
	s0 =	rddreg [dreg:$0x2]  }
0x47c: {  	s0 =	sadd.s32 @!p0 $0x100000, s0  }
0x47d: {  	[sflag:s0] =	ssyncadd.tile.s32 @!p0 $0x1;
	_ =	shalt  }
.Lfunc_end2:
_tile_overlayer_lowered:
.L_overlay_start_2:
0x47e: {  	(tag) =	ssettag $0x2  }
0x47f: {  	s0 =	rddreg [dreg:$0x0];
	s2 =	stileid.u32  }
0x480: {  	s1 =	rddreg [dreg:$0x1];
	p0 =	sne.s32 s2, $0x0  }
0x481: {  	s3 =	rddreg [dreg:$0x2];
	[bflag:$0x3] =	sbarrier.arrive $0xFFFF;
	s2 =	simm.s32 @!p0 $0x1C03  }
0x482: {  	[timem:s3], [sflag:s2] =	dma.local @!p0 [hbm:s0], s1  }
0x483: {  	s0 =	simm.s32 @!p0 $0x3  }
0x484: {  	_ =	swait.ge @!p0 [sflag:s0], s1  }
0x485: {  	s1 =	ssub.s32 @!p0 $0x0, s1;
	[sflag:s0] =	ssyncset.done @!p0 $0x0  }
0x486: {  	[sflag:s0] =	ssyncadd.s32 @!p0 s1  }
0x487: {  	[bflag:$0x3] =	sbarrier.arrive $0xFFFF  }
0x488: {  	_ =	shalt  }

</sc_bundles>
